<compile_context>
chip_gen: v7x
topology: tpu7x:2x2x1
jax: 0.10.2.dev20260603
libtpu: 0.0.44.dev20260713+nightly
codegen_flags: <defaults>
</compile_context>

<pallas_src>
import functools

import jax
import jax.numpy as jnp
from jax import lax
from jax.experimental import pallas as pl
from jax.experimental.pallas import tpu as pltpu
from jax.experimental.pallas import tpu_sc as plsc

_B = 16384
_NCONT = 13
_NCAT = 26
_VOCAB = 100000
_VFULL = 781 * 128
_TAIL = _VOCAB - _VFULL

_NW = 32
_BH = _B // 2
_W = 4096
_NWIN_U = _VFULL // _W
_WLAST = _VFULL - _NWIN_U * _W
_NLIST = 26
_CAP = 352
_QC = 128

_mesh = plsc.VectorSubcoreMesh(core_axis_name="c", subcore_axis_name="s")


@functools.partial(
    pl.kernel,
    out_type=jax.ShapeDtypeStruct((54, 128, 8, 128), jnp.float32),
    mesh=_mesh,
    scratch_types=[
        pltpu.VMEM((8, _W), jnp.float32),
        pltpu.VMEM((_BH,), jnp.int32),
        pltpu.VMEM((_BH // 128, 8, 128), jnp.float32),
        pltpu.VMEM((_NLIST * _CAP,), jnp.int32),
        pltpu.VMEM((64,), jnp.int32),
        pltpu.VMEM((48,), jnp.int32),
        pltpu.VMEM((_NCAT * 16 * _TAIL,), jnp.float32),
        pltpu.VMEM((_NCONT * _QC,), jnp.float32),
    ],
    compiler_params=pltpu.CompilerParams(
        use_tc_tiling_on_sc=True, needs_layout_passes=False
    ),
)
def _emb_kernel(tbl4, tail, xi, xc, out5, win, idxb, outb, lists, cnts,
                shf, tailb, contb):
    wid = lax.axis_index("s") * 2 + lax.axis_index("c")
    iota = lax.iota(jnp.int32, 16)
    zeros16 = jnp.zeros((16,), jnp.int32)

    pltpu.sync_copy(tail, tailb)

    def serve(vals_idx, pos, msk, j, h, v0, src_win):
        loc = vals_idx - v0
        oc = lax.shift_right_logical(pos, 7)
        ol = lax.bitwise_and(pos, 127)
        for d in range(8):
            if src_win:
                tv = plsc.load_gather(
                    win, [jnp.full((16,), d, jnp.int32), loc], mask=msk)
            else:
                base = (j * 16 + h * 8 + d) * _TAIL
                tv = plsc.load_gather(tailb, [base + loc], mask=msk)
            plsc.store_scatter(outb, [oc, jnp.full((16,), d, jnp.int32), ol],
                               tv, mask=msk)

    def do_emb(su):
        j = su // 4
        h = (su // 2) % 2
        half = su % 2
        pltpu.sync_copy(xi.at[pl.ds(j * _B + half * _BH, _BH)], idxb)

        cnts[pl.ds(0, 16)] = zeros16
        cnts[pl.ds(16, 16)] = zeros16
        cnts[pl.ds(32, 16)] = zeros16
        cnts[pl.ds(48, 16)] = zeros16

        def bloop(k, carry):
            idx = idxb[pl.ds(k * 16, 16)]
            winid = jnp.where(idx >= _VFULL, _NLIST - 1,
                              lax.shift_right_logical(idx, 12))
            packed = lax.bitwise_or(lax.shift_left(k * 16 + iota, 17), idx)
            skey, spay = plsc.sort_key_val(winid, packed)
            shf[pl.ds(0, 16)] = jnp.full((16,), -1, jnp.int32)
            plsc.store_scatter(shf, [1 + iota], skey)
            prev = plsc.load_gather(shf, [iota])
            newrun = (skey != prev).astype(jnp.int32)
            start = plsc.cummax(newrun * iota)
            rank = iota - start
            base = plsc.load_gather(cnts, [skey])
            slot = base + rank
            ok = slot < _CAP
            plsc.store_scatter(lists, [skey * _CAP + jnp.minimum(slot, _CAP - 1)],
                               spay, mask=ok)
            shf[pl.ds(16, 16)] = newrun
            plsc.store_scatter(shf, [jnp.full((16,), 32, jnp.int32)],
                               jnp.ones((16,), jnp.int32))
            islast = plsc.load_gather(shf, [17 + iota]) != 0
            plsc.store_scatter(cnts, [skey], slot + 1, mask=islast)
            return carry

        lax.fori_loop(0, _BH // 16, bloop, 0)

        def serve_list(wlist, j_, h_, v0, src_win):
            cv = plsc.load_gather(cnts, [jnp.full((16,), wlist, jnp.int32)])
            cnt = cv[0]

            def lloop(v, carry):
                packed = lists[pl.ds(wlist * _CAP + v * 16, 16)]
                msk = (v * 16 + iota) < jnp.minimum(cnt, _CAP)
                idx = lax.bitwise_and(packed, 0x1FFFF)
                pos = lax.shift_right_logical(packed, 17)
                serve(idx, pos, msk, j_, h_, v0, src_win)
                return carry

            nv = lax.div(jnp.minimum(cnt, _CAP) + 15, 16)
            lax.fori_loop(0, nv, lloop, 0)

            @pl.when(cnt > _CAP)
            def _():
                def floop(k, carry):
                    idx = idxb[pl.ds(k * 16, 16)]
                    winid = jnp.where(
                        idx >= _VFULL, _NLIST - 1,
                        lax.shift_right_logical(idx, 12))
                    msk = winid == wlist
                    serve(idx, k * 16 + iota, msk, j_, h_, v0, src_win)
                    return carry

                lax.fori_loop(0, _BH // 16, floop, 0)

        def wloop(w, carry):
            v0 = pl.multiple_of(w * _W, _W)
            pltpu.sync_copy(tbl4.at[j, h, :, pl.ds(v0, _W)], win)
            serve_list(w, j, h, v0, True)
            return carry

        lax.fori_loop(0, _NWIN_U, wloop, 0)

        pltpu.sync_copy(tbl4.at[j, h, :, pl.ds(_NWIN_U * _W, _WLAST)],
                        win.at[:, pl.ds(0, _WLAST)])
        serve_list(_NWIN_U, j, h, _NWIN_U * _W, True)

        serve_list(_NLIST - 1, j, h, _VFULL, False)

        s = 2 + 2 * j + h
        pltpu.sync_copy(outb, out5.at[s, pl.ds(half * (_BH // 128), _BH // 128)])

    def do_cont(q):
        pltpu.sync_copy(xc.at[pl.ds(q * _NCONT * _QC, _NCONT * _QC)], contb)
        for s in range(2):
            for c4 in range(_QC // 128):
                for r in range(8):
                    row = s * 8 + r

                    def kloop(k, carry, row=row, c4=c4, r=r):
                        if row < _NCONT:
                            v = contb[pl.ds(row * _QC + c4 * 128 + k * 16, 16)]
                        else:
                            v = jnp.zeros((16,), jnp.float32)
                        outb[c4, r, pl.ds(k * 16, 16)] = v
                        return carry

                    lax.fori_loop(0, 8, kloop, 0)
            pltpu.sync_copy(
                outb.at[pl.ds(0, _QC // 128)],
                out5.at[s, pl.ds(q * (_QC // 128), _QC // 128)])

    n_emb = _NCAT * 2 * 2
    total = n_emb + _B // _QC

    def uloop(u, carry):
        su = u * _NW + wid

        @pl.when(su < n_emb)
        def _():
            do_emb(su)

        @pl.when((su >= n_emb) & (su < total))
        def _():
            do_cont(su - n_emb)

        return carry
    lax.fori_loop(0, (total + _NW - 1) // _NW, uloop, 0)


def kernel(x, tables):
    tbl4 = tables.transpose(0, 2, 1).reshape(_NCAT, 2, 8, _VOCAB)
    tail = tables[:, _VFULL:, :].transpose(0, 2, 1).reshape(-1)
    xi = x[:, _NCONT:].T.reshape(-1)
    xc = (
        x[:, :_NCONT].T.astype(jnp.float32)
        .reshape(_NCONT, _B // _QC, _QC).transpose(1, 0, 2).reshape(-1)
    )
    out5 = _emb_kernel(tbl4, tail, xi, xc)
    o = out5.transpose(0, 2, 1, 3).reshape(432, _B)
    return jnp.concatenate([o[:_NCONT], o[16:]], axis=0).T

# --- scband reference (transcript-rebuilt; emitter-appended) ---
"""Pipeline reference for scband-embedding-generator-26036091748359 (READ-ONLY COPY).

The authoritative reference and input builder live on the scoring server;
editing this copy changes nothing except your own understanding.
"""

import jax, jax.numpy as jnp
import numpy as np

BATCH = 16384
INPUT_DIM = 39
N_CONT = 13
N_CAT = 26
VOCAB = 100000
EMB_DIM = 16

def setup_inputs(seed: int = 0) -> dict:
    key = jax.random.key(seed)
    k1, k2 = jax.random.split(key)
    # x holds integer-coded features; continuous columns are cast to float in forward
    x = jax.random.randint(k1, (BATCH, INPUT_DIM), 0, VOCAB, dtype=jnp.int32)
    # 26 embedding tables, all (VOCAB, EMB_DIM), stacked for convenience
    tables = jax.random.normal(k2, (N_CAT, VOCAB, EMB_DIM), dtype=jnp.float32) * 0.01
    return {"x": x, "tables": tables}

def reference(x, tables):
    # Faithful translation of EmbeddingGenerator.forward:
    # iterate features in order; continuous columns pass through as float,
    # categorical columns go through their embedding table.
    cols = []
    cat_feat_counter = 0
    for feat_init_idx in range(INPUT_DIM):
        if feat_init_idx < N_CONT:
            cols.append(x[:, feat_init_idx].astype(jnp.float32).reshape(-1, 1))
        else:
            idx = x[:, feat_init_idx]
            cols.append(jnp.take(tables[cat_feat_counter], idx, axis=0))
            cat_feat_counter += 1
    post_embeddings = jnp.concatenate(cols, axis=1)
    return post_embeddings

if False:  # reference __main__ guard neutralized (emitter)
    out = reference(**setup_inputs())
    print(out.shape)  # (16384, 13 + 26*16) = (16384, 429)

if __name__ == "__main__":
    import jax
    _d = setup_inputs()
    print(jax.jit(kernel)(*tuple(_d.values())))

</pallas_src>

<mosaic_0001>
#map = affine_map<(d0, d1) -> (0, 0, 0, 0)>
#map1 = affine_map<(d0, d1) -> (0)>
module attributes {stable_mosaic.version = 14 : i64} {
  func.func @_emb_kernel(%arg0: i32, %arg1: i32, %arg2: memref<26x2x8x100000xf32, #tpu.memory_space<hbm>>, %arg3: memref<13312xf32, #tpu.memory_space<hbm>>, %arg4: memref<425984xi32, #tpu.memory_space<hbm>>, %arg5: memref<212992xf32, #tpu.memory_space<hbm>>, %arg6: memref<54x128x8x128xf32, #tpu.memory_space<hbm>>, %arg7: memref<8x4096xf32, #tpu.memory_space<vmem>>, %arg8: memref<8192xi32, #tpu.memory_space<vmem>>, %arg9: memref<64x8x128xf32, #tpu.memory_space<vmem>>, %arg10: memref<9152xi32, #tpu.memory_space<vmem>>, %arg11: memref<64xi32, #tpu.memory_space<vmem>>, %arg12: memref<48xi32, #tpu.memory_space<vmem>>, %arg13: memref<13312xf32, #tpu.memory_space<vmem>>, %arg14: memref<1664xf32, #tpu.memory_space<vmem>>) attributes {dimension_semantics = [#tpu.dimension_semantics<core_parallel>, #tpu.dimension_semantics<subcore_parallel>], iteration_bounds = array<i64: 2, 16>, scalar_prefetch = 0 : i64, scratch_operands = 8 : i64, tpu.core_type = #tpu.core_type<sc_vector_subcore>, window_params = [{transform_indices = #map}, {transform_indices = #map1}, {transform_indices = #map1}, {transform_indices = #map1}, {transform_indices = #map}]} {
    %mul3A = arith.constant 2 : i32
    %mul3A_0 = arith.muli %arg1, %mul3A : i32
    %add3A = arith.addi %mul3A_0, %arg0 : i32
    %iota3A = tpu.iota {dimensions = array<i32: 0>} : vector<16xi32>
    %broadcast_in_dim3A = arith.constant 0 : i32
    %broadcast_in_dim3A_1 = vector.broadcast %broadcast_in_dim3A : i32 to vector<16xi32>
    "tpu.region"() ({
      %run_scoped3A = tpu.sem_alloc : memref<!tpu.dma_semaphore, #tpu.memory_space<semaphore_mem>>
      tpu.enqueue_dma source(%arg3 : memref<13312xf32, #tpu.memory_space<hbm>>) target(%arg13 : memref<13312xf32, #tpu.memory_space<vmem>>) target_semaphore(%run_scoped3A : memref<!tpu.dma_semaphore, #tpu.memory_space<semaphore_mem>>)
      tpu.wait_dma2 semaphore(%run_scoped3A : memref<!tpu.dma_semaphore, #tpu.memory_space<semaphore_mem>>) src(%arg3 : memref<13312xf32, #tpu.memory_space<hbm>>) dst(%arg13 : memref<13312xf32, #tpu.memory_space<vmem>>)
      tpu.yield
    }) : () -> ()
    %scan3A = arith.constant 0 : i32
    %scan3A_2 = arith.constant 0 : i32
    %scan3A_3 = arith.constant 8 : i32
    %scan3A_4 = arith.addi %scan3A_2, %scan3A_3 : i32
    %scan3A_5 = arith.constant 1 : i32
    scf.for %scan3A_7 = %scan3A_2 to %scan3A_4 step %scan3A_5  : i32 {
      %mul3A_8 = arith.constant 32 : i32
      %mul3A_9 = arith.muli %scan3A_7, %mul3A_8 : i32
      %add3A_10 = arith.addi %mul3A_9, %add3A : i32
      %lt3A = arith.constant 104 : i32
      %lt3A_11 = arith.cmpi slt, %add3A_10, %lt3A : i32
      %convert_element_type3A = arith.extui %lt3A_11 : i1 to i32
      %cond3A = arith.constant 0 : i32
      %cond3A_12 = arith.cmpi ne, %convert_element_type3A, %cond3A : i32
      scf.if %cond3A_12 {
        %jit3A = arith.constant 4 : i32
        %div3A = arith.divsi %add3A_10, %jit3A : i32
        %sign3A = arith.constant 0 : i32
        %sign3A_19 = arith.cmpi sgt, %add3A_10, %sign3A : i32
        %sign3A_20 = arith.extui %sign3A_19 : i1 to i32
        %sign3A_21 = arith.constant 0 : i32
        %sign3A_22 = arith.cmpi slt, %add3A_10, %sign3A_21 : i32
        %sign3A_23 = arith.extui %sign3A_22 : i1 to i32
        %sign3A_24 = arith.subi %sign3A_20, %sign3A_23 : i32
        %sign3A_25 = arith.constant 0 : i32
        %sign3A_26 = arith.cmpi sgt, %jit3A, %sign3A_25 : i32
        %sign3A_27 = arith.extui %sign3A_26 : i1 to i32
        %sign3A_28 = arith.constant 0 : i32
        %sign3A_29 = arith.cmpi slt, %jit3A, %sign3A_28 : i32
        %sign3A_30 = arith.extui %sign3A_29 : i1 to i32
        %sign3A_31 = arith.subi %sign3A_27, %sign3A_30 : i32
        %ne3A = arith.cmpi ne, %sign3A_24, %sign3A_31 : i32
        %rem3A = arith.remsi %add3A_10, %jit3A : i32
        %ne3A_32 = arith.constant 0 : i32
        %ne3A_33 = arith.cmpi ne, %rem3A, %ne3A_32 : i32
        %and3A_34 = arith.andi %ne3A, %ne3A_33 : i1
        %sub3A = arith.constant 1 : i32
        %sub3A_35 = arith.subi %div3A, %sub3A : i32
        %select_n3A = arith.select %and3A_34, %sub3A_35, %div3A : i32
        %jit3A_36 = arith.constant 2 : i32
        %div3A_37 = arith.divsi %add3A_10, %jit3A_36 : i32
        %sign3A_38 = arith.constant 0 : i32
        %sign3A_39 = arith.cmpi sgt, %add3A_10, %sign3A_38 : i32
        %sign3A_40 = arith.extui %sign3A_39 : i1 to i32
        %sign3A_41 = arith.constant 0 : i32
        %sign3A_42 = arith.cmpi slt, %add3A_10, %sign3A_41 : i32
        %sign3A_43 = arith.extui %sign3A_42 : i1 to i32
        %sign3A_44 = arith.subi %sign3A_40, %sign3A_43 : i32
        %sign3A_45 = arith.constant 0 : i32
        %sign3A_46 = arith.cmpi sgt, %jit3A_36, %sign3A_45 : i32
        %sign3A_47 = arith.extui %sign3A_46 : i1 to i32
        %sign3A_48 = arith.constant 0 : i32
        %sign3A_49 = arith.cmpi slt, %jit3A_36, %sign3A_48 : i32
        %sign3A_50 = arith.extui %sign3A_49 : i1 to i32
        %sign3A_51 = arith.subi %sign3A_47, %sign3A_50 : i32
        %ne3A_52 = arith.cmpi ne, %sign3A_44, %sign3A_51 : i32
        %rem3A_53 = arith.remsi %add3A_10, %jit3A_36 : i32
        %ne3A_54 = arith.constant 0 : i32
        %ne3A_55 = arith.cmpi ne, %rem3A_53, %ne3A_54 : i32
        %and3A_56 = arith.andi %ne3A_52, %ne3A_55 : i1
        %sub3A_57 = arith.constant 1 : i32
        %sub3A_58 = arith.subi %div3A_37, %sub3A_57 : i32
        %select_n3A_59 = arith.select %and3A_56, %sub3A_58, %div3A_37 : i32
        %jit3A_60 = arith.constant 2 : i32
        %eq3A = arith.constant 0 : i32
        %eq3A_61 = arith.cmpi eq, %jit3A_60, %eq3A : i32
        %jit3A_62 = arith.constant 1 : i32
        %select_n3A_63 = arith.select %eq3A_61, %jit3A_62, %jit3A_60 : i32
        %rem3A_64 = arith.remsi %select_n3A_59, %select_n3A_63 : i32
        %ne3A_65 = arith.constant 0 : i32
        %ne3A_66 = arith.cmpi ne, %rem3A_64, %ne3A_65 : i32
        %lt3A_67 = arith.constant 0 : i32
        %lt3A_68 = arith.cmpi slt, %rem3A_64, %lt3A_67 : i32
        %lt3A_69 = arith.constant 0 : i32
        %lt3A_70 = arith.cmpi slt, %select_n3A_63, %lt3A_69 : i32
        %ne3A_71 = arith.xori %lt3A_68, %lt3A_70 : i1
        %and3A_72 = arith.andi %ne3A_71, %ne3A_66 : i1
        %add3A_73 = arith.addi %rem3A_64, %select_n3A_63 : i32
        %select_n3A_74 = arith.select %and3A_72, %add3A_73, %rem3A_64 : i32
        %jit3A_75 = arith.constant 2 : i32
        %eq3A_76 = arith.constant 0 : i32
        %eq3A_77 = arith.cmpi eq, %jit3A_75, %eq3A_76 : i32
        %jit3A_78 = arith.constant 1 : i32
        %select_n3A_79 = arith.select %eq3A_77, %jit3A_78, %jit3A_75 : i32
        %rem3A_80 = arith.remsi %add3A_10, %select_n3A_79 : i32
        %ne3A_81 = arith.constant 0 : i32
        %ne3A_82 = arith.cmpi ne, %rem3A_80, %ne3A_81 : i32
        %lt3A_83 = arith.constant 0 : i32
        %lt3A_84 = arith.cmpi slt, %rem3A_80, %lt3A_83 : i32
        %lt3A_85 = arith.constant 0 : i32
        %lt3A_86 = arith.cmpi slt, %select_n3A_79, %lt3A_85 : i32
        %ne3A_87 = arith.xori %lt3A_84, %lt3A_86 : i1
        %and3A_88 = arith.andi %ne3A_87, %ne3A_82 : i1
        %add3A_89 = arith.addi %rem3A_80, %select_n3A_79 : i32
        %select_n3A_90 = arith.select %and3A_88, %add3A_89, %rem3A_80 : i32
        %mul3A_91 = arith.constant 16384 : i32
        %mul3A_92 = arith.muli %select_n3A, %mul3A_91 : i32
        %mul3A_93 = arith.constant 8192 : i32
        %mul3A_94 = arith.muli %select_n3A_90, %mul3A_93 : i32
        %add3A_95 = arith.addi %mul3A_92, %mul3A_94 : i32
        "tpu.region"() ({
          %run_scoped3A = tpu.sem_alloc : memref<!tpu.dma_semaphore, #tpu.memory_space<semaphore_mem>>
          %dma_start3A = tpu.memref_slice %arg4[%add3A_95] : memref<425984xi32, #tpu.memory_space<hbm>> -> memref<8192xi32, #tpu.memory_space<hbm>>
          %dma_start3A_168 = tpu.memref_slice %arg4[%add3A_95] : memref<425984xi32, #tpu.memory_space<hbm>> -> memref<8192xi32, #tpu.memory_space<hbm>>
          tpu.enqueue_dma source(%dma_start3A_168 : memref<8192xi32, #tpu.memory_space<hbm>>) target(%arg8 : memref<8192xi32, #tpu.memory_space<vmem>>) target_semaphore(%run_scoped3A : memref<!tpu.dma_semaphore, #tpu.memory_space<semaphore_mem>>)
          %dma_wait3A = tpu.memref_slice %arg4[%add3A_95] : memref<425984xi32, #tpu.memory_space<hbm>> -> memref<8192xi32, #tpu.memory_space<hbm>>
          %dma_wait3A_169 = tpu.memref_slice %arg4[%add3A_95] : memref<425984xi32, #tpu.memory_space<hbm>> -> memref<8192xi32, #tpu.memory_space<hbm>>
          tpu.wait_dma2 semaphore(%run_scoped3A : memref<!tpu.dma_semaphore, #tpu.memory_space<semaphore_mem>>) src(%dma_wait3A_169 : memref<8192xi32, #tpu.memory_space<hbm>>) dst(%arg8 : memref<8192xi32, #tpu.memory_space<vmem>>)
          tpu.yield
        }) : () -> ()
        %swap3A = arith.constant 0 : index
        %swap3A_96 = tpu.vector_load %arg11[%swap3A] {strides = array<i32>} : memref<64xi32, #tpu.memory_space<vmem>>, vector<16xi32>,
        tpu.vector_store %arg11[%swap3A], %broadcast_in_dim3A_1 {strides = array<i32>} : memref<64xi32, #tpu.memory_space<vmem>>, vector<16xi32>,
        %swap3A_97 = arith.constant 16 : index
        %swap3A_98 = tpu.vector_load %arg11[%swap3A_97] {strides = array<i32>} : memref<64xi32, #tpu.memory_space<vmem>>, vector<16xi32>,
        tpu.vector_store %arg11[%swap3A_97], %broadcast_in_dim3A_1 {strides = array<i32>} : memref<64xi32, #tpu.memory_space<vmem>>, vector<16xi32>,
        %swap3A_99 = arith.constant 32 : index
        %swap3A_100 = tpu.vector_load %arg11[%swap3A_99] {strides = array<i32>} : memref<64xi32, #tpu.memory_space<vmem>>, vector<16xi32>,
        tpu.vector_store %arg11[%swap3A_99], %broadcast_in_dim3A_1 {strides = array<i32>} : memref<64xi32, #tpu.memory_space<vmem>>, vector<16xi32>,
        %swap3A_101 = arith.constant 48 : index
        %swap3A_102 = tpu.vector_load %arg11[%swap3A_101] {strides = array<i32>} : memref<64xi32, #tpu.memory_space<vmem>>, vector<16xi32>,
        tpu.vector_store %arg11[%swap3A_101], %broadcast_in_dim3A_1 {strides = array<i32>} : memref<64xi32, #tpu.memory_space<vmem>>, vector<16xi32>,
        %scan3A_103 = arith.constant 0 : i32
        %scan3A_104 = arith.constant 0 : i32
        %scan3A_105 = arith.constant 512 : i32
        %scan3A_106 = arith.addi %scan3A_104, %scan3A_105 : i32
        %scan3A_107 = arith.constant 1 : i32
        scf.for %scan3A_168 = %scan3A_104 to %scan3A_106 step %scan3A_107  : i32 {
          %mul3A_169 = arith.constant 16 : i32
          %mul3A_170 = arith.muli %scan3A_168, %mul3A_169 : i32
          %get3A = arith.index_cast %mul3A_170 : i32 to index
          %get3A_171 = tpu.vector_load %arg8[%get3A] {strides = array<i32>} : memref<8192xi32, #tpu.memory_space<vmem>>, vector<16xi32>,
          %ge3A_172 = arith.constant 99968 : i32
          %ge3A_173 = vector.broadcast %ge3A_172 : i32 to vector<16xi32>
          %ge3A_174 = arith.cmpi sge, %get3A_171, %ge3A_173 : vector<16xi32>
          %shift_right_logical3A = arith.constant 12 : i32
          %shift_right_logical3A_175 = vector.broadcast %shift_right_logical3A : i32 to vector<16xi32>
          %shift_right_logical3A_176 = arith.shrui %get3A_171, %shift_right_logical3A_175 : vector<16xi32>
          %jit3A_177 = arith.constant 25 : i32
          %broadcast_in_dim3A_178 = vector.broadcast %jit3A_177 : i32 to vector<16xi32>
          %select_n3A_179 = arith.select %ge3A_174, %broadcast_in_dim3A_178, %shift_right_logical3A_176 : vector<16xi1>, vector<16xi32>
          %mul3A_180 = arith.constant 16 : i32
          %mul3A_181 = arith.muli %scan3A_168, %mul3A_180 : i32
          %add3A_182 = vector.broadcast %mul3A_181 : i32 to vector<16xi32>
          %add3A_183 = arith.addi %add3A_182, %iota3A : vector<16xi32>
          %shift_left3A = arith.constant 17 : i32
          %shift_left3A_184 = vector.broadcast %shift_left3A : i32 to vector<16xi32>
          %shift_left3A_185 = arith.shli %add3A_183, %shift_left3A_184 : vector<16xi32>
          %or3A = arith.ori %shift_left3A_185, %get3A_171 : vector<16xi32>
          %masked_sort3A = arith.constant dense<true> : vector<16xi1>
          %masked_sort3A_186 = arith.constant -2147483648 : i32
          %masked_sort3A_187 = vector.broadcast %masked_sort3A_186 : i32 to vector<16xi32>
          %masked_sort3A_188 = arith.xori %select_n3A_179, %masked_sort3A_187 : vector<16xi32>
          %masked_sort3A_189, %masked_sort3A_190, %masked_sort3A_191 = tpu.sort %masked_sort3A_188, %or3A masked %masked_sort3A : (vector<16xi32>, vector<16xi32>, vector<16xi1>) -> (vector<16xi1>, vector<16xi32>, vector<16xi32>)
          %masked_sort3A_192 = arith.xori %masked_sort3A_190, %masked_sort3A_187 : vector<16xi32>
          %broadcast_in_dim3A_193 = arith.constant -1 : i32
          %broadcast_in_dim3A_194 = vector.broadcast %broadcast_in_dim3A_193 : i32 to vector<16xi32>
          %swap3A_195 = arith.constant 0 : index
          %swap3A_196 = tpu.vector_load %arg12[%swap3A_195] {strides = array<i32>} : memref<48xi32, #tpu.memory_space<vmem>>, vector<16xi32>,
          tpu.vector_store %arg12[%swap3A_195], %broadcast_in_dim3A_194 {strides = array<i32>} : memref<48xi32, #tpu.memory_space<vmem>>, vector<16xi32>,
          %add3A_197 = arith.constant 1 : i32
          %add3A_198 = vector.broadcast %add3A_197 : i32 to vector<16xi32>
          %add3A_199 = arith.addi %add3A_198, %iota3A : vector<16xi32>
          tpu.vector_store_idx %arg12[%add3A_199], %masked_sort3A_192 : memref<48xi32, #tpu.memory_space<vmem>>[vector<16xi32>], vector<16xi32>,
          %gather3A_200 = tpu.vector_load_idx %arg12[%iota3A] : memref<48xi32, #tpu.memory_space<vmem>>[vector<16xi32>], vector<16xi32>,
          %ne3A_201 = arith.cmpi ne, %masked_sort3A_192, %gather3A_200 : vector<16xi32>
          %convert_element_type3A_202 = arith.extui %ne3A_201 : vector<16xi1> to vector<16xi32>
          %mul3A_203 = arith.muli %convert_element_type3A_202, %iota3A : vector<16xi32>
          %broadcast_in_dim3A_204 = arith.constant true
          %broadcast_in_dim3A_205 = vector.broadcast %broadcast_in_dim3A_204 : i1 to vector<16xi1>
          %masked_cummax3A = arith.constant -2147483648 : i32
          %masked_cummax3A_206 = vector.broadcast %masked_cummax3A : i32 to vector<16xi32>
          %masked_cummax3A_207 = arith.xori %mul3A_203, %masked_cummax3A_206 : vector<16xi32>
          %masked_cummax3A_208 = tpu.scan <max>, %masked_cummax3A_207 masked %broadcast_in_dim3A_205 : vector<16xi32>, vector<16xi1> -> vector<16xi32>
          %masked_cummax3A_209 = arith.xori %masked_cummax3A_208, %masked_cummax3A_206 : vector<16xi32>
          %sub3A_210 = arith.subi %iota3A, %masked_cummax3A_209 : vector<16xi32>
          %gather3A_211 = tpu.vector_load_idx %arg11[%masked_sort3A_192] : memref<64xi32, #tpu.memory_space<vmem>>[vector<16xi32>], vector<16xi32>,
          %add3A_212 = arith.addi %gather3A_211, %sub3A_210 : vector<16xi32>
          %lt3A_213 = arith.constant 352 : i32
          %lt3A_214 = vector.broadcast %lt3A_213 : i32 to vector<16xi32>
          %lt3A_215 = arith.cmpi slt, %add3A_212, %lt3A_214 : vector<16xi32>
          %mul3A_216 = arith.constant 352 : i32
          %mul3A_217 = vector.broadcast %mul3A_216 : i32 to vector<16xi32>
          %mul3A_218 = arith.muli %masked_sort3A_192, %mul3A_217 : vector<16xi32>
          %min3A_219 = arith.constant 351 : i32
          %min3A_220 = vector.broadcast %min3A_219 : i32 to vector<16xi32>
          %min3A_221 = arith.minsi %add3A_212, %min3A_220 : vector<16xi32>
          %add3A_222 = arith.addi %mul3A_218, %min3A_221 : vector<16xi32>
          tpu.vector_store_idx %arg10[%add3A_222], %masked_sort3A_191 masked %lt3A_215 : memref<9152xi32, #tpu.memory_space<vmem>>[vector<16xi32>], vector<16xi32>, vector<16xi1>
          %swap3A_223 = arith.constant 16 : index
          %swap3A_224 = tpu.vector_load %arg12[%swap3A_223] {strides = array<i32>} : memref<48xi32, #tpu.memory_space<vmem>>, vector<16xi32>,
          tpu.vector_store %arg12[%swap3A_223], %convert_element_type3A_202 {strides = array<i32>} : memref<48xi32, #tpu.memory_space<vmem>>, vector<16xi32>,
          %broadcast_in_dim3A_225 = arith.constant 32 : i32
          %broadcast_in_dim3A_226 = vector.broadcast %broadcast_in_dim3A_225 : i32 to vector<16xi32>
          %broadcast_in_dim3A_227 = arith.constant 1 : i32
          %broadcast_in_dim3A_228 = vector.broadcast %broadcast_in_dim3A_227 : i32 to vector<16xi32>
          tpu.vector_store_idx %arg12[%broadcast_in_dim3A_226], %broadcast_in_dim3A_228 : memref<48xi32, #tpu.memory_space<vmem>>[vector<16xi32>], vector<16xi32>,
          %add3A_229 = arith.constant 17 : i32
          %add3A_230 = vector.broadcast %add3A_229 : i32 to vector<16xi32>
          %add3A_231 = arith.addi %add3A_230, %iota3A : vector<16xi32>
          %gather3A_232 = tpu.vector_load_idx %arg12[%add3A_231] : memref<48xi32, #tpu.memory_space<vmem>>[vector<16xi32>], vector<16xi32>,
          %ne3A_233 = arith.constant 0 : i32
          %ne3A_234 = vector.broadcast %ne3A_233 : i32 to vector<16xi32>
          %ne3A_235 = arith.cmpi ne, %gather3A_232, %ne3A_234 : vector<16xi32>
          %add3A_236 = arith.constant 1 : i32
          %add3A_237 = vector.broadcast %add3A_236 : i32 to vector<16xi32>
          %add3A_238 = arith.addi %add3A_212, %add3A_237 : vector<16xi32>
          tpu.vector_store_idx %arg11[%masked_sort3A_192], %add3A_238 masked %ne3A_235 : memref<64xi32, #tpu.memory_space<vmem>>[vector<16xi32>], vector<16xi32>, vector<16xi1>
        }
        %scan3A_108 = arith.constant 512 : i32
        %scan3A_109 = arith.constant 0 : i32
        %scan3A_110 = arith.constant 0 : i32
        %scan3A_111 = arith.constant 24 : i32
        %scan3A_112 = arith.addi %scan3A_110, %scan3A_111 : i32
        %scan3A_113 = arith.constant 1 : i32
        scf.for %scan3A_168 = %scan3A_110 to %scan3A_112 step %scan3A_113  : i32 {
          %mul3A_169 = arith.constant 4096 : i32
          %mul3A_170 = arith.muli %scan3A_168, %mul3A_169 : i32
          %multiple_of3A = tpu.assume_multiple %mul3A_170, 4096 : i32
          "tpu.region"() ({
            %run_scoped3A = tpu.sem_alloc : memref<!tpu.dma_semaphore, #tpu.memory_space<semaphore_mem>>
            %dma_start3A = arith.constant 0 : i32
            %dma_start3A_196 = tpu.memref_slice %arg2[%select_n3A, %select_n3A_74, %dma_start3A, %multiple_of3A] : memref<26x2x8x100000xf32, #tpu.memory_space<hbm>> -> memref<1x1x8x4096xf32, #tpu.memory_space<hbm>>
            %dma_start3A_197 = tpu.memref_squeeze %dma_start3A_196 : memref<1x1x8x4096xf32, #tpu.memory_space<hbm>> -> memref<8x4096xf32, #tpu.memory_space<hbm>>
            %dma_start3A_198 = arith.constant 0 : i32
            %dma_start3A_199 = tpu.memref_slice %arg2[%select_n3A, %select_n3A_74, %dma_start3A_198, %multiple_of3A] : memref<26x2x8x100000xf32, #tpu.memory_space<hbm>> -> memref<1x1x8x4096xf32, #tpu.memory_space<hbm>>
            %dma_start3A_200 = tpu.memref_squeeze %dma_start3A_199 : memref<1x1x8x4096xf32, #tpu.memory_space<hbm>> -> memref<8x4096xf32, #tpu.memory_space<hbm>>
            tpu.enqueue_dma source(%dma_start3A_200 : memref<8x4096xf32, #tpu.memory_space<hbm>>) target(%arg7 : memref<8x4096xf32, #tpu.memory_space<vmem>>) target_semaphore(%run_scoped3A : memref<!tpu.dma_semaphore, #tpu.memory_space<semaphore_mem>>)
            %dma_wait3A = arith.constant 0 : i32
            %dma_wait3A_201 = tpu.memref_slice %arg2[%select_n3A, %select_n3A_74, %dma_wait3A, %multiple_of3A] : memref<26x2x8x100000xf32, #tpu.memory_space<hbm>> -> memref<1x1x8x4096xf32, #tpu.memory_space<hbm>>
            %dma_wait3A_202 = tpu.memref_squeeze %dma_wait3A_201 : memref<1x1x8x4096xf32, #tpu.memory_space<hbm>> -> memref<8x4096xf32, #tpu.memory_space<hbm>>
            %dma_wait3A_203 = arith.constant 0 : i32
            %dma_wait3A_204 = tpu.memref_slice %arg2[%select_n3A, %select_n3A_74, %dma_wait3A_203, %multiple_of3A] : memref<26x2x8x100000xf32, #tpu.memory_space<hbm>> -> memref<1x1x8x4096xf32, #tpu.memory_space<hbm>>
            %dma_wait3A_205 = tpu.memref_squeeze %dma_wait3A_204 : memref<1x1x8x4096xf32, #tpu.memory_space<hbm>> -> memref<8x4096xf32, #tpu.memory_space<hbm>>
            tpu.wait_dma2 semaphore(%run_scoped3A : memref<!tpu.dma_semaphore, #tpu.memory_space<semaphore_mem>>) src(%dma_wait3A_205 : memref<8x4096xf32, #tpu.memory_space<hbm>>) dst(%arg7 : memref<8x4096xf32, #tpu.memory_space<vmem>>)
            tpu.yield
          }) : () -> ()
          %broadcast_in_dim3A_171 = vector.broadcast %scan3A_168 : i32 to vector<16xi32>
          %gather3A_172 = tpu.vector_load_idx %arg11[%broadcast_in_dim3A_171] : memref<64xi32, #tpu.memory_space<vmem>>[vector<16xi32>], vector<16xi32>,
          %slice3A_173 = vector.extract_strided_slice %gather3A_172 {offsets = [0], sizes = [1], strides = [1]} : vector<16xi32> to vector<1xi32>
          %squeeze3A_174 = vector.extract %slice3A_173[0] : i32 from vector<1xi32>
          %min3A_175 = arith.constant 352 : i32
          %min3A_176 = arith.minsi %squeeze3A_174, %min3A_175 : i32
          %add3A_177 = arith.constant 15 : i32
          %add3A_178 = arith.addi %min3A_176, %add3A_177 : i32
          %div3A_179 = arith.constant 16 : i32
          %div3A_180 = arith.divsi %add3A_178, %div3A_179 : i32
          %while3A_181 = arith.constant 0 : i32
          %while3A_182 = arith.constant 0 : i32
          %while3A_183 = arith.subi %div3A_180, %while3A_182 : i32
          %while3A_184 = arith.addi %while3A_182, %while3A_183 : i32
          %while3A_185 = arith.constant 1 : i32
          %while3A_186 = arith.divsi %while3A_183, %while3A_185 : i32
          %while3A_187 = arith.muli %while3A_186, %while3A_185 : i32
          %while3A_188 = arith.addi %while3A_182, %while3A_187 : i32
          %while3A_189 = arith.constant 1 : i32
          scf.for %while3A_196 = %while3A_182 to %while3A_188 step %while3A_189  : i32 {
            %mul3A_197 = arith.constant 352 : i32
            %mul3A_198 = arith.muli %scan3A_168, %mul3A_197 : i32
            %mul3A_199 = arith.constant 16 : i32
            %mul3A_200 = arith.muli %while3A_196, %mul3A_199 : i32
            %add3A_201 = arith.addi %mul3A_198, %mul3A_200 : i32
            %get3A = arith.index_cast %add3A_201 : i32 to index
            %get3A_202 = tpu.vector_load %arg10[%get3A] {strides = array<i32>} : memref<9152xi32, #tpu.memory_space<vmem>>, vector<16xi32>,
            %mul3A_203 = arith.constant 16 : i32
            %mul3A_204 = arith.muli %while3A_196, %mul3A_203 : i32
            %add3A_205 = vector.broadcast %mul3A_204 : i32 to vector<16xi32>
            %add3A_206 = arith.addi %add3A_205, %iota3A : vector<16xi32>
            %min3A_207 = arith.constant 352 : i32
            %min3A_208 = arith.minsi %squeeze3A_174, %min3A_207 : i32
            %lt3A_209 = vector.broadcast %min3A_208 : i32 to vector<16xi32>
            %lt3A_210 = arith.cmpi slt, %add3A_206, %lt3A_209 : vector<16xi32>
            %and3A_211 = arith.constant 131071 : i32
            %and3A_212 = vector.broadcast %and3A_211 : i32 to vector<16xi32>
            %and3A_213 = arith.andi %get3A_202, %and3A_212 : vector<16xi32>
            %shift_right_logical3A = arith.constant 17 : i32
            %shift_right_logical3A_214 = vector.broadcast %shift_right_logical3A : i32 to vector<16xi32>
            %shift_right_logical3A_215 = arith.shrui %get3A_202, %shift_right_logical3A_214 : vector<16xi32>
            %sub3A_216 = vector.broadcast %multiple_of3A : i32 to vector<16xi32>
            %sub3A_217 = arith.subi %and3A_213, %sub3A_216 : vector<16xi32>
            %shift_right_logical3A_218 = arith.constant 7 : i32
            %shift_right_logical3A_219 = vector.broadcast %shift_right_logical3A_218 : i32 to vector<16xi32>
            %shift_right_logical3A_220 = arith.shrui %shift_right_logical3A_215, %shift_right_logical3A_219 : vector<16xi32>
            %and3A_221 = arith.constant 127 : i32
            %and3A_222 = vector.broadcast %and3A_221 : i32 to vector<16xi32>
            %and3A_223 = arith.andi %shift_right_logical3A_215, %and3A_222 : vector<16xi32>
            %broadcast_in_dim3A_224 = arith.constant 0 : i32
            %broadcast_in_dim3A_225 = vector.broadcast %broadcast_in_dim3A_224 : i32 to vector<16xi32>
            %gather3A_226 = tpu.vector_load_idx %arg7[%broadcast_in_dim3A_225, %sub3A_217] masked %lt3A_210 : memref<8x4096xf32, #tpu.memory_space<vmem>>[vector<16xi32>, vector<16xi32>], vector<16xf32>, vector<16xi1>
            %broadcast_in_dim3A_227 = arith.constant 0 : i32
            %broadcast_in_dim3A_228 = vector.broadcast %broadcast_in_dim3A_227 : i32 to vector<16xi32>
            tpu.vector_store_idx %arg9[%shift_right_logical3A_220, %broadcast_in_dim3A_228, %and3A_223], %gather3A_226 masked %lt3A_210 : memref<64x8x128xf32, #tpu.memory_space<vmem>>[vector<16xi32>, vector<16xi32>, vector<16xi32>], vector<16xf32>, vector<16xi1>
            %broadcast_in_dim3A_229 = arith.constant 1 : i32
            %broadcast_in_dim3A_230 = vector.broadcast %broadcast_in_dim3A_229 : i32 to vector<16xi32>
            %gather3A_231 = tpu.vector_load_idx %arg7[%broadcast_in_dim3A_230, %sub3A_217] masked %lt3A_210 : memref<8x4096xf32, #tpu.memory_space<vmem>>[vector<16xi32>, vector<16xi32>], vector<16xf32>, vector<16xi1>
            %broadcast_in_dim3A_232 = arith.constant 1 : i32
            %broadcast_in_dim3A_233 = vector.broadcast %broadcast_in_dim3A_232 : i32 to vector<16xi32>
            tpu.vector_store_idx %arg9[%shift_right_logical3A_220, %broadcast_in_dim3A_233, %and3A_223], %gather3A_231 masked %lt3A_210 : memref<64x8x128xf32, #tpu.memory_space<vmem>>[vector<16xi32>, vector<16xi32>, vector<16xi32>], vector<16xf32>, vector<16xi1>
            %broadcast_in_dim3A_234 = arith.constant 2 : i32
            %broadcast_in_dim3A_235 = vector.broadcast %broadcast_in_dim3A_234 : i32 to vector<16xi32>
            %gather3A_236 = tpu.vector_load_idx %arg7[%broadcast_in_dim3A_235, %sub3A_217] masked %lt3A_210 : memref<8x4096xf32, #tpu.memory_space<vmem>>[vector<16xi32>, vector<16xi32>], vector<16xf32>, vector<16xi1>
            %broadcast_in_dim3A_237 = arith.constant 2 : i32
            %broadcast_in_dim3A_238 = vector.broadcast %broadcast_in_dim3A_237 : i32 to vector<16xi32>
            tpu.vector_store_idx %arg9[%shift_right_logical3A_220, %broadcast_in_dim3A_238, %and3A_223], %gather3A_236 masked %lt3A_210 : memref<64x8x128xf32, #tpu.memory_space<vmem>>[vector<16xi32>, vector<16xi32>, vector<16xi32>], vector<16xf32>, vector<16xi1>
            %broadcast_in_dim3A_239 = arith.constant 3 : i32
            %broadcast_in_dim3A_240 = vector.broadcast %broadcast_in_dim3A_239 : i32 to vector<16xi32>
            %gather3A_241 = tpu.vector_load_idx %arg7[%broadcast_in_dim3A_240, %sub3A_217] masked %lt3A_210 : memref<8x4096xf32, #tpu.memory_space<vmem>>[vector<16xi32>, vector<16xi32>], vector<16xf32>, vector<16xi1>
            %broadcast_in_dim3A_242 = arith.constant 3 : i32
            %broadcast_in_dim3A_243 = vector.broadcast %broadcast_in_dim3A_242 : i32 to vector<16xi32>
            tpu.vector_store_idx %arg9[%shift_right_logical3A_220, %broadcast_in_dim3A_243, %and3A_223], %gather3A_241 masked %lt3A_210 : memref<64x8x128xf32, #tpu.memory_space<vmem>>[vector<16xi32>, vector<16xi32>, vector<16xi32>], vector<16xf32>, vector<16xi1>
            %broadcast_in_dim3A_244 = arith.constant 4 : i32
            %broadcast_in_dim3A_245 = vector.broadcast %broadcast_in_dim3A_244 : i32 to vector<16xi32>
            %gather3A_246 = tpu.vector_load_idx %arg7[%broadcast_in_dim3A_245, %sub3A_217] masked %lt3A_210 : memref<8x4096xf32, #tpu.memory_space<vmem>>[vector<16xi32>, vector<16xi32>], vector<16xf32>, vector<16xi1>
            %broadcast_in_dim3A_247 = arith.constant 4 : i32
            %broadcast_in_dim3A_248 = vector.broadcast %broadcast_in_dim3A_247 : i32 to vector<16xi32>
            tpu.vector_store_idx %arg9[%shift_right_logical3A_220, %broadcast_in_dim3A_248, %and3A_223], %gather3A_246 masked %lt3A_210 : memref<64x8x128xf32, #tpu.memory_space<vmem>>[vector<16xi32>, vector<16xi32>, vector<16xi32>], vector<16xf32>, vector<16xi1>
            %broadcast_in_dim3A_249 = arith.constant 5 : i32
            %broadcast_in_dim3A_250 = vector.broadcast %broadcast_in_dim3A_249 : i32 to vector<16xi32>
            %gather3A_251 = tpu.vector_load_idx %arg7[%broadcast_in_dim3A_250, %sub3A_217] masked %lt3A_210 : memref<8x4096xf32, #tpu.memory_space<vmem>>[vector<16xi32>, vector<16xi32>], vector<16xf32>, vector<16xi1>
            %broadcast_in_dim3A_252 = arith.constant 5 : i32
            %broadcast_in_dim3A_253 = vector.broadcast %broadcast_in_dim3A_252 : i32 to vector<16xi32>
            tpu.vector_store_idx %arg9[%shift_right_logical3A_220, %broadcast_in_dim3A_253, %and3A_223], %gather3A_251 masked %lt3A_210 : memref<64x8x128xf32, #tpu.memory_space<vmem>>[vector<16xi32>, vector<16xi32>, vector<16xi32>], vector<16xf32>, vector<16xi1>
            %broadcast_in_dim3A_254 = arith.constant 6 : i32
            %broadcast_in_dim3A_255 = vector.broadcast %broadcast_in_dim3A_254 : i32 to vector<16xi32>
            %gather3A_256 = tpu.vector_load_idx %arg7[%broadcast_in_dim3A_255, %sub3A_217] masked %lt3A_210 : memref<8x4096xf32, #tpu.memory_space<vmem>>[vector<16xi32>, vector<16xi32>], vector<16xf32>, vector<16xi1>
            %broadcast_in_dim3A_257 = arith.constant 6 : i32
            %broadcast_in_dim3A_258 = vector.broadcast %broadcast_in_dim3A_257 : i32 to vector<16xi32>
            tpu.vector_store_idx %arg9[%shift_right_logical3A_220, %broadcast_in_dim3A_258, %and3A_223], %gather3A_256 masked %lt3A_210 : memref<64x8x128xf32, #tpu.memory_space<vmem>>[vector<16xi32>, vector<16xi32>, vector<16xi32>], vector<16xf32>, vector<16xi1>
            %broadcast_in_dim3A_259 = arith.constant 7 : i32
            %broadcast_in_dim3A_260 = vector.broadcast %broadcast_in_dim3A_259 : i32 to vector<16xi32>
            %gather3A_261 = tpu.vector_load_idx %arg7[%broadcast_in_dim3A_260, %sub3A_217] masked %lt3A_210 : memref<8x4096xf32, #tpu.memory_space<vmem>>[vector<16xi32>, vector<16xi32>], vector<16xf32>, vector<16xi1>
            %broadcast_in_dim3A_262 = arith.constant 7 : i32
            %broadcast_in_dim3A_263 = vector.broadcast %broadcast_in_dim3A_262 : i32 to vector<16xi32>
            tpu.vector_store_idx %arg9[%shift_right_logical3A_220, %broadcast_in_dim3A_263, %and3A_223], %gather3A_261 masked %lt3A_210 : memref<64x8x128xf32, #tpu.memory_space<vmem>>[vector<16xi32>, vector<16xi32>, vector<16xi32>], vector<16xf32>, vector<16xi1>
          }
          %while3A_190 = arith.constant 1 : i32
          scf.for %while3A_196 = %while3A_188 to %while3A_184 step %while3A_190  : i32 {
            %mul3A_197 = arith.constant 352 : i32
            %mul3A_198 = arith.muli %scan3A_168, %mul3A_197 : i32
            %mul3A_199 = arith.constant 16 : i32
            %mul3A_200 = arith.muli %while3A_196, %mul3A_199 : i32
            %add3A_201 = arith.addi %mul3A_198, %mul3A_200 : i32
            %get3A = arith.index_cast %add3A_201 : i32 to index
            %get3A_202 = tpu.vector_load %arg10[%get3A] {strides = array<i32>} : memref<9152xi32, #tpu.memory_space<vmem>>, vector<16xi32>,
            %mul3A_203 = arith.constant 16 : i32
            %mul3A_204 = arith.muli %while3A_196, %mul3A_203 : i32
            %add3A_205 = vector.broadcast %mul3A_204 : i32 to vector<16xi32>
            %add3A_206 = arith.addi %add3A_205, %iota3A : vector<16xi32>
            %min3A_207 = arith.constant 352 : i32
            %min3A_208 = arith.minsi %squeeze3A_174, %min3A_207 : i32
            %lt3A_209 = vector.broadcast %min3A_208 : i32 to vector<16xi32>
            %lt3A_210 = arith.cmpi slt, %add3A_206, %lt3A_209 : vector<16xi32>
            %and3A_211 = arith.constant 131071 : i32
            %and3A_212 = vector.broadcast %and3A_211 : i32 to vector<16xi32>
            %and3A_213 = arith.andi %get3A_202, %and3A_212 : vector<16xi32>
            %shift_right_logical3A = arith.constant 17 : i32
            %shift_right_logical3A_214 = vector.broadcast %shift_right_logical3A : i32 to vector<16xi32>
            %shift_right_logical3A_215 = arith.shrui %get3A_202, %shift_right_logical3A_214 : vector<16xi32>
            %sub3A_216 = vector.broadcast %multiple_of3A : i32 to vector<16xi32>
            %sub3A_217 = arith.subi %and3A_213, %sub3A_216 : vector<16xi32>
            %shift_right_logical3A_218 = arith.constant 7 : i32
            %shift_right_logical3A_219 = vector.broadcast %shift_right_logical3A_218 : i32 to vector<16xi32>
            %shift_right_logical3A_220 = arith.shrui %shift_right_logical3A_215, %shift_right_logical3A_219 : vector<16xi32>
            %and3A_221 = arith.constant 127 : i32
            %and3A_222 = vector.broadcast %and3A_221 : i32 to vector<16xi32>
            %and3A_223 = arith.andi %shift_right_logical3A_215, %and3A_222 : vector<16xi32>
            %broadcast_in_dim3A_224 = arith.constant 0 : i32
            %broadcast_in_dim3A_225 = vector.broadcast %broadcast_in_dim3A_224 : i32 to vector<16xi32>
            %gather3A_226 = tpu.vector_load_idx %arg7[%broadcast_in_dim3A_225, %sub3A_217] masked %lt3A_210 : memref<8x4096xf32, #tpu.memory_space<vmem>>[vector<16xi32>, vector<16xi32>], vector<16xf32>, vector<16xi1>
            %broadcast_in_dim3A_227 = arith.constant 0 : i32
            %broadcast_in_dim3A_228 = vector.broadcast %broadcast_in_dim3A_227 : i32 to vector<16xi32>
            tpu.vector_store_idx %arg9[%shift_right_logical3A_220, %broadcast_in_dim3A_228, %and3A_223], %gather3A_226 masked %lt3A_210 : memref<64x8x128xf32, #tpu.memory_space<vmem>>[vector<16xi32>, vector<16xi32>, vector<16xi32>], vector<16xf32>, vector<16xi1>
            %broadcast_in_dim3A_229 = arith.constant 1 : i32
            %broadcast_in_dim3A_230 = vector.broadcast %broadcast_in_dim3A_229 : i32 to vector<16xi32>
            %gather3A_231 = tpu.vector_load_idx %arg7[%broadcast_in_dim3A_230, %sub3A_217] masked %lt3A_210 : memref<8x4096xf32, #tpu.memory_space<vmem>>[vector<16xi32>, vector<16xi32>], vector<16xf32>, vector<16xi1>
            %broadcast_in_dim3A_232 = arith.constant 1 : i32
            %broadcast_in_dim3A_233 = vector.broadcast %broadcast_in_dim3A_232 : i32 to vector<16xi32>
            tpu.vector_store_idx %arg9[%shift_right_logical3A_220, %broadcast_in_dim3A_233, %and3A_223], %gather3A_231 masked %lt3A_210 : memref<64x8x128xf32, #tpu.memory_space<vmem>>[vector<16xi32>, vector<16xi32>, vector<16xi32>], vector<16xf32>, vector<16xi1>
            %broadcast_in_dim3A_234 = arith.constant 2 : i32
            %broadcast_in_dim3A_235 = vector.broadcast %broadcast_in_dim3A_234 : i32 to vector<16xi32>
            %gather3A_236 = tpu.vector_load_idx %arg7[%broadcast_in_dim3A_235, %sub3A_217] masked %lt3A_210 : memref<8x4096xf32, #tpu.memory_space<vmem>>[vector<16xi32>, vector<16xi32>], vector<16xf32>, vector<16xi1>
            %broadcast_in_dim3A_237 = arith.constant 2 : i32
            %broadcast_in_dim3A_238 = vector.broadcast %broadcast_in_dim3A_237 : i32 to vector<16xi32>
            tpu.vector_store_idx %arg9[%shift_right_logical3A_220, %broadcast_in_dim3A_238, %and3A_223], %gather3A_236 masked %lt3A_210 : memref<64x8x128xf32, #tpu.memory_space<vmem>>[vector<16xi32>, vector<16xi32>, vector<16xi32>], vector<16xf32>, vector<16xi1>
            %broadcast_in_dim3A_239 = arith.constant 3 : i32
            %broadcast_in_dim3A_240 = vector.broadcast %broadcast_in_dim3A_239 : i32 to vector<16xi32>
            %gather3A_241 = tpu.vector_load_idx %arg7[%broadcast_in_dim3A_240, %sub3A_217] masked %lt3A_210 : memref<8x4096xf32, #tpu.memory_space<vmem>>[vector<16xi32>, vector<16xi32>], vector<16xf32>, vector<16xi1>
            %broadcast_in_dim3A_242 = arith.constant 3 : i32
            %broadcast_in_dim3A_243 = vector.broadcast %broadcast_in_dim3A_242 : i32 to vector<16xi32>
            tpu.vector_store_idx %arg9[%shift_right_logical3A_220, %broadcast_in_dim3A_243, %and3A_223], %gather3A_241 masked %lt3A_210 : memref<64x8x128xf32, #tpu.memory_space<vmem>>[vector<16xi32>, vector<16xi32>, vector<16xi32>], vector<16xf32>, vector<16xi1>
            %broadcast_in_dim3A_244 = arith.constant 4 : i32
            %broadcast_in_dim3A_245 = vector.broadcast %broadcast_in_dim3A_244 : i32 to vector<16xi32>
            %gather3A_246 = tpu.vector_load_idx %arg7[%broadcast_in_dim3A_245, %sub3A_217] masked %lt3A_210 : memref<8x4096xf32, #tpu.memory_space<vmem>>[vector<16xi32>, vector<16xi32>], vector<16xf32>, vector<16xi1>
            %broadcast_in_dim3A_247 = arith.constant 4 : i32
            %broadcast_in_dim3A_248 = vector.broadcast %broadcast_in_dim3A_247 : i32 to vector<16xi32>
            tpu.vector_store_idx %arg9[%shift_right_logical3A_220, %broadcast_in_dim3A_248, %and3A_223], %gather3A_246 masked %lt3A_210 : memref<64x8x128xf32, #tpu.memory_space<vmem>>[vector<16xi32>, vector<16xi32>, vector<16xi32>], vector<16xf32>, vector<16xi1>
            %broadcast_in_dim3A_249 = arith.constant 5 : i32
            %broadcast_in_dim3A_250 = vector.broadcast %broadcast_in_dim3A_249 : i32 to vector<16xi32>
            %gather3A_251 = tpu.vector_load_idx %arg7[%broadcast_in_dim3A_250, %sub3A_217] masked %lt3A_210 : memref<8x4096xf32, #tpu.memory_space<vmem>>[vector<16xi32>, vector<16xi32>], vector<16xf32>, vector<16xi1>
            %broadcast_in_dim3A_252 = arith.constant 5 : i32
            %broadcast_in_dim3A_253 = vector.broadcast %broadcast_in_dim3A_252 : i32 to vector<16xi32>
            tpu.vector_store_idx %arg9[%shift_right_logical3A_220, %broadcast_in_dim3A_253, %and3A_223], %gather3A_251 masked %lt3A_210 : memref<64x8x128xf32, #tpu.memory_space<vmem>>[vector<16xi32>, vector<16xi32>, vector<16xi32>], vector<16xf32>, vector<16xi1>
            %broadcast_in_dim3A_254 = arith.constant 6 : i32
            %broadcast_in_dim3A_255 = vector.broadcast %broadcast_in_dim3A_254 : i32 to vector<16xi32>
            %gather3A_256 = tpu.vector_load_idx %arg7[%broadcast_in_dim3A_255, %sub3A_217] masked %lt3A_210 : memref<8x4096xf32, #tpu.memory_space<vmem>>[vector<16xi32>, vector<16xi32>], vector<16xf32>, vector<16xi1>
            %broadcast_in_dim3A_257 = arith.constant 6 : i32
            %broadcast_in_dim3A_258 = vector.broadcast %broadcast_in_dim3A_257 : i32 to vector<16xi32>
            tpu.vector_store_idx %arg9[%shift_right_logical3A_220, %broadcast_in_dim3A_258, %and3A_223], %gather3A_256 masked %lt3A_210 : memref<64x8x128xf32, #tpu.memory_space<vmem>>[vector<16xi32>, vector<16xi32>, vector<16xi32>], vector<16xf32>, vector<16xi1>
            %broadcast_in_dim3A_259 = arith.constant 7 : i32
            %broadcast_in_dim3A_260 = vector.broadcast %broadcast_in_dim3A_259 : i32 to vector<16xi32>
            %gather3A_261 = tpu.vector_load_idx %arg7[%broadcast_in_dim3A_260, %sub3A_217] masked %lt3A_210 : memref<8x4096xf32, #tpu.memory_space<vmem>>[vector<16xi32>, vector<16xi32>], vector<16xf32>, vector<16xi1>
            %broadcast_in_dim3A_262 = arith.constant 7 : i32
            %broadcast_in_dim3A_263 = vector.broadcast %broadcast_in_dim3A_262 : i32 to vector<16xi32>
            tpu.vector_store_idx %arg9[%shift_right_logical3A_220, %broadcast_in_dim3A_263, %and3A_223], %gather3A_261 masked %lt3A_210 : memref<64x8x128xf32, #tpu.memory_space<vmem>>[vector<16xi32>, vector<16xi32>, vector<16xi32>], vector<16xf32>, vector<16xi1>
          }
          %gt3A_191 = arith.constant 352 : i32
          %gt3A_192 = arith.cmpi sgt, %squeeze3A_174, %gt3A_191 : i32
          %convert_element_type3A_193 = arith.extui %gt3A_192 : i1 to i32
          %cond3A_194 = arith.constant 0 : i32
          %cond3A_195 = arith.cmpi ne, %convert_element_type3A_193, %cond3A_194 : i32
          scf.if %cond3A_195 {
            %scan3A_196 = arith.constant 0 : i32
            %scan3A_197 = arith.constant 0 : i32
            %scan3A_198 = arith.constant 512 : i32
            %scan3A_199 = arith.addi %scan3A_197, %scan3A_198 : i32
            %scan3A_200 = arith.constant 1 : i32
            scf.for %scan3A_202 = %scan3A_197 to %scan3A_199 step %scan3A_200  : i32 {
              %mul3A_203 = arith.constant 16 : i32
              %mul3A_204 = arith.muli %scan3A_202, %mul3A_203 : i32
              %get3A = arith.index_cast %mul3A_204 : i32 to index
              %get3A_205 = tpu.vector_load %arg8[%get3A] {strides = array<i32>} : memref<8192xi32, #tpu.memory_space<vmem>>, vector<16xi32>,
              %ge3A_206 = arith.constant 99968 : i32
              %ge3A_207 = vector.broadcast %ge3A_206 : i32 to vector<16xi32>
              %ge3A_208 = arith.cmpi sge, %get3A_205, %ge3A_207 : vector<16xi32>
              %shift_right_logical3A = arith.constant 12 : i32
              %shift_right_logical3A_209 = vector.broadcast %shift_right_logical3A : i32 to vector<16xi32>
              %shift_right_logical3A_210 = arith.shrui %get3A_205, %shift_right_logical3A_209 : vector<16xi32>
              %jit3A_211 = arith.constant 25 : i32
              %broadcast_in_dim3A_212 = vector.broadcast %jit3A_211 : i32 to vector<16xi32>
              %select_n3A_213 = arith.select %ge3A_208, %broadcast_in_dim3A_212, %shift_right_logical3A_210 : vector<16xi1>, vector<16xi32>
              %eq3A_214 = vector.broadcast %scan3A_168 : i32 to vector<16xi32>
              %eq3A_215 = arith.cmpi eq, %select_n3A_213, %eq3A_214 : vector<16xi32>
              %mul3A_216 = arith.constant 16 : i32
              %mul3A_217 = arith.muli %scan3A_202, %mul3A_216 : i32
              %add3A_218 = vector.broadcast %mul3A_217 : i32 to vector<16xi32>
              %add3A_219 = arith.addi %add3A_218, %iota3A : vector<16xi32>
              %sub3A_220 = vector.broadcast %multiple_of3A : i32 to vector<16xi32>
              %sub3A_221 = arith.subi %get3A_205, %sub3A_220 : vector<16xi32>
              %shift_right_logical3A_222 = arith.constant 7 : i32
              %shift_right_logical3A_223 = vector.broadcast %shift_right_logical3A_222 : i32 to vector<16xi32>
              %shift_right_logical3A_224 = arith.shrui %add3A_219, %shift_right_logical3A_223 : vector<16xi32>
              %and3A_225 = arith.constant 127 : i32
              %and3A_226 = vector.broadcast %and3A_225 : i32 to vector<16xi32>
              %and3A_227 = arith.andi %add3A_219, %and3A_226 : vector<16xi32>
              %broadcast_in_dim3A_228 = arith.constant 0 : i32
              %broadcast_in_dim3A_229 = vector.broadcast %broadcast_in_dim3A_228 : i32 to vector<16xi32>
              %gather3A_230 = tpu.vector_load_idx %arg7[%broadcast_in_dim3A_229, %sub3A_221] masked %eq3A_215 : memref<8x4096xf32, #tpu.memory_space<vmem>>[vector<16xi32>, vector<16xi32>], vector<16xf32>, vector<16xi1>
              %broadcast_in_dim3A_231 = arith.constant 0 : i32
              %broadcast_in_dim3A_232 = vector.broadcast %broadcast_in_dim3A_231 : i32 to vector<16xi32>
              tpu.vector_store_idx %arg9[%shift_right_logical3A_224, %broadcast_in_dim3A_232, %and3A_227], %gather3A_230 masked %eq3A_215 : memref<64x8x128xf32, #tpu.memory_space<vmem>>[vector<16xi32>, vector<16xi32>, vector<16xi32>], vector<16xf32>, vector<16xi1>
              %broadcast_in_dim3A_233 = arith.constant 1 : i32
              %broadcast_in_dim3A_234 = vector.broadcast %broadcast_in_dim3A_233 : i32 to vector<16xi32>
              %gather3A_235 = tpu.vector_load_idx %arg7[%broadcast_in_dim3A_234, %sub3A_221] masked %eq3A_215 : memref<8x4096xf32, #tpu.memory_space<vmem>>[vector<16xi32>, vector<16xi32>], vector<16xf32>, vector<16xi1>
              %broadcast_in_dim3A_236 = arith.constant 1 : i32
              %broadcast_in_dim3A_237 = vector.broadcast %broadcast_in_dim3A_236 : i32 to vector<16xi32>
              tpu.vector_store_idx %arg9[%shift_right_logical3A_224, %broadcast_in_dim3A_237, %and3A_227], %gather3A_235 masked %eq3A_215 : memref<64x8x128xf32, #tpu.memory_space<vmem>>[vector<16xi32>, vector<16xi32>, vector<16xi32>], vector<16xf32>, vector<16xi1>
              %broadcast_in_dim3A_238 = arith.constant 2 : i32
              %broadcast_in_dim3A_239 = vector.broadcast %broadcast_in_dim3A_238 : i32 to vector<16xi32>
              %gather3A_240 = tpu.vector_load_idx %arg7[%broadcast_in_dim3A_239, %sub3A_221] masked %eq3A_215 : memref<8x4096xf32, #tpu.memory_space<vmem>>[vector<16xi32>, vector<16xi32>], vector<16xf32>, vector<16xi1>
              %broadcast_in_dim3A_241 = arith.constant 2 : i32
              %broadcast_in_dim3A_242 = vector.broadcast %broadcast_in_dim3A_241 : i32 to vector<16xi32>
              tpu.vector_store_idx %arg9[%shift_right_logical3A_224, %broadcast_in_dim3A_242, %and3A_227], %gather3A_240 masked %eq3A_215 : memref<64x8x128xf32, #tpu.memory_space<vmem>>[vector<16xi32>, vector<16xi32>, vector<16xi32>], vector<16xf32>, vector<16xi1>
              %broadcast_in_dim3A_243 = arith.constant 3 : i32
              %broadcast_in_dim3A_244 = vector.broadcast %broadcast_in_dim3A_243 : i32 to vector<16xi32>
              %gather3A_245 = tpu.vector_load_idx %arg7[%broadcast_in_dim3A_244, %sub3A_221] masked %eq3A_215 : memref<8x4096xf32, #tpu.memory_space<vmem>>[vector<16xi32>, vector<16xi32>], vector<16xf32>, vector<16xi1>
              %broadcast_in_dim3A_246 = arith.constant 3 : i32
              %broadcast_in_dim3A_247 = vector.broadcast %broadcast_in_dim3A_246 : i32 to vector<16xi32>
              tpu.vector_store_idx %arg9[%shift_right_logical3A_224, %broadcast_in_dim3A_247, %and3A_227], %gather3A_245 masked %eq3A_215 : memref<64x8x128xf32, #tpu.memory_space<vmem>>[vector<16xi32>, vector<16xi32>, vector<16xi32>], vector<16xf32>, vector<16xi1>
              %broadcast_in_dim3A_248 = arith.constant 4 : i32
              %broadcast_in_dim3A_249 = vector.broadcast %broadcast_in_dim3A_248 : i32 to vector<16xi32>
              %gather3A_250 = tpu.vector_load_idx %arg7[%broadcast_in_dim3A_249, %sub3A_221] masked %eq3A_215 : memref<8x4096xf32, #tpu.memory_space<vmem>>[vector<16xi32>, vector<16xi32>], vector<16xf32>, vector<16xi1>
              %broadcast_in_dim3A_251 = arith.constant 4 : i32
              %broadcast_in_dim3A_252 = vector.broadcast %broadcast_in_dim3A_251 : i32 to vector<16xi32>
              tpu.vector_store_idx %arg9[%shift_right_logical3A_224, %broadcast_in_dim3A_252, %and3A_227], %gather3A_250 masked %eq3A_215 : memref<64x8x128xf32, #tpu.memory_space<vmem>>[vector<16xi32>, vector<16xi32>, vector<16xi32>], vector<16xf32>, vector<16xi1>
              %broadcast_in_dim3A_253 = arith.constant 5 : i32
              %broadcast_in_dim3A_254 = vector.broadcast %broadcast_in_dim3A_253 : i32 to vector<16xi32>
              %gather3A_255 = tpu.vector_load_idx %arg7[%broadcast_in_dim3A_254, %sub3A_221] masked %eq3A_215 : memref<8x4096xf32, #tpu.memory_space<vmem>>[vector<16xi32>, vector<16xi32>], vector<16xf32>, vector<16xi1>
              %broadcast_in_dim3A_256 = arith.constant 5 : i32
              %broadcast_in_dim3A_257 = vector.broadcast %broadcast_in_dim3A_256 : i32 to vector<16xi32>
              tpu.vector_store_idx %arg9[%shift_right_logical3A_224, %broadcast_in_dim3A_257, %and3A_227], %gather3A_255 masked %eq3A_215 : memref<64x8x128xf32, #tpu.memory_space<vmem>>[vector<16xi32>, vector<16xi32>, vector<16xi32>], vector<16xf32>, vector<16xi1>
              %broadcast_in_dim3A_258 = arith.constant 6 : i32
              %broadcast_in_dim3A_259 = vector.broadcast %broadcast_in_dim3A_258 : i32 to vector<16xi32>
              %gather3A_260 = tpu.vector_load_idx %arg7[%broadcast_in_dim3A_259, %sub3A_221] masked %eq3A_215 : memref<8x4096xf32, #tpu.memory_space<vmem>>[vector<16xi32>, vector<16xi32>], vector<16xf32>, vector<16xi1>
              %broadcast_in_dim3A_261 = arith.constant 6 : i32
              %broadcast_in_dim3A_262 = vector.broadcast %broadcast_in_dim3A_261 : i32 to vector<16xi32>
              tpu.vector_store_idx %arg9[%shift_right_logical3A_224, %broadcast_in_dim3A_262, %and3A_227], %gather3A_260 masked %eq3A_215 : memref<64x8x128xf32, #tpu.memory_space<vmem>>[vector<16xi32>, vector<16xi32>, vector<16xi32>], vector<16xf32>, vector<16xi1>
              %broadcast_in_dim3A_263 = arith.constant 7 : i32
              %broadcast_in_dim3A_264 = vector.broadcast %broadcast_in_dim3A_263 : i32 to vector<16xi32>
              %gather3A_265 = tpu.vector_load_idx %arg7[%broadcast_in_dim3A_264, %sub3A_221] masked %eq3A_215 : memref<8x4096xf32, #tpu.memory_space<vmem>>[vector<16xi32>, vector<16xi32>], vector<16xf32>, vector<16xi1>
              %broadcast_in_dim3A_266 = arith.constant 7 : i32
              %broadcast_in_dim3A_267 = vector.broadcast %broadcast_in_dim3A_266 : i32 to vector<16xi32>
              tpu.vector_store_idx %arg9[%shift_right_logical3A_224, %broadcast_in_dim3A_267, %and3A_227], %gather3A_265 masked %eq3A_215 : memref<64x8x128xf32, #tpu.memory_space<vmem>>[vector<16xi32>, vector<16xi32>, vector<16xi32>], vector<16xf32>, vector<16xi1>
            }
            %scan3A_201 = arith.constant 512 : i32
          } else {
          }
        }
        %scan3A_114 = arith.constant 24 : i32
        "tpu.region"() ({
          %run_scoped3A = tpu.sem_alloc : memref<!tpu.dma_semaphore, #tpu.memory_space<semaphore_mem>>
          %dma_start3A = arith.constant 0 : i32
          %dma_start3A_168 = arith.constant 0 : i32
          %dma_start3A_169 = tpu.memref_slice %arg7[%dma_start3A, %dma_start3A_168] : memref<8x4096xf32, #tpu.memory_space<vmem>> -> memref<8x1664xf32, #tpu.memory_space<vmem>>
          %dma_start3A_170 = arith.constant 0 : i32
          %dma_start3A_171 = arith.constant 98304 : i32
          %dma_start3A_172 = tpu.memref_slice %arg2[%select_n3A, %select_n3A_74, %dma_start3A_170, %dma_start3A_171] : memref<26x2x8x100000xf32, #tpu.memory_space<hbm>> -> memref<1x1x8x1664xf32, #tpu.memory_space<hbm>>
          %dma_start3A_173 = tpu.memref_squeeze %dma_start3A_172 : memref<1x1x8x1664xf32, #tpu.memory_space<hbm>> -> memref<8x1664xf32, #tpu.memory_space<hbm>>
          %dma_start3A_174 = arith.constant 0 : i32
          %dma_start3A_175 = arith.constant 0 : i32
          %dma_start3A_176 = tpu.memref_slice %arg7[%dma_start3A_174, %dma_start3A_175] : memref<8x4096xf32, #tpu.memory_space<vmem>> -> memref<8x1664xf32, #tpu.memory_space<vmem>>
          %dma_start3A_177 = arith.constant 0 : i32
          %dma_start3A_178 = arith.constant 98304 : i32
          %dma_start3A_179 = tpu.memref_slice %arg2[%select_n3A, %select_n3A_74, %dma_start3A_177, %dma_start3A_178] : memref<26x2x8x100000xf32, #tpu.memory_space<hbm>> -> memref<1x1x8x1664xf32, #tpu.memory_space<hbm>>
          %dma_start3A_180 = tpu.memref_squeeze %dma_start3A_179 : memref<1x1x8x1664xf32, #tpu.memory_space<hbm>> -> memref<8x1664xf32, #tpu.memory_space<hbm>>
          tpu.enqueue_dma source(%dma_start3A_180 : memref<8x1664xf32, #tpu.memory_space<hbm>>) target(%dma_start3A_176 : memref<8x1664xf32, #tpu.memory_space<vmem>>) target_semaphore(%run_scoped3A : memref<!tpu.dma_semaphore, #tpu.memory_space<semaphore_mem>>)
          %dma_wait3A = arith.constant 0 : i32
          %dma_wait3A_181 = arith.constant 0 : i32
          %dma_wait3A_182 = tpu.memref_slice %arg7[%dma_wait3A, %dma_wait3A_181] : memref<8x4096xf32, #tpu.memory_space<vmem>> -> memref<8x1664xf32, #tpu.memory_space<vmem>>
          %dma_wait3A_183 = arith.constant 0 : i32
          %dma_wait3A_184 = arith.constant 98304 : i32
          %dma_wait3A_185 = tpu.memref_slice %arg2[%select_n3A, %select_n3A_74, %dma_wait3A_183, %dma_wait3A_184] : memref<26x2x8x100000xf32, #tpu.memory_space<hbm>> -> memref<1x1x8x1664xf32, #tpu.memory_space<hbm>>
          %dma_wait3A_186 = tpu.memref_squeeze %dma_wait3A_185 : memref<1x1x8x1664xf32, #tpu.memory_space<hbm>> -> memref<8x1664xf32, #tpu.memory_space<hbm>>
          %dma_wait3A_187 = arith.constant 0 : i32
          %dma_wait3A_188 = arith.constant 0 : i32
          %dma_wait3A_189 = tpu.memref_slice %arg7[%dma_wait3A_187, %dma_wait3A_188] : memref<8x4096xf32, #tpu.memory_space<vmem>> -> memref<8x1664xf32, #tpu.memory_space<vmem>>
          %dma_wait3A_190 = arith.constant 0 : i32
          %dma_wait3A_191 = arith.constant 98304 : i32
          %dma_wait3A_192 = tpu.memref_slice %arg2[%select_n3A, %select_n3A_74, %dma_wait3A_190, %dma_wait3A_191] : memref<26x2x8x100000xf32, #tpu.memory_space<hbm>> -> memref<1x1x8x1664xf32, #tpu.memory_space<hbm>>
          %dma_wait3A_193 = tpu.memref_squeeze %dma_wait3A_192 : memref<1x1x8x1664xf32, #tpu.memory_space<hbm>> -> memref<8x1664xf32, #tpu.memory_space<hbm>>
          tpu.wait_dma2 semaphore(%run_scoped3A : memref<!tpu.dma_semaphore, #tpu.memory_space<semaphore_mem>>) src(%dma_wait3A_193 : memref<8x1664xf32, #tpu.memory_space<hbm>>) dst(%dma_wait3A_189 : memref<8x1664xf32, #tpu.memory_space<vmem>>)
          tpu.yield
        }) : () -> ()
        %broadcast_in_dim3A_115 = arith.constant 24 : i32
        %broadcast_in_dim3A_116 = vector.broadcast %broadcast_in_dim3A_115 : i32 to vector<16xi32>
        %gather3A = tpu.vector_load_idx %arg11[%broadcast_in_dim3A_116] : memref<64xi32, #tpu.memory_space<vmem>>[vector<16xi32>], vector<16xi32>,
        %slice3A = vector.extract_strided_slice %gather3A {offsets = [0], sizes = [1], strides = [1]} : vector<16xi32> to vector<1xi32>
        %squeeze3A = vector.extract %slice3A[0] : i32 from vector<1xi32>
        %min3A = arith.constant 352 : i32
        %min3A_117 = arith.minsi %squeeze3A, %min3A : i32
        %add3A_118 = arith.constant 15 : i32
        %add3A_119 = arith.addi %min3A_117, %add3A_118 : i32
        %div3A_120 = arith.constant 16 : i32
        %div3A_121 = arith.divsi %add3A_119, %div3A_120 : i32
        %while3A = arith.constant 0 : i32
        %while3A_122 = arith.constant 0 : i32
        %while3A_123 = arith.subi %div3A_121, %while3A_122 : i32
        %while3A_124 = arith.addi %while3A_122, %while3A_123 : i32
        %while3A_125 = arith.constant 1 : i32
        %while3A_126 = arith.divsi %while3A_123, %while3A_125 : i32
        %while3A_127 = arith.muli %while3A_126, %while3A_125 : i32
        %while3A_128 = arith.addi %while3A_122, %while3A_127 : i32
        %while3A_129 = arith.constant 1 : i32
        scf.for %while3A_168 = %while3A_122 to %while3A_128 step %while3A_129  : i32 {
          %mul3A_169 = arith.constant 16 : i32
          %mul3A_170 = arith.muli %while3A_168, %mul3A_169 : i32
          %add3A_171 = arith.constant 8448 : i32
          %add3A_172 = arith.addi %add3A_171, %mul3A_170 : i32
          %get3A = arith.index_cast %add3A_172 : i32 to index
          %get3A_173 = tpu.vector_load %arg10[%get3A] {strides = array<i32>} : memref<9152xi32, #tpu.memory_space<vmem>>, vector<16xi32>,
          %mul3A_174 = arith.constant 16 : i32
          %mul3A_175 = arith.muli %while3A_168, %mul3A_174 : i32
          %add3A_176 = vector.broadcast %mul3A_175 : i32 to vector<16xi32>
          %add3A_177 = arith.addi %add3A_176, %iota3A : vector<16xi32>
          %min3A_178 = arith.constant 352 : i32
          %min3A_179 = arith.minsi %squeeze3A, %min3A_178 : i32
          %lt3A_180 = vector.broadcast %min3A_179 : i32 to vector<16xi32>
          %lt3A_181 = arith.cmpi slt, %add3A_177, %lt3A_180 : vector<16xi32>
          %and3A_182 = arith.constant 131071 : i32
          %and3A_183 = vector.broadcast %and3A_182 : i32 to vector<16xi32>
          %and3A_184 = arith.andi %get3A_173, %and3A_183 : vector<16xi32>
          %shift_right_logical3A = arith.constant 17 : i32
          %shift_right_logical3A_185 = vector.broadcast %shift_right_logical3A : i32 to vector<16xi32>
          %shift_right_logical3A_186 = arith.shrui %get3A_173, %shift_right_logical3A_185 : vector<16xi32>
          %sub3A_187 = arith.constant 98304 : i32
          %sub3A_188 = vector.broadcast %sub3A_187 : i32 to vector<16xi32>
          %sub3A_189 = arith.subi %and3A_184, %sub3A_188 : vector<16xi32>
          %shift_right_logical3A_190 = arith.constant 7 : i32
          %shift_right_logical3A_191 = vector.broadcast %shift_right_logical3A_190 : i32 to vector<16xi32>
          %shift_right_logical3A_192 = arith.shrui %shift_right_logical3A_186, %shift_right_logical3A_191 : vector<16xi32>
          %and3A_193 = arith.constant 127 : i32
          %and3A_194 = vector.broadcast %and3A_193 : i32 to vector<16xi32>
          %and3A_195 = arith.andi %shift_right_logical3A_186, %and3A_194 : vector<16xi32>
          %broadcast_in_dim3A_196 = arith.constant 0 : i32
          %broadcast_in_dim3A_197 = vector.broadcast %broadcast_in_dim3A_196 : i32 to vector<16xi32>
          %gather3A_198 = tpu.vector_load_idx %arg7[%broadcast_in_dim3A_197, %sub3A_189] masked %lt3A_181 : memref<8x4096xf32, #tpu.memory_space<vmem>>[vector<16xi32>, vector<16xi32>], vector<16xf32>, vector<16xi1>
          %broadcast_in_dim3A_199 = arith.constant 0 : i32
          %broadcast_in_dim3A_200 = vector.broadcast %broadcast_in_dim3A_199 : i32 to vector<16xi32>
          tpu.vector_store_idx %arg9[%shift_right_logical3A_192, %broadcast_in_dim3A_200, %and3A_195], %gather3A_198 masked %lt3A_181 : memref<64x8x128xf32, #tpu.memory_space<vmem>>[vector<16xi32>, vector<16xi32>, vector<16xi32>], vector<16xf32>, vector<16xi1>
          %broadcast_in_dim3A_201 = arith.constant 1 : i32
          %broadcast_in_dim3A_202 = vector.broadcast %broadcast_in_dim3A_201 : i32 to vector<16xi32>
          %gather3A_203 = tpu.vector_load_idx %arg7[%broadcast_in_dim3A_202, %sub3A_189] masked %lt3A_181 : memref<8x4096xf32, #tpu.memory_space<vmem>>[vector<16xi32>, vector<16xi32>], vector<16xf32>, vector<16xi1>
          %broadcast_in_dim3A_204 = arith.constant 1 : i32
          %broadcast_in_dim3A_205 = vector.broadcast %broadcast_in_dim3A_204 : i32 to vector<16xi32>
          tpu.vector_store_idx %arg9[%shift_right_logical3A_192, %broadcast_in_dim3A_205, %and3A_195], %gather3A_203 masked %lt3A_181 : memref<64x8x128xf32, #tpu.memory_space<vmem>>[vector<16xi32>, vector<16xi32>, vector<16xi32>], vector<16xf32>, vector<16xi1>
          %broadcast_in_dim3A_206 = arith.constant 2 : i32
          %broadcast_in_dim3A_207 = vector.broadcast %broadcast_in_dim3A_206 : i32 to vector<16xi32>
          %gather3A_208 = tpu.vector_load_idx %arg7[%broadcast_in_dim3A_207, %sub3A_189] masked %lt3A_181 : memref<8x4096xf32, #tpu.memory_space<vmem>>[vector<16xi32>, vector<16xi32>], vector<16xf32>, vector<16xi1>
          %broadcast_in_dim3A_209 = arith.constant 2 : i32
          %broadcast_in_dim3A_210 = vector.broadcast %broadcast_in_dim3A_209 : i32 to vector<16xi32>
          tpu.vector_store_idx %arg9[%shift_right_logical3A_192, %broadcast_in_dim3A_210, %and3A_195], %gather3A_208 masked %lt3A_181 : memref<64x8x128xf32, #tpu.memory_space<vmem>>[vector<16xi32>, vector<16xi32>, vector<16xi32>], vector<16xf32>, vector<16xi1>
          %broadcast_in_dim3A_211 = arith.constant 3 : i32
          %broadcast_in_dim3A_212 = vector.broadcast %broadcast_in_dim3A_211 : i32 to vector<16xi32>
          %gather3A_213 = tpu.vector_load_idx %arg7[%broadcast_in_dim3A_212, %sub3A_189] masked %lt3A_181 : memref<8x4096xf32, #tpu.memory_space<vmem>>[vector<16xi32>, vector<16xi32>], vector<16xf32>, vector<16xi1>
          %broadcast_in_dim3A_214 = arith.constant 3 : i32
          %broadcast_in_dim3A_215 = vector.broadcast %broadcast_in_dim3A_214 : i32 to vector<16xi32>
          tpu.vector_store_idx %arg9[%shift_right_logical3A_192, %broadcast_in_dim3A_215, %and3A_195], %gather3A_213 masked %lt3A_181 : memref<64x8x128xf32, #tpu.memory_space<vmem>>[vector<16xi32>, vector<16xi32>, vector<16xi32>], vector<16xf32>, vector<16xi1>
          %broadcast_in_dim3A_216 = arith.constant 4 : i32
          %broadcast_in_dim3A_217 = vector.broadcast %broadcast_in_dim3A_216 : i32 to vector<16xi32>
          %gather3A_218 = tpu.vector_load_idx %arg7[%broadcast_in_dim3A_217, %sub3A_189] masked %lt3A_181 : memref<8x4096xf32, #tpu.memory_space<vmem>>[vector<16xi32>, vector<16xi32>], vector<16xf32>, vector<16xi1>
          %broadcast_in_dim3A_219 = arith.constant 4 : i32
          %broadcast_in_dim3A_220 = vector.broadcast %broadcast_in_dim3A_219 : i32 to vector<16xi32>
          tpu.vector_store_idx %arg9[%shift_right_logical3A_192, %broadcast_in_dim3A_220, %and3A_195], %gather3A_218 masked %lt3A_181 : memref<64x8x128xf32, #tpu.memory_space<vmem>>[vector<16xi32>, vector<16xi32>, vector<16xi32>], vector<16xf32>, vector<16xi1>
          %broadcast_in_dim3A_221 = arith.constant 5 : i32
          %broadcast_in_dim3A_222 = vector.broadcast %broadcast_in_dim3A_221 : i32 to vector<16xi32>
          %gather3A_223 = tpu.vector_load_idx %arg7[%broadcast_in_dim3A_222, %sub3A_189] masked %lt3A_181 : memref<8x4096xf32, #tpu.memory_space<vmem>>[vector<16xi32>, vector<16xi32>], vector<16xf32>, vector<16xi1>
          %broadcast_in_dim3A_224 = arith.constant 5 : i32
          %broadcast_in_dim3A_225 = vector.broadcast %broadcast_in_dim3A_224 : i32 to vector<16xi32>
          tpu.vector_store_idx %arg9[%shift_right_logical3A_192, %broadcast_in_dim3A_225, %and3A_195], %gather3A_223 masked %lt3A_181 : memref<64x8x128xf32, #tpu.memory_space<vmem>>[vector<16xi32>, vector<16xi32>, vector<16xi32>], vector<16xf32>, vector<16xi1>
          %broadcast_in_dim3A_226 = arith.constant 6 : i32
          %broadcast_in_dim3A_227 = vector.broadcast %broadcast_in_dim3A_226 : i32 to vector<16xi32>
          %gather3A_228 = tpu.vector_load_idx %arg7[%broadcast_in_dim3A_227, %sub3A_189] masked %lt3A_181 : memref<8x4096xf32, #tpu.memory_space<vmem>>[vector<16xi32>, vector<16xi32>], vector<16xf32>, vector<16xi1>
          %broadcast_in_dim3A_229 = arith.constant 6 : i32
          %broadcast_in_dim3A_230 = vector.broadcast %broadcast_in_dim3A_229 : i32 to vector<16xi32>
          tpu.vector_store_idx %arg9[%shift_right_logical3A_192, %broadcast_in_dim3A_230, %and3A_195], %gather3A_228 masked %lt3A_181 : memref<64x8x128xf32, #tpu.memory_space<vmem>>[vector<16xi32>, vector<16xi32>, vector<16xi32>], vector<16xf32>, vector<16xi1>
          %broadcast_in_dim3A_231 = arith.constant 7 : i32
          %broadcast_in_dim3A_232 = vector.broadcast %broadcast_in_dim3A_231 : i32 to vector<16xi32>
          %gather3A_233 = tpu.vector_load_idx %arg7[%broadcast_in_dim3A_232, %sub3A_189] masked %lt3A_181 : memref<8x4096xf32, #tpu.memory_space<vmem>>[vector<16xi32>, vector<16xi32>], vector<16xf32>, vector<16xi1>
          %broadcast_in_dim3A_234 = arith.constant 7 : i32
          %broadcast_in_dim3A_235 = vector.broadcast %broadcast_in_dim3A_234 : i32 to vector<16xi32>
          tpu.vector_store_idx %arg9[%shift_right_logical3A_192, %broadcast_in_dim3A_235, %and3A_195], %gather3A_233 masked %lt3A_181 : memref<64x8x128xf32, #tpu.memory_space<vmem>>[vector<16xi32>, vector<16xi32>, vector<16xi32>], vector<16xf32>, vector<16xi1>
        }
        %while3A_130 = arith.constant 1 : i32
        scf.for %while3A_168 = %while3A_128 to %while3A_124 step %while3A_130  : i32 {
          %mul3A_169 = arith.constant 16 : i32
          %mul3A_170 = arith.muli %while3A_168, %mul3A_169 : i32
          %add3A_171 = arith.constant 8448 : i32
          %add3A_172 = arith.addi %add3A_171, %mul3A_170 : i32
          %get3A = arith.index_cast %add3A_172 : i32 to index
          %get3A_173 = tpu.vector_load %arg10[%get3A] {strides = array<i32>} : memref<9152xi32, #tpu.memory_space<vmem>>, vector<16xi32>,
          %mul3A_174 = arith.constant 16 : i32
          %mul3A_175 = arith.muli %while3A_168, %mul3A_174 : i32
          %add3A_176 = vector.broadcast %mul3A_175 : i32 to vector<16xi32>
          %add3A_177 = arith.addi %add3A_176, %iota3A : vector<16xi32>
          %min3A_178 = arith.constant 352 : i32
          %min3A_179 = arith.minsi %squeeze3A, %min3A_178 : i32
          %lt3A_180 = vector.broadcast %min3A_179 : i32 to vector<16xi32>
          %lt3A_181 = arith.cmpi slt, %add3A_177, %lt3A_180 : vector<16xi32>
          %and3A_182 = arith.constant 131071 : i32
          %and3A_183 = vector.broadcast %and3A_182 : i32 to vector<16xi32>
          %and3A_184 = arith.andi %get3A_173, %and3A_183 : vector<16xi32>
          %shift_right_logical3A = arith.constant 17 : i32
          %shift_right_logical3A_185 = vector.broadcast %shift_right_logical3A : i32 to vector<16xi32>
          %shift_right_logical3A_186 = arith.shrui %get3A_173, %shift_right_logical3A_185 : vector<16xi32>
          %sub3A_187 = arith.constant 98304 : i32
          %sub3A_188 = vector.broadcast %sub3A_187 : i32 to vector<16xi32>
          %sub3A_189 = arith.subi %and3A_184, %sub3A_188 : vector<16xi32>
          %shift_right_logical3A_190 = arith.constant 7 : i32
          %shift_right_logical3A_191 = vector.broadcast %shift_right_logical3A_190 : i32 to vector<16xi32>
          %shift_right_logical3A_192 = arith.shrui %shift_right_logical3A_186, %shift_right_logical3A_191 : vector<16xi32>
          %and3A_193 = arith.constant 127 : i32
          %and3A_194 = vector.broadcast %and3A_193 : i32 to vector<16xi32>
          %and3A_195 = arith.andi %shift_right_logical3A_186, %and3A_194 : vector<16xi32>
          %broadcast_in_dim3A_196 = arith.constant 0 : i32
          %broadcast_in_dim3A_197 = vector.broadcast %broadcast_in_dim3A_196 : i32 to vector<16xi32>
          %gather3A_198 = tpu.vector_load_idx %arg7[%broadcast_in_dim3A_197, %sub3A_189] masked %lt3A_181 : memref<8x4096xf32, #tpu.memory_space<vmem>>[vector<16xi32>, vector<16xi32>], vector<16xf32>, vector<16xi1>
          %broadcast_in_dim3A_199 = arith.constant 0 : i32
          %broadcast_in_dim3A_200 = vector.broadcast %broadcast_in_dim3A_199 : i32 to vector<16xi32>
          tpu.vector_store_idx %arg9[%shift_right_logical3A_192, %broadcast_in_dim3A_200, %and3A_195], %gather3A_198 masked %lt3A_181 : memref<64x8x128xf32, #tpu.memory_space<vmem>>[vector<16xi32>, vector<16xi32>, vector<16xi32>], vector<16xf32>, vector<16xi1>
          %broadcast_in_dim3A_201 = arith.constant 1 : i32
          %broadcast_in_dim3A_202 = vector.broadcast %broadcast_in_dim3A_201 : i32 to vector<16xi32>
          %gather3A_203 = tpu.vector_load_idx %arg7[%broadcast_in_dim3A_202, %sub3A_189] masked %lt3A_181 : memref<8x4096xf32, #tpu.memory_space<vmem>>[vector<16xi32>, vector<16xi32>], vector<16xf32>, vector<16xi1>
          %broadcast_in_dim3A_204 = arith.constant 1 : i32
          %broadcast_in_dim3A_205 = vector.broadcast %broadcast_in_dim3A_204 : i32 to vector<16xi32>
          tpu.vector_store_idx %arg9[%shift_right_logical3A_192, %broadcast_in_dim3A_205, %and3A_195], %gather3A_203 masked %lt3A_181 : memref<64x8x128xf32, #tpu.memory_space<vmem>>[vector<16xi32>, vector<16xi32>, vector<16xi32>], vector<16xf32>, vector<16xi1>
          %broadcast_in_dim3A_206 = arith.constant 2 : i32
          %broadcast_in_dim3A_207 = vector.broadcast %broadcast_in_dim3A_206 : i32 to vector<16xi32>
          %gather3A_208 = tpu.vector_load_idx %arg7[%broadcast_in_dim3A_207, %sub3A_189] masked %lt3A_181 : memref<8x4096xf32, #tpu.memory_space<vmem>>[vector<16xi32>, vector<16xi32>], vector<16xf32>, vector<16xi1>
          %broadcast_in_dim3A_209 = arith.constant 2 : i32
          %broadcast_in_dim3A_210 = vector.broadcast %broadcast_in_dim3A_209 : i32 to vector<16xi32>
          tpu.vector_store_idx %arg9[%shift_right_logical3A_192, %broadcast_in_dim3A_210, %and3A_195], %gather3A_208 masked %lt3A_181 : memref<64x8x128xf32, #tpu.memory_space<vmem>>[vector<16xi32>, vector<16xi32>, vector<16xi32>], vector<16xf32>, vector<16xi1>
          %broadcast_in_dim3A_211 = arith.constant 3 : i32
          %broadcast_in_dim3A_212 = vector.broadcast %broadcast_in_dim3A_211 : i32 to vector<16xi32>
          %gather3A_213 = tpu.vector_load_idx %arg7[%broadcast_in_dim3A_212, %sub3A_189] masked %lt3A_181 : memref<8x4096xf32, #tpu.memory_space<vmem>>[vector<16xi32>, vector<16xi32>], vector<16xf32>, vector<16xi1>
          %broadcast_in_dim3A_214 = arith.constant 3 : i32
          %broadcast_in_dim3A_215 = vector.broadcast %broadcast_in_dim3A_214 : i32 to vector<16xi32>
          tpu.vector_store_idx %arg9[%shift_right_logical3A_192, %broadcast_in_dim3A_215, %and3A_195], %gather3A_213 masked %lt3A_181 : memref<64x8x128xf32, #tpu.memory_space<vmem>>[vector<16xi32>, vector<16xi32>, vector<16xi32>], vector<16xf32>, vector<16xi1>
          %broadcast_in_dim3A_216 = arith.constant 4 : i32
          %broadcast_in_dim3A_217 = vector.broadcast %broadcast_in_dim3A_216 : i32 to vector<16xi32>
          %gather3A_218 = tpu.vector_load_idx %arg7[%broadcast_in_dim3A_217, %sub3A_189] masked %lt3A_181 : memref<8x4096xf32, #tpu.memory_space<vmem>>[vector<16xi32>, vector<16xi32>], vector<16xf32>, vector<16xi1>
          %broadcast_in_dim3A_219 = arith.constant 4 : i32
          %broadcast_in_dim3A_220 = vector.broadcast %broadcast_in_dim3A_219 : i32 to vector<16xi32>
          tpu.vector_store_idx %arg9[%shift_right_logical3A_192, %broadcast_in_dim3A_220, %and3A_195], %gather3A_218 masked %lt3A_181 : memref<64x8x128xf32, #tpu.memory_space<vmem>>[vector<16xi32>, vector<16xi32>, vector<16xi32>], vector<16xf32>, vector<16xi1>
          %broadcast_in_dim3A_221 = arith.constant 5 : i32
          %broadcast_in_dim3A_222 = vector.broadcast %broadcast_in_dim3A_221 : i32 to vector<16xi32>
          %gather3A_223 = tpu.vector_load_idx %arg7[%broadcast_in_dim3A_222, %sub3A_189] masked %lt3A_181 : memref<8x4096xf32, #tpu.memory_space<vmem>>[vector<16xi32>, vector<16xi32>], vector<16xf32>, vector<16xi1>
          %broadcast_in_dim3A_224 = arith.constant 5 : i32
          %broadcast_in_dim3A_225 = vector.broadcast %broadcast_in_dim3A_224 : i32 to vector<16xi32>
          tpu.vector_store_idx %arg9[%shift_right_logical3A_192, %broadcast_in_dim3A_225, %and3A_195], %gather3A_223 masked %lt3A_181 : memref<64x8x128xf32, #tpu.memory_space<vmem>>[vector<16xi32>, vector<16xi32>, vector<16xi32>], vector<16xf32>, vector<16xi1>
          %broadcast_in_dim3A_226 = arith.constant 6 : i32
          %broadcast_in_dim3A_227 = vector.broadcast %broadcast_in_dim3A_226 : i32 to vector<16xi32>
          %gather3A_228 = tpu.vector_load_idx %arg7[%broadcast_in_dim3A_227, %sub3A_189] masked %lt3A_181 : memref<8x4096xf32, #tpu.memory_space<vmem>>[vector<16xi32>, vector<16xi32>], vector<16xf32>, vector<16xi1>
          %broadcast_in_dim3A_229 = arith.constant 6 : i32
          %broadcast_in_dim3A_230 = vector.broadcast %broadcast_in_dim3A_229 : i32 to vector<16xi32>
          tpu.vector_store_idx %arg9[%shift_right_logical3A_192, %broadcast_in_dim3A_230, %and3A_195], %gather3A_228 masked %lt3A_181 : memref<64x8x128xf32, #tpu.memory_space<vmem>>[vector<16xi32>, vector<16xi32>, vector<16xi32>], vector<16xf32>, vector<16xi1>
          %broadcast_in_dim3A_231 = arith.constant 7 : i32
          %broadcast_in_dim3A_232 = vector.broadcast %broadcast_in_dim3A_231 : i32 to vector<16xi32>
          %gather3A_233 = tpu.vector_load_idx %arg7[%broadcast_in_dim3A_232, %sub3A_189] masked %lt3A_181 : memref<8x4096xf32, #tpu.memory_space<vmem>>[vector<16xi32>, vector<16xi32>], vector<16xf32>, vector<16xi1>
          %broadcast_in_dim3A_234 = arith.constant 7 : i32
          %broadcast_in_dim3A_235 = vector.broadcast %broadcast_in_dim3A_234 : i32 to vector<16xi32>
          tpu.vector_store_idx %arg9[%shift_right_logical3A_192, %broadcast_in_dim3A_235, %and3A_195], %gather3A_233 masked %lt3A_181 : memref<64x8x128xf32, #tpu.memory_space<vmem>>[vector<16xi32>, vector<16xi32>, vector<16xi32>], vector<16xf32>, vector<16xi1>
        }
        %gt3A = arith.constant 352 : i32
        %gt3A_131 = arith.cmpi sgt, %squeeze3A, %gt3A : i32
        %convert_element_type3A_132 = arith.extui %gt3A_131 : i1 to i32
        %cond3A_133 = arith.constant 0 : i32
        %cond3A_134 = arith.cmpi ne, %convert_element_type3A_132, %cond3A_133 : i32
        scf.if %cond3A_134 {
          %scan3A_168 = arith.constant 0 : i32
          %scan3A_169 = arith.constant 0 : i32
          %scan3A_170 = arith.constant 512 : i32
          %scan3A_171 = arith.addi %scan3A_169, %scan3A_170 : i32
          %scan3A_172 = arith.constant 1 : i32
          scf.for %scan3A_174 = %scan3A_169 to %scan3A_171 step %scan3A_172  : i32 {
            %mul3A_175 = arith.constant 16 : i32
            %mul3A_176 = arith.muli %scan3A_174, %mul3A_175 : i32
            %get3A = arith.index_cast %mul3A_176 : i32 to index
            %get3A_177 = tpu.vector_load %arg8[%get3A] {strides = array<i32>} : memref<8192xi32, #tpu.memory_space<vmem>>, vector<16xi32>,
            %ge3A_178 = arith.constant 99968 : i32
            %ge3A_179 = vector.broadcast %ge3A_178 : i32 to vector<16xi32>
            %ge3A_180 = arith.cmpi sge, %get3A_177, %ge3A_179 : vector<16xi32>
            %shift_right_logical3A = arith.constant 12 : i32
            %shift_right_logical3A_181 = vector.broadcast %shift_right_logical3A : i32 to vector<16xi32>
            %shift_right_logical3A_182 = arith.shrui %get3A_177, %shift_right_logical3A_181 : vector<16xi32>
            %jit3A_183 = arith.constant 25 : i32
            %broadcast_in_dim3A_184 = vector.broadcast %jit3A_183 : i32 to vector<16xi32>
            %select_n3A_185 = arith.select %ge3A_180, %broadcast_in_dim3A_184, %shift_right_logical3A_182 : vector<16xi1>, vector<16xi32>
            %eq3A_186 = arith.constant 24 : i32
            %eq3A_187 = vector.broadcast %eq3A_186 : i32 to vector<16xi32>
            %eq3A_188 = arith.cmpi eq, %select_n3A_185, %eq3A_187 : vector<16xi32>
            %mul3A_189 = arith.constant 16 : i32
            %mul3A_190 = arith.muli %scan3A_174, %mul3A_189 : i32
            %add3A_191 = vector.broadcast %mul3A_190 : i32 to vector<16xi32>
            %add3A_192 = arith.addi %add3A_191, %iota3A : vector<16xi32>
            %sub3A_193 = arith.constant 98304 : i32
            %sub3A_194 = vector.broadcast %sub3A_193 : i32 to vector<16xi32>
            %sub3A_195 = arith.subi %get3A_177, %sub3A_194 : vector<16xi32>
            %shift_right_logical3A_196 = arith.constant 7 : i32
            %shift_right_logical3A_197 = vector.broadcast %shift_right_logical3A_196 : i32 to vector<16xi32>
            %shift_right_logical3A_198 = arith.shrui %add3A_192, %shift_right_logical3A_197 : vector<16xi32>
            %and3A_199 = arith.constant 127 : i32
            %and3A_200 = vector.broadcast %and3A_199 : i32 to vector<16xi32>
            %and3A_201 = arith.andi %add3A_192, %and3A_200 : vector<16xi32>
            %broadcast_in_dim3A_202 = arith.constant 0 : i32
            %broadcast_in_dim3A_203 = vector.broadcast %broadcast_in_dim3A_202 : i32 to vector<16xi32>
            %gather3A_204 = tpu.vector_load_idx %arg7[%broadcast_in_dim3A_203, %sub3A_195] masked %eq3A_188 : memref<8x4096xf32, #tpu.memory_space<vmem>>[vector<16xi32>, vector<16xi32>], vector<16xf32>, vector<16xi1>
            %broadcast_in_dim3A_205 = arith.constant 0 : i32
            %broadcast_in_dim3A_206 = vector.broadcast %broadcast_in_dim3A_205 : i32 to vector<16xi32>
            tpu.vector_store_idx %arg9[%shift_right_logical3A_198, %broadcast_in_dim3A_206, %and3A_201], %gather3A_204 masked %eq3A_188 : memref<64x8x128xf32, #tpu.memory_space<vmem>>[vector<16xi32>, vector<16xi32>, vector<16xi32>], vector<16xf32>, vector<16xi1>
            %broadcast_in_dim3A_207 = arith.constant 1 : i32
            %broadcast_in_dim3A_208 = vector.broadcast %broadcast_in_dim3A_207 : i32 to vector<16xi32>
            %gather3A_209 = tpu.vector_load_idx %arg7[%broadcast_in_dim3A_208, %sub3A_195] masked %eq3A_188 : memref<8x4096xf32, #tpu.memory_space<vmem>>[vector<16xi32>, vector<16xi32>], vector<16xf32>, vector<16xi1>
            %broadcast_in_dim3A_210 = arith.constant 1 : i32
            %broadcast_in_dim3A_211 = vector.broadcast %broadcast_in_dim3A_210 : i32 to vector<16xi32>
            tpu.vector_store_idx %arg9[%shift_right_logical3A_198, %broadcast_in_dim3A_211, %and3A_201], %gather3A_209 masked %eq3A_188 : memref<64x8x128xf32, #tpu.memory_space<vmem>>[vector<16xi32>, vector<16xi32>, vector<16xi32>], vector<16xf32>, vector<16xi1>
            %broadcast_in_dim3A_212 = arith.constant 2 : i32
            %broadcast_in_dim3A_213 = vector.broadcast %broadcast_in_dim3A_212 : i32 to vector<16xi32>
            %gather3A_214 = tpu.vector_load_idx %arg7[%broadcast_in_dim3A_213, %sub3A_195] masked %eq3A_188 : memref<8x4096xf32, #tpu.memory_space<vmem>>[vector<16xi32>, vector<16xi32>], vector<16xf32>, vector<16xi1>
            %broadcast_in_dim3A_215 = arith.constant 2 : i32
            %broadcast_in_dim3A_216 = vector.broadcast %broadcast_in_dim3A_215 : i32 to vector<16xi32>
            tpu.vector_store_idx %arg9[%shift_right_logical3A_198, %broadcast_in_dim3A_216, %and3A_201], %gather3A_214 masked %eq3A_188 : memref<64x8x128xf32, #tpu.memory_space<vmem>>[vector<16xi32>, vector<16xi32>, vector<16xi32>], vector<16xf32>, vector<16xi1>
            %broadcast_in_dim3A_217 = arith.constant 3 : i32
            %broadcast_in_dim3A_218 = vector.broadcast %broadcast_in_dim3A_217 : i32 to vector<16xi32>
            %gather3A_219 = tpu.vector_load_idx %arg7[%broadcast_in_dim3A_218, %sub3A_195] masked %eq3A_188 : memref<8x4096xf32, #tpu.memory_space<vmem>>[vector<16xi32>, vector<16xi32>], vector<16xf32>, vector<16xi1>
            %broadcast_in_dim3A_220 = arith.constant 3 : i32
            %broadcast_in_dim3A_221 = vector.broadcast %broadcast_in_dim3A_220 : i32 to vector<16xi32>
            tpu.vector_store_idx %arg9[%shift_right_logical3A_198, %broadcast_in_dim3A_221, %and3A_201], %gather3A_219 masked %eq3A_188 : memref<64x8x128xf32, #tpu.memory_space<vmem>>[vector<16xi32>, vector<16xi32>, vector<16xi32>], vector<16xf32>, vector<16xi1>
            %broadcast_in_dim3A_222 = arith.constant 4 : i32
            %broadcast_in_dim3A_223 = vector.broadcast %broadcast_in_dim3A_222 : i32 to vector<16xi32>
            %gather3A_224 = tpu.vector_load_idx %arg7[%broadcast_in_dim3A_223, %sub3A_195] masked %eq3A_188 : memref<8x4096xf32, #tpu.memory_space<vmem>>[vector<16xi32>, vector<16xi32>], vector<16xf32>, vector<16xi1>
            %broadcast_in_dim3A_225 = arith.constant 4 : i32
            %broadcast_in_dim3A_226 = vector.broadcast %broadcast_in_dim3A_225 : i32 to vector<16xi32>
            tpu.vector_store_idx %arg9[%shift_right_logical3A_198, %broadcast_in_dim3A_226, %and3A_201], %gather3A_224 masked %eq3A_188 : memref<64x8x128xf32, #tpu.memory_space<vmem>>[vector<16xi32>, vector<16xi32>, vector<16xi32>], vector<16xf32>, vector<16xi1>
            %broadcast_in_dim3A_227 = arith.constant 5 : i32
            %broadcast_in_dim3A_228 = vector.broadcast %broadcast_in_dim3A_227 : i32 to vector<16xi32>
            %gather3A_229 = tpu.vector_load_idx %arg7[%broadcast_in_dim3A_228, %sub3A_195] masked %eq3A_188 : memref<8x4096xf32, #tpu.memory_space<vmem>>[vector<16xi32>, vector<16xi32>], vector<16xf32>, vector<16xi1>
            %broadcast_in_dim3A_230 = arith.constant 5 : i32
            %broadcast_in_dim3A_231 = vector.broadcast %broadcast_in_dim3A_230 : i32 to vector<16xi32>
            tpu.vector_store_idx %arg9[%shift_right_logical3A_198, %broadcast_in_dim3A_231, %and3A_201], %gather3A_229 masked %eq3A_188 : memref<64x8x128xf32, #tpu.memory_space<vmem>>[vector<16xi32>, vector<16xi32>, vector<16xi32>], vector<16xf32>, vector<16xi1>
            %broadcast_in_dim3A_232 = arith.constant 6 : i32
            %broadcast_in_dim3A_233 = vector.broadcast %broadcast_in_dim3A_232 : i32 to vector<16xi32>
            %gather3A_234 = tpu.vector_load_idx %arg7[%broadcast_in_dim3A_233, %sub3A_195] masked %eq3A_188 : memref<8x4096xf32, #tpu.memory_space<vmem>>[vector<16xi32>, vector<16xi32>], vector<16xf32>, vector<16xi1>
            %broadcast_in_dim3A_235 = arith.constant 6 : i32
            %broadcast_in_dim3A_236 = vector.broadcast %broadcast_in_dim3A_235 : i32 to vector<16xi32>
            tpu.vector_store_idx %arg9[%shift_right_logical3A_198, %broadcast_in_dim3A_236, %and3A_201], %gather3A_234 masked %eq3A_188 : memref<64x8x128xf32, #tpu.memory_space<vmem>>[vector<16xi32>, vector<16xi32>, vector<16xi32>], vector<16xf32>, vector<16xi1>
            %broadcast_in_dim3A_237 = arith.constant 7 : i32
            %broadcast_in_dim3A_238 = vector.broadcast %broadcast_in_dim3A_237 : i32 to vector<16xi32>
            %gather3A_239 = tpu.vector_load_idx %arg7[%broadcast_in_dim3A_238, %sub3A_195] masked %eq3A_188 : memref<8x4096xf32, #tpu.memory_space<vmem>>[vector<16xi32>, vector<16xi32>], vector<16xf32>, vector<16xi1>
            %broadcast_in_dim3A_240 = arith.constant 7 : i32
            %broadcast_in_dim3A_241 = vector.broadcast %broadcast_in_dim3A_240 : i32 to vector<16xi32>
            tpu.vector_store_idx %arg9[%shift_right_logical3A_198, %broadcast_in_dim3A_241, %and3A_201], %gather3A_239 masked %eq3A_188 : memref<64x8x128xf32, #tpu.memory_space<vmem>>[vector<16xi32>, vector<16xi32>, vector<16xi32>], vector<16xf32>, vector<16xi1>
          }
          %scan3A_173 = arith.constant 512 : i32
        } else {
        }
        %broadcast_in_dim3A_135 = arith.constant 25 : i32
        %broadcast_in_dim3A_136 = vector.broadcast %broadcast_in_dim3A_135 : i32 to vector<16xi32>
        %gather3A_137 = tpu.vector_load_idx %arg11[%broadcast_in_dim3A_136] : memref<64xi32, #tpu.memory_space<vmem>>[vector<16xi32>], vector<16xi32>,
        %slice3A_138 = vector.extract_strided_slice %gather3A_137 {offsets = [0], sizes = [1], strides = [1]} : vector<16xi32> to vector<1xi32>
        %squeeze3A_139 = vector.extract %slice3A_138[0] : i32 from vector<1xi32>
        %min3A_140 = arith.constant 352 : i32
        %min3A_141 = arith.minsi %squeeze3A_139, %min3A_140 : i32
        %add3A_142 = arith.constant 15 : i32
        %add3A_143 = arith.addi %min3A_141, %add3A_142 : i32
        %div3A_144 = arith.constant 16 : i32
        %div3A_145 = arith.divsi %add3A_143, %div3A_144 : i32
        %while3A_146 = arith.constant 0 : i32
        %while3A_147 = arith.constant 0 : i32
        %while3A_148 = arith.subi %div3A_145, %while3A_147 : i32
        %while3A_149 = arith.addi %while3A_147, %while3A_148 : i32
        %while3A_150 = arith.constant 1 : i32
        %while3A_151 = arith.divsi %while3A_148, %while3A_150 : i32
        %while3A_152 = arith.muli %while3A_151, %while3A_150 : i32
        %while3A_153 = arith.addi %while3A_147, %while3A_152 : i32
        %while3A_154 = arith.constant 1 : i32
        scf.for %while3A_168 = %while3A_147 to %while3A_153 step %while3A_154  : i32 {
          %mul3A_169 = arith.constant 16 : i32
          %mul3A_170 = arith.muli %while3A_168, %mul3A_169 : i32
          %add3A_171 = arith.constant 8800 : i32
          %add3A_172 = arith.addi %add3A_171, %mul3A_170 : i32
          %get3A = arith.index_cast %add3A_172 : i32 to index
          %get3A_173 = tpu.vector_load %arg10[%get3A] {strides = array<i32>} : memref<9152xi32, #tpu.memory_space<vmem>>, vector<16xi32>,
          %mul3A_174 = arith.constant 16 : i32
          %mul3A_175 = arith.muli %while3A_168, %mul3A_174 : i32
          %add3A_176 = vector.broadcast %mul3A_175 : i32 to vector<16xi32>
          %add3A_177 = arith.addi %add3A_176, %iota3A : vector<16xi32>
          %min3A_178 = arith.constant 352 : i32
          %min3A_179 = arith.minsi %squeeze3A_139, %min3A_178 : i32
          %lt3A_180 = vector.broadcast %min3A_179 : i32 to vector<16xi32>
          %lt3A_181 = arith.cmpi slt, %add3A_177, %lt3A_180 : vector<16xi32>
          %and3A_182 = arith.constant 131071 : i32
          %and3A_183 = vector.broadcast %and3A_182 : i32 to vector<16xi32>
          %and3A_184 = arith.andi %get3A_173, %and3A_183 : vector<16xi32>
          %shift_right_logical3A = arith.constant 17 : i32
          %shift_right_logical3A_185 = vector.broadcast %shift_right_logical3A : i32 to vector<16xi32>
          %shift_right_logical3A_186 = arith.shrui %get3A_173, %shift_right_logical3A_185 : vector<16xi32>
          %sub3A_187 = arith.constant 99968 : i32
          %sub3A_188 = vector.broadcast %sub3A_187 : i32 to vector<16xi32>
          %sub3A_189 = arith.subi %and3A_184, %sub3A_188 : vector<16xi32>
          %shift_right_logical3A_190 = arith.constant 7 : i32
          %shift_right_logical3A_191 = vector.broadcast %shift_right_logical3A_190 : i32 to vector<16xi32>
          %shift_right_logical3A_192 = arith.shrui %shift_right_logical3A_186, %shift_right_logical3A_191 : vector<16xi32>
          %and3A_193 = arith.constant 127 : i32
          %and3A_194 = vector.broadcast %and3A_193 : i32 to vector<16xi32>
          %and3A_195 = arith.andi %shift_right_logical3A_186, %and3A_194 : vector<16xi32>
          %mul3A_196 = arith.constant 16 : i32
          %mul3A_197 = arith.muli %select_n3A, %mul3A_196 : i32
          %mul3A_198 = arith.constant 8 : i32
          %mul3A_199 = arith.muli %select_n3A_74, %mul3A_198 : i32
          %add3A_200 = arith.addi %mul3A_197, %mul3A_199 : i32
          %add3A_201 = arith.constant 0 : i32
          %add3A_202 = arith.addi %add3A_200, %add3A_201 : i32
          %mul3A_203 = arith.constant 32 : i32
          %mul3A_204 = arith.muli %add3A_202, %mul3A_203 : i32
          %add3A_205 = vector.broadcast %mul3A_204 : i32 to vector<16xi32>
          %add3A_206 = arith.addi %add3A_205, %sub3A_189 : vector<16xi32>
          %gather3A_207 = tpu.vector_load_idx %arg13[%add3A_206] masked %lt3A_181 : memref<13312xf32, #tpu.memory_space<vmem>>[vector<16xi32>], vector<16xf32>, vector<16xi1>
          %broadcast_in_dim3A_208 = arith.constant 0 : i32
          %broadcast_in_dim3A_209 = vector.broadcast %broadcast_in_dim3A_208 : i32 to vector<16xi32>
          tpu.vector_store_idx %arg9[%shift_right_logical3A_192, %broadcast_in_dim3A_209, %and3A_195], %gather3A_207 masked %lt3A_181 : memref<64x8x128xf32, #tpu.memory_space<vmem>>[vector<16xi32>, vector<16xi32>, vector<16xi32>], vector<16xf32>, vector<16xi1>
          %mul3A_210 = arith.constant 16 : i32
          %mul3A_211 = arith.muli %select_n3A, %mul3A_210 : i32
          %mul3A_212 = arith.constant 8 : i32
          %mul3A_213 = arith.muli %select_n3A_74, %mul3A_212 : i32
          %add3A_214 = arith.addi %mul3A_211, %mul3A_213 : i32
          %add3A_215 = arith.constant 1 : i32
          %add3A_216 = arith.addi %add3A_214, %add3A_215 : i32
          %mul3A_217 = arith.constant 32 : i32
          %mul3A_218 = arith.muli %add3A_216, %mul3A_217 : i32
          %add3A_219 = vector.broadcast %mul3A_218 : i32 to vector<16xi32>
          %add3A_220 = arith.addi %add3A_219, %sub3A_189 : vector<16xi32>
          %gather3A_221 = tpu.vector_load_idx %arg13[%add3A_220] masked %lt3A_181 : memref<13312xf32, #tpu.memory_space<vmem>>[vector<16xi32>], vector<16xf32>, vector<16xi1>
          %broadcast_in_dim3A_222 = arith.constant 1 : i32
          %broadcast_in_dim3A_223 = vector.broadcast %broadcast_in_dim3A_222 : i32 to vector<16xi32>
          tpu.vector_store_idx %arg9[%shift_right_logical3A_192, %broadcast_in_dim3A_223, %and3A_195], %gather3A_221 masked %lt3A_181 : memref<64x8x128xf32, #tpu.memory_space<vmem>>[vector<16xi32>, vector<16xi32>, vector<16xi32>], vector<16xf32>, vector<16xi1>
          %mul3A_224 = arith.constant 16 : i32
          %mul3A_225 = arith.muli %select_n3A, %mul3A_224 : i32
          %mul3A_226 = arith.constant 8 : i32
          %mul3A_227 = arith.muli %select_n3A_74, %mul3A_226 : i32
          %add3A_228 = arith.addi %mul3A_225, %mul3A_227 : i32
          %add3A_229 = arith.constant 2 : i32
          %add3A_230 = arith.addi %add3A_228, %add3A_229 : i32
          %mul3A_231 = arith.constant 32 : i32
          %mul3A_232 = arith.muli %add3A_230, %mul3A_231 : i32
          %add3A_233 = vector.broadcast %mul3A_232 : i32 to vector<16xi32>
          %add3A_234 = arith.addi %add3A_233, %sub3A_189 : vector<16xi32>
          %gather3A_235 = tpu.vector_load_idx %arg13[%add3A_234] masked %lt3A_181 : memref<13312xf32, #tpu.memory_space<vmem>>[vector<16xi32>], vector<16xf32>, vector<16xi1>
          %broadcast_in_dim3A_236 = arith.constant 2 : i32
          %broadcast_in_dim3A_237 = vector.broadcast %broadcast_in_dim3A_236 : i32 to vector<16xi32>
          tpu.vector_store_idx %arg9[%shift_right_logical3A_192, %broadcast_in_dim3A_237, %and3A_195], %gather3A_235 masked %lt3A_181 : memref<64x8x128xf32, #tpu.memory_space<vmem>>[vector<16xi32>, vector<16xi32>, vector<16xi32>], vector<16xf32>, vector<16xi1>
          %mul3A_238 = arith.constant 16 : i32
          %mul3A_239 = arith.muli %select_n3A, %mul3A_238 : i32
          %mul3A_240 = arith.constant 8 : i32
          %mul3A_241 = arith.muli %select_n3A_74, %mul3A_240 : i32
          %add3A_242 = arith.addi %mul3A_239, %mul3A_241 : i32
          %add3A_243 = arith.constant 3 : i32
          %add3A_244 = arith.addi %add3A_242, %add3A_243 : i32
          %mul3A_245 = arith.constant 32 : i32
          %mul3A_246 = arith.muli %add3A_244, %mul3A_245 : i32
          %add3A_247 = vector.broadcast %mul3A_246 : i32 to vector<16xi32>
          %add3A_248 = arith.addi %add3A_247, %sub3A_189 : vector<16xi32>
          %gather3A_249 = tpu.vector_load_idx %arg13[%add3A_248] masked %lt3A_181 : memref<13312xf32, #tpu.memory_space<vmem>>[vector<16xi32>], vector<16xf32>, vector<16xi1>
          %broadcast_in_dim3A_250 = arith.constant 3 : i32
          %broadcast_in_dim3A_251 = vector.broadcast %broadcast_in_dim3A_250 : i32 to vector<16xi32>
          tpu.vector_store_idx %arg9[%shift_right_logical3A_192, %broadcast_in_dim3A_251, %and3A_195], %gather3A_249 masked %lt3A_181 : memref<64x8x128xf32, #tpu.memory_space<vmem>>[vector<16xi32>, vector<16xi32>, vector<16xi32>], vector<16xf32>, vector<16xi1>
          %mul3A_252 = arith.constant 16 : i32
          %mul3A_253 = arith.muli %select_n3A, %mul3A_252 : i32
          %mul3A_254 = arith.constant 8 : i32
          %mul3A_255 = arith.muli %select_n3A_74, %mul3A_254 : i32
          %add3A_256 = arith.addi %mul3A_253, %mul3A_255 : i32
          %add3A_257 = arith.constant 4 : i32
          %add3A_258 = arith.addi %add3A_256, %add3A_257 : i32
          %mul3A_259 = arith.constant 32 : i32
          %mul3A_260 = arith.muli %add3A_258, %mul3A_259 : i32
          %add3A_261 = vector.broadcast %mul3A_260 : i32 to vector<16xi32>
          %add3A_262 = arith.addi %add3A_261, %sub3A_189 : vector<16xi32>
          %gather3A_263 = tpu.vector_load_idx %arg13[%add3A_262] masked %lt3A_181 : memref<13312xf32, #tpu.memory_space<vmem>>[vector<16xi32>], vector<16xf32>, vector<16xi1>
          %broadcast_in_dim3A_264 = arith.constant 4 : i32
          %broadcast_in_dim3A_265 = vector.broadcast %broadcast_in_dim3A_264 : i32 to vector<16xi32>
          tpu.vector_store_idx %arg9[%shift_right_logical3A_192, %broadcast_in_dim3A_265, %and3A_195], %gather3A_263 masked %lt3A_181 : memref<64x8x128xf32, #tpu.memory_space<vmem>>[vector<16xi32>, vector<16xi32>, vector<16xi32>], vector<16xf32>, vector<16xi1>
          %mul3A_266 = arith.constant 16 : i32
          %mul3A_267 = arith.muli %select_n3A, %mul3A_266 : i32
          %mul3A_268 = arith.constant 8 : i32
          %mul3A_269 = arith.muli %select_n3A_74, %mul3A_268 : i32
          %add3A_270 = arith.addi %mul3A_267, %mul3A_269 : i32
          %add3A_271 = arith.constant 5 : i32
          %add3A_272 = arith.addi %add3A_270, %add3A_271 : i32
          %mul3A_273 = arith.constant 32 : i32
          %mul3A_274 = arith.muli %add3A_272, %mul3A_273 : i32
          %add3A_275 = vector.broadcast %mul3A_274 : i32 to vector<16xi32>
          %add3A_276 = arith.addi %add3A_275, %sub3A_189 : vector<16xi32>
          %gather3A_277 = tpu.vector_load_idx %arg13[%add3A_276] masked %lt3A_181 : memref<13312xf32, #tpu.memory_space<vmem>>[vector<16xi32>], vector<16xf32>, vector<16xi1>
          %broadcast_in_dim3A_278 = arith.constant 5 : i32
          %broadcast_in_dim3A_279 = vector.broadcast %broadcast_in_dim3A_278 : i32 to vector<16xi32>
          tpu.vector_store_idx %arg9[%shift_right_logical3A_192, %broadcast_in_dim3A_279, %and3A_195], %gather3A_277 masked %lt3A_181 : memref<64x8x128xf32, #tpu.memory_space<vmem>>[vector<16xi32>, vector<16xi32>, vector<16xi32>], vector<16xf32>, vector<16xi1>
          %mul3A_280 = arith.constant 16 : i32
          %mul3A_281 = arith.muli %select_n3A, %mul3A_280 : i32
          %mul3A_282 = arith.constant 8 : i32
          %mul3A_283 = arith.muli %select_n3A_74, %mul3A_282 : i32
          %add3A_284 = arith.addi %mul3A_281, %mul3A_283 : i32
          %add3A_285 = arith.constant 6 : i32
          %add3A_286 = arith.addi %add3A_284, %add3A_285 : i32
          %mul3A_287 = arith.constant 32 : i32
          %mul3A_288 = arith.muli %add3A_286, %mul3A_287 : i32
          %add3A_289 = vector.broadcast %mul3A_288 : i32 to vector<16xi32>
          %add3A_290 = arith.addi %add3A_289, %sub3A_189 : vector<16xi32>
          %gather3A_291 = tpu.vector_load_idx %arg13[%add3A_290] masked %lt3A_181 : memref<13312xf32, #tpu.memory_space<vmem>>[vector<16xi32>], vector<16xf32>, vector<16xi1>
          %broadcast_in_dim3A_292 = arith.constant 6 : i32
          %broadcast_in_dim3A_293 = vector.broadcast %broadcast_in_dim3A_292 : i32 to vector<16xi32>
          tpu.vector_store_idx %arg9[%shift_right_logical3A_192, %broadcast_in_dim3A_293, %and3A_195], %gather3A_291 masked %lt3A_181 : memref<64x8x128xf32, #tpu.memory_space<vmem>>[vector<16xi32>, vector<16xi32>, vector<16xi32>], vector<16xf32>, vector<16xi1>
          %mul3A_294 = arith.constant 16 : i32
          %mul3A_295 = arith.muli %select_n3A, %mul3A_294 : i32
          %mul3A_296 = arith.constant 8 : i32
          %mul3A_297 = arith.muli %select_n3A_74, %mul3A_296 : i32
          %add3A_298 = arith.addi %mul3A_295, %mul3A_297 : i32
          %add3A_299 = arith.constant 7 : i32
          %add3A_300 = arith.addi %add3A_298, %add3A_299 : i32
          %mul3A_301 = arith.constant 32 : i32
          %mul3A_302 = arith.muli %add3A_300, %mul3A_301 : i32
          %add3A_303 = vector.broadcast %mul3A_302 : i32 to vector<16xi32>
          %add3A_304 = arith.addi %add3A_303, %sub3A_189 : vector<16xi32>
          %gather3A_305 = tpu.vector_load_idx %arg13[%add3A_304] masked %lt3A_181 : memref<13312xf32, #tpu.memory_space<vmem>>[vector<16xi32>], vector<16xf32>, vector<16xi1>
          %broadcast_in_dim3A_306 = arith.constant 7 : i32
          %broadcast_in_dim3A_307 = vector.broadcast %broadcast_in_dim3A_306 : i32 to vector<16xi32>
          tpu.vector_store_idx %arg9[%shift_right_logical3A_192, %broadcast_in_dim3A_307, %and3A_195], %gather3A_305 masked %lt3A_181 : memref<64x8x128xf32, #tpu.memory_space<vmem>>[vector<16xi32>, vector<16xi32>, vector<16xi32>], vector<16xf32>, vector<16xi1>
        }
        %while3A_155 = arith.constant 1 : i32
        scf.for %while3A_168 = %while3A_153 to %while3A_149 step %while3A_155  : i32 {
          %mul3A_169 = arith.constant 16 : i32
          %mul3A_170 = arith.muli %while3A_168, %mul3A_169 : i32
          %add3A_171 = arith.constant 8800 : i32
          %add3A_172 = arith.addi %add3A_171, %mul3A_170 : i32
          %get3A = arith.index_cast %add3A_172 : i32 to index
          %get3A_173 = tpu.vector_load %arg10[%get3A] {strides = array<i32>} : memref<9152xi32, #tpu.memory_space<vmem>>, vector<16xi32>,
          %mul3A_174 = arith.constant 16 : i32
          %mul3A_175 = arith.muli %while3A_168, %mul3A_174 : i32
          %add3A_176 = vector.broadcast %mul3A_175 : i32 to vector<16xi32>
          %add3A_177 = arith.addi %add3A_176, %iota3A : vector<16xi32>
          %min3A_178 = arith.constant 352 : i32
          %min3A_179 = arith.minsi %squeeze3A_139, %min3A_178 : i32
          %lt3A_180 = vector.broadcast %min3A_179 : i32 to vector<16xi32>
          %lt3A_181 = arith.cmpi slt, %add3A_177, %lt3A_180 : vector<16xi32>
          %and3A_182 = arith.constant 131071 : i32
          %and3A_183 = vector.broadcast %and3A_182 : i32 to vector<16xi32>
          %and3A_184 = arith.andi %get3A_173, %and3A_183 : vector<16xi32>
          %shift_right_logical3A = arith.constant 17 : i32
          %shift_right_logical3A_185 = vector.broadcast %shift_right_logical3A : i32 to vector<16xi32>
          %shift_right_logical3A_186 = arith.shrui %get3A_173, %shift_right_logical3A_185 : vector<16xi32>
          %sub3A_187 = arith.constant 99968 : i32
          %sub3A_188 = vector.broadcast %sub3A_187 : i32 to vector<16xi32>
          %sub3A_189 = arith.subi %and3A_184, %sub3A_188 : vector<16xi32>
          %shift_right_logical3A_190 = arith.constant 7 : i32
          %shift_right_logical3A_191 = vector.broadcast %shift_right_logical3A_190 : i32 to vector<16xi32>
          %shift_right_logical3A_192 = arith.shrui %shift_right_logical3A_186, %shift_right_logical3A_191 : vector<16xi32>
          %and3A_193 = arith.constant 127 : i32
          %and3A_194 = vector.broadcast %and3A_193 : i32 to vector<16xi32>
          %and3A_195 = arith.andi %shift_right_logical3A_186, %and3A_194 : vector<16xi32>
          %mul3A_196 = arith.constant 16 : i32
          %mul3A_197 = arith.muli %select_n3A, %mul3A_196 : i32
          %mul3A_198 = arith.constant 8 : i32
          %mul3A_199 = arith.muli %select_n3A_74, %mul3A_198 : i32
          %add3A_200 = arith.addi %mul3A_197, %mul3A_199 : i32
          %add3A_201 = arith.constant 0 : i32
          %add3A_202 = arith.addi %add3A_200, %add3A_201 : i32
          %mul3A_203 = arith.constant 32 : i32
          %mul3A_204 = arith.muli %add3A_202, %mul3A_203 : i32
          %add3A_205 = vector.broadcast %mul3A_204 : i32 to vector<16xi32>
          %add3A_206 = arith.addi %add3A_205, %sub3A_189 : vector<16xi32>
          %gather3A_207 = tpu.vector_load_idx %arg13[%add3A_206] masked %lt3A_181 : memref<13312xf32, #tpu.memory_space<vmem>>[vector<16xi32>], vector<16xf32>, vector<16xi1>
          %broadcast_in_dim3A_208 = arith.constant 0 : i32
          %broadcast_in_dim3A_209 = vector.broadcast %broadcast_in_dim3A_208 : i32 to vector<16xi32>
          tpu.vector_store_idx %arg9[%shift_right_logical3A_192, %broadcast_in_dim3A_209, %and3A_195], %gather3A_207 masked %lt3A_181 : memref<64x8x128xf32, #tpu.memory_space<vmem>>[vector<16xi32>, vector<16xi32>, vector<16xi32>], vector<16xf32>, vector<16xi1>
          %mul3A_210 = arith.constant 16 : i32
          %mul3A_211 = arith.muli %select_n3A, %mul3A_210 : i32
          %mul3A_212 = arith.constant 8 : i32
          %mul3A_213 = arith.muli %select_n3A_74, %mul3A_212 : i32
          %add3A_214 = arith.addi %mul3A_211, %mul3A_213 : i32
          %add3A_215 = arith.constant 1 : i32
          %add3A_216 = arith.addi %add3A_214, %add3A_215 : i32
          %mul3A_217 = arith.constant 32 : i32
          %mul3A_218 = arith.muli %add3A_216, %mul3A_217 : i32
          %add3A_219 = vector.broadcast %mul3A_218 : i32 to vector<16xi32>
          %add3A_220 = arith.addi %add3A_219, %sub3A_189 : vector<16xi32>
          %gather3A_221 = tpu.vector_load_idx %arg13[%add3A_220] masked %lt3A_181 : memref<13312xf32, #tpu.memory_space<vmem>>[vector<16xi32>], vector<16xf32>, vector<16xi1>
          %broadcast_in_dim3A_222 = arith.constant 1 : i32
          %broadcast_in_dim3A_223 = vector.broadcast %broadcast_in_dim3A_222 : i32 to vector<16xi32>
          tpu.vector_store_idx %arg9[%shift_right_logical3A_192, %broadcast_in_dim3A_223, %and3A_195], %gather3A_221 masked %lt3A_181 : memref<64x8x128xf32, #tpu.memory_space<vmem>>[vector<16xi32>, vector<16xi32>, vector<16xi32>], vector<16xf32>, vector<16xi1>
          %mul3A_224 = arith.constant 16 : i32
          %mul3A_225 = arith.muli %select_n3A, %mul3A_224 : i32
          %mul3A_226 = arith.constant 8 : i32
          %mul3A_227 = arith.muli %select_n3A_74, %mul3A_226 : i32
          %add3A_228 = arith.addi %mul3A_225, %mul3A_227 : i32
          %add3A_229 = arith.constant 2 : i32
          %add3A_230 = arith.addi %add3A_228, %add3A_229 : i32
          %mul3A_231 = arith.constant 32 : i32
          %mul3A_232 = arith.muli %add3A_230, %mul3A_231 : i32
          %add3A_233 = vector.broadcast %mul3A_232 : i32 to vector<16xi32>
          %add3A_234 = arith.addi %add3A_233, %sub3A_189 : vector<16xi32>
          %gather3A_235 = tpu.vector_load_idx %arg13[%add3A_234] masked %lt3A_181 : memref<13312xf32, #tpu.memory_space<vmem>>[vector<16xi32>], vector<16xf32>, vector<16xi1>
          %broadcast_in_dim3A_236 = arith.constant 2 : i32
          %broadcast_in_dim3A_237 = vector.broadcast %broadcast_in_dim3A_236 : i32 to vector<16xi32>
          tpu.vector_store_idx %arg9[%shift_right_logical3A_192, %broadcast_in_dim3A_237, %and3A_195], %gather3A_235 masked %lt3A_181 : memref<64x8x128xf32, #tpu.memory_space<vmem>>[vector<16xi32>, vector<16xi32>, vector<16xi32>], vector<16xf32>, vector<16xi1>
          %mul3A_238 = arith.constant 16 : i32
          %mul3A_239 = arith.muli %select_n3A, %mul3A_238 : i32
          %mul3A_240 = arith.constant 8 : i32
          %mul3A_241 = arith.muli %select_n3A_74, %mul3A_240 : i32
          %add3A_242 = arith.addi %mul3A_239, %mul3A_241 : i32
          %add3A_243 = arith.constant 3 : i32
          %add3A_244 = arith.addi %add3A_242, %add3A_243 : i32
          %mul3A_245 = arith.constant 32 : i32
          %mul3A_246 = arith.muli %add3A_244, %mul3A_245 : i32
          %add3A_247 = vector.broadcast %mul3A_246 : i32 to vector<16xi32>
          %add3A_248 = arith.addi %add3A_247, %sub3A_189 : vector<16xi32>
          %gather3A_249 = tpu.vector_load_idx %arg13[%add3A_248] masked %lt3A_181 : memref<13312xf32, #tpu.memory_space<vmem>>[vector<16xi32>], vector<16xf32>, vector<16xi1>
          %broadcast_in_dim3A_250 = arith.constant 3 : i32
          %broadcast_in_dim3A_251 = vector.broadcast %broadcast_in_dim3A_250 : i32 to vector<16xi32>
          tpu.vector_store_idx %arg9[%shift_right_logical3A_192, %broadcast_in_dim3A_251, %and3A_195], %gather3A_249 masked %lt3A_181 : memref<64x8x128xf32, #tpu.memory_space<vmem>>[vector<16xi32>, vector<16xi32>, vector<16xi32>], vector<16xf32>, vector<16xi1>
          %mul3A_252 = arith.constant 16 : i32
          %mul3A_253 = arith.muli %select_n3A, %mul3A_252 : i32
          %mul3A_254 = arith.constant 8 : i32
          %mul3A_255 = arith.muli %select_n3A_74, %mul3A_254 : i32
          %add3A_256 = arith.addi %mul3A_253, %mul3A_255 : i32
          %add3A_257 = arith.constant 4 : i32
          %add3A_258 = arith.addi %add3A_256, %add3A_257 : i32
          %mul3A_259 = arith.constant 32 : i32
          %mul3A_260 = arith.muli %add3A_258, %mul3A_259 : i32
          %add3A_261 = vector.broadcast %mul3A_260 : i32 to vector<16xi32>
          %add3A_262 = arith.addi %add3A_261, %sub3A_189 : vector<16xi32>
          %gather3A_263 = tpu.vector_load_idx %arg13[%add3A_262] masked %lt3A_181 : memref<13312xf32, #tpu.memory_space<vmem>>[vector<16xi32>], vector<16xf32>, vector<16xi1>
          %broadcast_in_dim3A_264 = arith.constant 4 : i32
          %broadcast_in_dim3A_265 = vector.broadcast %broadcast_in_dim3A_264 : i32 to vector<16xi32>
          tpu.vector_store_idx %arg9[%shift_right_logical3A_192, %broadcast_in_dim3A_265, %and3A_195], %gather3A_263 masked %lt3A_181 : memref<64x8x128xf32, #tpu.memory_space<vmem>>[vector<16xi32>, vector<16xi32>, vector<16xi32>], vector<16xf32>, vector<16xi1>
          %mul3A_266 = arith.constant 16 : i32
          %mul3A_267 = arith.muli %select_n3A, %mul3A_266 : i32
          %mul3A_268 = arith.constant 8 : i32
          %mul3A_269 = arith.muli %select_n3A_74, %mul3A_268 : i32
          %add3A_270 = arith.addi %mul3A_267, %mul3A_269 : i32
          %add3A_271 = arith.constant 5 : i32
          %add3A_272 = arith.addi %add3A_270, %add3A_271 : i32
          %mul3A_273 = arith.constant 32 : i32
          %mul3A_274 = arith.muli %add3A_272, %mul3A_273 : i32
          %add3A_275 = vector.broadcast %mul3A_274 : i32 to vector<16xi32>
          %add3A_276 = arith.addi %add3A_275, %sub3A_189 : vector<16xi32>
          %gather3A_277 = tpu.vector_load_idx %arg13[%add3A_276] masked %lt3A_181 : memref<13312xf32, #tpu.memory_space<vmem>>[vector<16xi32>], vector<16xf32>, vector<16xi1>
          %broadcast_in_dim3A_278 = arith.constant 5 : i32
          %broadcast_in_dim3A_279 = vector.broadcast %broadcast_in_dim3A_278 : i32 to vector<16xi32>
          tpu.vector_store_idx %arg9[%shift_right_logical3A_192, %broadcast_in_dim3A_279, %and3A_195], %gather3A_277 masked %lt3A_181 : memref<64x8x128xf32, #tpu.memory_space<vmem>>[vector<16xi32>, vector<16xi32>, vector<16xi32>], vector<16xf32>, vector<16xi1>
          %mul3A_280 = arith.constant 16 : i32
          %mul3A_281 = arith.muli %select_n3A, %mul3A_280 : i32
          %mul3A_282 = arith.constant 8 : i32
          %mul3A_283 = arith.muli %select_n3A_74, %mul3A_282 : i32
          %add3A_284 = arith.addi %mul3A_281, %mul3A_283 : i32
          %add3A_285 = arith.constant 6 : i32
          %add3A_286 = arith.addi %add3A_284, %add3A_285 : i32
          %mul3A_287 = arith.constant 32 : i32
          %mul3A_288 = arith.muli %add3A_286, %mul3A_287 : i32
          %add3A_289 = vector.broadcast %mul3A_288 : i32 to vector<16xi32>
          %add3A_290 = arith.addi %add3A_289, %sub3A_189 : vector<16xi32>
          %gather3A_291 = tpu.vector_load_idx %arg13[%add3A_290] masked %lt3A_181 : memref<13312xf32, #tpu.memory_space<vmem>>[vector<16xi32>], vector<16xf32>, vector<16xi1>
          %broadcast_in_dim3A_292 = arith.constant 6 : i32
          %broadcast_in_dim3A_293 = vector.broadcast %broadcast_in_dim3A_292 : i32 to vector<16xi32>
          tpu.vector_store_idx %arg9[%shift_right_logical3A_192, %broadcast_in_dim3A_293, %and3A_195], %gather3A_291 masked %lt3A_181 : memref<64x8x128xf32, #tpu.memory_space<vmem>>[vector<16xi32>, vector<16xi32>, vector<16xi32>], vector<16xf32>, vector<16xi1>
          %mul3A_294 = arith.constant 16 : i32
          %mul3A_295 = arith.muli %select_n3A, %mul3A_294 : i32
          %mul3A_296 = arith.constant 8 : i32
          %mul3A_297 = arith.muli %select_n3A_74, %mul3A_296 : i32
          %add3A_298 = arith.addi %mul3A_295, %mul3A_297 : i32
          %add3A_299 = arith.constant 7 : i32
          %add3A_300 = arith.addi %add3A_298, %add3A_299 : i32
          %mul3A_301 = arith.constant 32 : i32
          %mul3A_302 = arith.muli %add3A_300, %mul3A_301 : i32
          %add3A_303 = vector.broadcast %mul3A_302 : i32 to vector<16xi32>
          %add3A_304 = arith.addi %add3A_303, %sub3A_189 : vector<16xi32>
          %gather3A_305 = tpu.vector_load_idx %arg13[%add3A_304] masked %lt3A_181 : memref<13312xf32, #tpu.memory_space<vmem>>[vector<16xi32>], vector<16xf32>, vector<16xi1>
          %broadcast_in_dim3A_306 = arith.constant 7 : i32
          %broadcast_in_dim3A_307 = vector.broadcast %broadcast_in_dim3A_306 : i32 to vector<16xi32>
          tpu.vector_store_idx %arg9[%shift_right_logical3A_192, %broadcast_in_dim3A_307, %and3A_195], %gather3A_305 masked %lt3A_181 : memref<64x8x128xf32, #tpu.memory_space<vmem>>[vector<16xi32>, vector<16xi32>, vector<16xi32>], vector<16xf32>, vector<16xi1>
        }
        %gt3A_156 = arith.constant 352 : i32
        %gt3A_157 = arith.cmpi sgt, %squeeze3A_139, %gt3A_156 : i32
        %convert_element_type3A_158 = arith.extui %gt3A_157 : i1 to i32
        %cond3A_159 = arith.constant 0 : i32
        %cond3A_160 = arith.cmpi ne, %convert_element_type3A_158, %cond3A_159 : i32
        scf.if %cond3A_160 {
          %scan3A_168 = arith.constant 0 : i32
          %scan3A_169 = arith.constant 0 : i32
          %scan3A_170 = arith.constant 512 : i32
          %scan3A_171 = arith.addi %scan3A_169, %scan3A_170 : i32
          %scan3A_172 = arith.constant 1 : i32
          scf.for %scan3A_174 = %scan3A_169 to %scan3A_171 step %scan3A_172  : i32 {
            %mul3A_175 = arith.constant 16 : i32
            %mul3A_176 = arith.muli %scan3A_174, %mul3A_175 : i32
            %get3A = arith.index_cast %mul3A_176 : i32 to index
            %get3A_177 = tpu.vector_load %arg8[%get3A] {strides = array<i32>} : memref<8192xi32, #tpu.memory_space<vmem>>, vector<16xi32>,
            %ge3A_178 = arith.constant 99968 : i32
            %ge3A_179 = vector.broadcast %ge3A_178 : i32 to vector<16xi32>
            %ge3A_180 = arith.cmpi sge, %get3A_177, %ge3A_179 : vector<16xi32>
            %shift_right_logical3A = arith.constant 12 : i32
            %shift_right_logical3A_181 = vector.broadcast %shift_right_logical3A : i32 to vector<16xi32>
            %shift_right_logical3A_182 = arith.shrui %get3A_177, %shift_right_logical3A_181 : vector<16xi32>
            %jit3A_183 = arith.constant 25 : i32
            %broadcast_in_dim3A_184 = vector.broadcast %jit3A_183 : i32 to vector<16xi32>
            %select_n3A_185 = arith.select %ge3A_180, %broadcast_in_dim3A_184, %shift_right_logical3A_182 : vector<16xi1>, vector<16xi32>
            %eq3A_186 = arith.constant 25 : i32
            %eq3A_187 = vector.broadcast %eq3A_186 : i32 to vector<16xi32>
            %eq3A_188 = arith.cmpi eq, %select_n3A_185, %eq3A_187 : vector<16xi32>
            %mul3A_189 = arith.constant 16 : i32
            %mul3A_190 = arith.muli %scan3A_174, %mul3A_189 : i32
            %add3A_191 = vector.broadcast %mul3A_190 : i32 to vector<16xi32>
            %add3A_192 = arith.addi %add3A_191, %iota3A : vector<16xi32>
            %sub3A_193 = arith.constant 99968 : i32
            %sub3A_194 = vector.broadcast %sub3A_193 : i32 to vector<16xi32>
            %sub3A_195 = arith.subi %get3A_177, %sub3A_194 : vector<16xi32>
            %shift_right_logical3A_196 = arith.constant 7 : i32
            %shift_right_logical3A_197 = vector.broadcast %shift_right_logical3A_196 : i32 to vector<16xi32>
            %shift_right_logical3A_198 = arith.shrui %add3A_192, %shift_right_logical3A_197 : vector<16xi32>
            %and3A_199 = arith.constant 127 : i32
            %and3A_200 = vector.broadcast %and3A_199 : i32 to vector<16xi32>
            %and3A_201 = arith.andi %add3A_192, %and3A_200 : vector<16xi32>
            %mul3A_202 = arith.constant 16 : i32
            %mul3A_203 = arith.muli %select_n3A, %mul3A_202 : i32
            %mul3A_204 = arith.constant 8 : i32
            %mul3A_205 = arith.muli %select_n3A_74, %mul3A_204 : i32
            %add3A_206 = arith.addi %mul3A_203, %mul3A_205 : i32
            %add3A_207 = arith.constant 0 : i32
            %add3A_208 = arith.addi %add3A_206, %add3A_207 : i32
            %mul3A_209 = arith.constant 32 : i32
            %mul3A_210 = arith.muli %add3A_208, %mul3A_209 : i32
            %add3A_211 = vector.broadcast %mul3A_210 : i32 to vector<16xi32>
            %add3A_212 = arith.addi %add3A_211, %sub3A_195 : vector<16xi32>
            %gather3A_213 = tpu.vector_load_idx %arg13[%add3A_212] masked %eq3A_188 : memref<13312xf32, #tpu.memory_space<vmem>>[vector<16xi32>], vector<16xf32>, vector<16xi1>
            %broadcast_in_dim3A_214 = arith.constant 0 : i32
            %broadcast_in_dim3A_215 = vector.broadcast %broadcast_in_dim3A_214 : i32 to vector<16xi32>
            tpu.vector_store_idx %arg9[%shift_right_logical3A_198, %broadcast_in_dim3A_215, %and3A_201], %gather3A_213 masked %eq3A_188 : memref<64x8x128xf32, #tpu.memory_space<vmem>>[vector<16xi32>, vector<16xi32>, vector<16xi32>], vector<16xf32>, vector<16xi1>
            %mul3A_216 = arith.constant 16 : i32
            %mul3A_217 = arith.muli %select_n3A, %mul3A_216 : i32
            %mul3A_218 = arith.constant 8 : i32
            %mul3A_219 = arith.muli %select_n3A_74, %mul3A_218 : i32
            %add3A_220 = arith.addi %mul3A_217, %mul3A_219 : i32
            %add3A_221 = arith.constant 1 : i32
            %add3A_222 = arith.addi %add3A_220, %add3A_221 : i32
            %mul3A_223 = arith.constant 32 : i32
            %mul3A_224 = arith.muli %add3A_222, %mul3A_223 : i32
            %add3A_225 = vector.broadcast %mul3A_224 : i32 to vector<16xi32>
            %add3A_226 = arith.addi %add3A_225, %sub3A_195 : vector<16xi32>
            %gather3A_227 = tpu.vector_load_idx %arg13[%add3A_226] masked %eq3A_188 : memref<13312xf32, #tpu.memory_space<vmem>>[vector<16xi32>], vector<16xf32>, vector<16xi1>
            %broadcast_in_dim3A_228 = arith.constant 1 : i32
            %broadcast_in_dim3A_229 = vector.broadcast %broadcast_in_dim3A_228 : i32 to vector<16xi32>
            tpu.vector_store_idx %arg9[%shift_right_logical3A_198, %broadcast_in_dim3A_229, %and3A_201], %gather3A_227 masked %eq3A_188 : memref<64x8x128xf32, #tpu.memory_space<vmem>>[vector<16xi32>, vector<16xi32>, vector<16xi32>], vector<16xf32>, vector<16xi1>
            %mul3A_230 = arith.constant 16 : i32
            %mul3A_231 = arith.muli %select_n3A, %mul3A_230 : i32
            %mul3A_232 = arith.constant 8 : i32
            %mul3A_233 = arith.muli %select_n3A_74, %mul3A_232 : i32
            %add3A_234 = arith.addi %mul3A_231, %mul3A_233 : i32
            %add3A_235 = arith.constant 2 : i32
            %add3A_236 = arith.addi %add3A_234, %add3A_235 : i32
            %mul3A_237 = arith.constant 32 : i32
            %mul3A_238 = arith.muli %add3A_236, %mul3A_237 : i32
            %add3A_239 = vector.broadcast %mul3A_238 : i32 to vector<16xi32>
            %add3A_240 = arith.addi %add3A_239, %sub3A_195 : vector<16xi32>
            %gather3A_241 = tpu.vector_load_idx %arg13[%add3A_240] masked %eq3A_188 : memref<13312xf32, #tpu.memory_space<vmem>>[vector<16xi32>], vector<16xf32>, vector<16xi1>
            %broadcast_in_dim3A_242 = arith.constant 2 : i32
            %broadcast_in_dim3A_243 = vector.broadcast %broadcast_in_dim3A_242 : i32 to vector<16xi32>
            tpu.vector_store_idx %arg9[%shift_right_logical3A_198, %broadcast_in_dim3A_243, %and3A_201], %gather3A_241 masked %eq3A_188 : memref<64x8x128xf32, #tpu.memory_space<vmem>>[vector<16xi32>, vector<16xi32>, vector<16xi32>], vector<16xf32>, vector<16xi1>
            %mul3A_244 = arith.constant 16 : i32
            %mul3A_245 = arith.muli %select_n3A, %mul3A_244 : i32
            %mul3A_246 = arith.constant 8 : i32
            %mul3A_247 = arith.muli %select_n3A_74, %mul3A_246 : i32
            %add3A_248 = arith.addi %mul3A_245, %mul3A_247 : i32
            %add3A_249 = arith.constant 3 : i32
            %add3A_250 = arith.addi %add3A_248, %add3A_249 : i32
            %mul3A_251 = arith.constant 32 : i32
            %mul3A_252 = arith.muli %add3A_250, %mul3A_251 : i32
            %add3A_253 = vector.broadcast %mul3A_252 : i32 to vector<16xi32>
            %add3A_254 = arith.addi %add3A_253, %sub3A_195 : vector<16xi32>
            %gather3A_255 = tpu.vector_load_idx %arg13[%add3A_254] masked %eq3A_188 : memref<13312xf32, #tpu.memory_space<vmem>>[vector<16xi32>], vector<16xf32>, vector<16xi1>
            %broadcast_in_dim3A_256 = arith.constant 3 : i32
            %broadcast_in_dim3A_257 = vector.broadcast %broadcast_in_dim3A_256 : i32 to vector<16xi32>
            tpu.vector_store_idx %arg9[%shift_right_logical3A_198, %broadcast_in_dim3A_257, %and3A_201], %gather3A_255 masked %eq3A_188 : memref<64x8x128xf32, #tpu.memory_space<vmem>>[vector<16xi32>, vector<16xi32>, vector<16xi32>], vector<16xf32>, vector<16xi1>
            %mul3A_258 = arith.constant 16 : i32
            %mul3A_259 = arith.muli %select_n3A, %mul3A_258 : i32
            %mul3A_260 = arith.constant 8 : i32
            %mul3A_261 = arith.muli %select_n3A_74, %mul3A_260 : i32
            %add3A_262 = arith.addi %mul3A_259, %mul3A_261 : i32
            %add3A_263 = arith.constant 4 : i32
            %add3A_264 = arith.addi %add3A_262, %add3A_263 : i32
            %mul3A_265 = arith.constant 32 : i32
            %mul3A_266 = arith.muli %add3A_264, %mul3A_265 : i32
            %add3A_267 = vector.broadcast %mul3A_266 : i32 to vector<16xi32>
            %add3A_268 = arith.addi %add3A_267, %sub3A_195 : vector<16xi32>
            %gather3A_269 = tpu.vector_load_idx %arg13[%add3A_268] masked %eq3A_188 : memref<13312xf32, #tpu.memory_space<vmem>>[vector<16xi32>], vector<16xf32>, vector<16xi1>
            %broadcast_in_dim3A_270 = arith.constant 4 : i32
            %broadcast_in_dim3A_271 = vector.broadcast %broadcast_in_dim3A_270 : i32 to vector<16xi32>
            tpu.vector_store_idx %arg9[%shift_right_logical3A_198, %broadcast_in_dim3A_271, %and3A_201], %gather3A_269 masked %eq3A_188 : memref<64x8x128xf32, #tpu.memory_space<vmem>>[vector<16xi32>, vector<16xi32>, vector<16xi32>], vector<16xf32>, vector<16xi1>
            %mul3A_272 = arith.constant 16 : i32
            %mul3A_273 = arith.muli %select_n3A, %mul3A_272 : i32
            %mul3A_274 = arith.constant 8 : i32
            %mul3A_275 = arith.muli %select_n3A_74, %mul3A_274 : i32
            %add3A_276 = arith.addi %mul3A_273, %mul3A_275 : i32
            %add3A_277 = arith.constant 5 : i32
            %add3A_278 = arith.addi %add3A_276, %add3A_277 : i32
            %mul3A_279 = arith.constant 32 : i32
            %mul3A_280 = arith.muli %add3A_278, %mul3A_279 : i32
            %add3A_281 = vector.broadcast %mul3A_280 : i32 to vector<16xi32>
            %add3A_282 = arith.addi %add3A_281, %sub3A_195 : vector<16xi32>
            %gather3A_283 = tpu.vector_load_idx %arg13[%add3A_282] masked %eq3A_188 : memref<13312xf32, #tpu.memory_space<vmem>>[vector<16xi32>], vector<16xf32>, vector<16xi1>
            %broadcast_in_dim3A_284 = arith.constant 5 : i32
            %broadcast_in_dim3A_285 = vector.broadcast %broadcast_in_dim3A_284 : i32 to vector<16xi32>
            tpu.vector_store_idx %arg9[%shift_right_logical3A_198, %broadcast_in_dim3A_285, %and3A_201], %gather3A_283 masked %eq3A_188 : memref<64x8x128xf32, #tpu.memory_space<vmem>>[vector<16xi32>, vector<16xi32>, vector<16xi32>], vector<16xf32>, vector<16xi1>
            %mul3A_286 = arith.constant 16 : i32
            %mul3A_287 = arith.muli %select_n3A, %mul3A_286 : i32
            %mul3A_288 = arith.constant 8 : i32
            %mul3A_289 = arith.muli %select_n3A_74, %mul3A_288 : i32
            %add3A_290 = arith.addi %mul3A_287, %mul3A_289 : i32
            %add3A_291 = arith.constant 6 : i32
            %add3A_292 = arith.addi %add3A_290, %add3A_291 : i32
            %mul3A_293 = arith.constant 32 : i32
            %mul3A_294 = arith.muli %add3A_292, %mul3A_293 : i32
            %add3A_295 = vector.broadcast %mul3A_294 : i32 to vector<16xi32>
            %add3A_296 = arith.addi %add3A_295, %sub3A_195 : vector<16xi32>
            %gather3A_297 = tpu.vector_load_idx %arg13[%add3A_296] masked %eq3A_188 : memref<13312xf32, #tpu.memory_space<vmem>>[vector<16xi32>], vector<16xf32>, vector<16xi1>
            %broadcast_in_dim3A_298 = arith.constant 6 : i32
            %broadcast_in_dim3A_299 = vector.broadcast %broadcast_in_dim3A_298 : i32 to vector<16xi32>
            tpu.vector_store_idx %arg9[%shift_right_logical3A_198, %broadcast_in_dim3A_299, %and3A_201], %gather3A_297 masked %eq3A_188 : memref<64x8x128xf32, #tpu.memory_space<vmem>>[vector<16xi32>, vector<16xi32>, vector<16xi32>], vector<16xf32>, vector<16xi1>
            %mul3A_300 = arith.constant 16 : i32
            %mul3A_301 = arith.muli %select_n3A, %mul3A_300 : i32
            %mul3A_302 = arith.constant 8 : i32
            %mul3A_303 = arith.muli %select_n3A_74, %mul3A_302 : i32
            %add3A_304 = arith.addi %mul3A_301, %mul3A_303 : i32
            %add3A_305 = arith.constant 7 : i32
            %add3A_306 = arith.addi %add3A_304, %add3A_305 : i32
            %mul3A_307 = arith.constant 32 : i32
            %mul3A_308 = arith.muli %add3A_306, %mul3A_307 : i32
            %add3A_309 = vector.broadcast %mul3A_308 : i32 to vector<16xi32>
            %add3A_310 = arith.addi %add3A_309, %sub3A_195 : vector<16xi32>
            %gather3A_311 = tpu.vector_load_idx %arg13[%add3A_310] masked %eq3A_188 : memref<13312xf32, #tpu.memory_space<vmem>>[vector<16xi32>], vector<16xf32>, vector<16xi1>
            %broadcast_in_dim3A_312 = arith.constant 7 : i32
            %broadcast_in_dim3A_313 = vector.broadcast %broadcast_in_dim3A_312 : i32 to vector<16xi32>
            tpu.vector_store_idx %arg9[%shift_right_logical3A_198, %broadcast_in_dim3A_313, %and3A_201], %gather3A_311 masked %eq3A_188 : memref<64x8x128xf32, #tpu.memory_space<vmem>>[vector<16xi32>, vector<16xi32>, vector<16xi32>], vector<16xf32>, vector<16xi1>
          }
          %scan3A_173 = arith.constant 512 : i32
        } else {
        }
        %mul3A_161 = arith.constant 2 : i32
        %mul3A_162 = arith.muli %mul3A_161, %select_n3A : i32
        %add3A_163 = arith.constant 2 : i32
        %add3A_164 = arith.addi %add3A_163, %mul3A_162 : i32
        %add3A_165 = arith.addi %add3A_164, %select_n3A_74 : i32
        %mul3A_166 = arith.constant 64 : i32
        %mul3A_167 = arith.muli %select_n3A_90, %mul3A_166 : i32
        "tpu.region"() ({
          %run_scoped3A = tpu.sem_alloc : memref<!tpu.dma_semaphore, #tpu.memory_space<semaphore_mem>>
          %dma_start3A = arith.constant 0 : i32
          %dma_start3A_168 = arith.constant 0 : i32
          %dma_start3A_169 = tpu.memref_slice %arg6[%add3A_165, %mul3A_167, %dma_start3A, %dma_start3A_168] : memref<54x128x8x128xf32, #tpu.memory_space<hbm>> -> memref<1x64x8x128xf32, #tpu.memory_space<hbm>>
          %dma_start3A_170 = tpu.memref_squeeze %dma_start3A_169 : memref<1x64x8x128xf32, #tpu.memory_space<hbm>> -> memref<64x8x128xf32, #tpu.memory_space<hbm>>
          %dma_start3A_171 = arith.constant 0 : i32
          %dma_start3A_172 = arith.constant 0 : i32
          %dma_start3A_173 = tpu.memref_slice %arg6[%add3A_165, %mul3A_167, %dma_start3A_171, %dma_start3A_172] : memref<54x128x8x128xf32, #tpu.memory_space<hbm>> -> memref<1x64x8x128xf32, #tpu.memory_space<hbm>>
          %dma_start3A_174 = tpu.memref_squeeze %dma_start3A_173 : memref<1x64x8x128xf32, #tpu.memory_space<hbm>> -> memref<64x8x128xf32, #tpu.memory_space<hbm>>
          tpu.enqueue_dma source(%arg9 : memref<64x8x128xf32, #tpu.memory_space<vmem>>) target(%dma_start3A_174 : memref<64x8x128xf32, #tpu.memory_space<hbm>>) target_semaphore(%run_scoped3A : memref<!tpu.dma_semaphore, #tpu.memory_space<semaphore_mem>>)
          %dma_wait3A = arith.constant 0 : i32
          %dma_wait3A_175 = arith.constant 0 : i32
          %dma_wait3A_176 = tpu.memref_slice %arg6[%add3A_165, %mul3A_167, %dma_wait3A, %dma_wait3A_175] : memref<54x128x8x128xf32, #tpu.memory_space<hbm>> -> memref<1x64x8x128xf32, #tpu.memory_space<hbm>>
          %dma_wait3A_177 = tpu.memref_squeeze %dma_wait3A_176 : memref<1x64x8x128xf32, #tpu.memory_space<hbm>> -> memref<64x8x128xf32, #tpu.memory_space<hbm>>
          %dma_wait3A_178 = arith.constant 0 : i32
          %dma_wait3A_179 = arith.constant 0 : i32
          %dma_wait3A_180 = tpu.memref_slice %arg6[%add3A_165, %mul3A_167, %dma_wait3A_178, %dma_wait3A_179] : memref<54x128x8x128xf32, #tpu.memory_space<hbm>> -> memref<1x64x8x128xf32, #tpu.memory_space<hbm>>
          %dma_wait3A_181 = tpu.memref_squeeze %dma_wait3A_180 : memref<1x64x8x128xf32, #tpu.memory_space<hbm>> -> memref<64x8x128xf32, #tpu.memory_space<hbm>>
          tpu.wait_dma2 semaphore(%run_scoped3A : memref<!tpu.dma_semaphore, #tpu.memory_space<semaphore_mem>>) src(%arg9 : memref<64x8x128xf32, #tpu.memory_space<vmem>>) dst(%dma_wait3A_181 : memref<64x8x128xf32, #tpu.memory_space<hbm>>)
          tpu.yield
        }) : () -> ()
      } else {
      }
      %ge3A = arith.constant 104 : i32
      %ge3A_13 = arith.cmpi sge, %add3A_10, %ge3A : i32
      %lt3A_14 = arith.constant 232 : i32
      %lt3A_15 = arith.cmpi slt, %add3A_10, %lt3A_14 : i32
      %and3A = arith.andi %ge3A_13, %lt3A_15 : i1
      %convert_element_type3A_16 = arith.extui %and3A : i1 to i32
      %cond3A_17 = arith.constant 0 : i32
      %cond3A_18 = arith.cmpi ne, %convert_element_type3A_16, %cond3A_17 : i32
      scf.if %cond3A_18 {
        %sub3A = arith.constant 104 : i32
        %sub3A_19 = arith.subi %add3A_10, %sub3A : i32
        %mul3A_20 = arith.constant 13 : i32
        %mul3A_21 = arith.muli %sub3A_19, %mul3A_20 : i32
        %mul3A_22 = arith.constant 128 : i32
        %mul3A_23 = arith.muli %mul3A_21, %mul3A_22 : i32
        "tpu.region"() ({
          %run_scoped3A_125 = tpu.sem_alloc : memref<!tpu.dma_semaphore, #tpu.memory_space<semaphore_mem>>
          %dma_start3A = tpu.memref_slice %arg5[%mul3A_23] : memref<212992xf32, #tpu.memory_space<hbm>> -> memref<1664xf32, #tpu.memory_space<hbm>>
          %dma_start3A_126 = tpu.memref_slice %arg5[%mul3A_23] : memref<212992xf32, #tpu.memory_space<hbm>> -> memref<1664xf32, #tpu.memory_space<hbm>>
          tpu.enqueue_dma source(%dma_start3A_126 : memref<1664xf32, #tpu.memory_space<hbm>>) target(%arg14 : memref<1664xf32, #tpu.memory_space<vmem>>) target_semaphore(%run_scoped3A_125 : memref<!tpu.dma_semaphore, #tpu.memory_space<semaphore_mem>>)
          %dma_wait3A = tpu.memref_slice %arg5[%mul3A_23] : memref<212992xf32, #tpu.memory_space<hbm>> -> memref<1664xf32, #tpu.memory_space<hbm>>
          %dma_wait3A_127 = tpu.memref_slice %arg5[%mul3A_23] : memref<212992xf32, #tpu.memory_space<hbm>> -> memref<1664xf32, #tpu.memory_space<hbm>>
          tpu.wait_dma2 semaphore(%run_scoped3A_125 : memref<!tpu.dma_semaphore, #tpu.memory_space<semaphore_mem>>) src(%dma_wait3A_127 : memref<1664xf32, #tpu.memory_space<hbm>>) dst(%arg14 : memref<1664xf32, #tpu.memory_space<vmem>>)
          tpu.yield
        }) : () -> ()
        %scan3A_24 = arith.constant 0 : i32
        %scan3A_25 = arith.constant 0 : i32
        %scan3A_26 = arith.constant 8 : i32
        %scan3A_27 = arith.addi %scan3A_25, %scan3A_26 : i32
        %scan3A_28 = arith.constant 1 : i32
        scf.for %scan3A_125 = %scan3A_25 to %scan3A_27 step %scan3A_28  : i32 {
          %mul3A_126 = arith.constant 16 : i32
          %mul3A_127 = arith.muli %scan3A_125, %mul3A_126 : i32
          %add3A_128 = arith.constant 0 : i32
          %add3A_129 = arith.addi %add3A_128, %mul3A_127 : i32
          %get3A = arith.index_cast %add3A_129 : i32 to index
          %get3A_130 = tpu.vector_load %arg14[%get3A] {strides = array<i32>} : memref<1664xf32, #tpu.memory_space<vmem>>, vector<16xf32>,
          %mul3A_131 = arith.constant 16 : i32
          %mul3A_132 = arith.muli %scan3A_125, %mul3A_131 : i32
          %swap3A = arith.constant 0 : i32
          %swap3A_133 = arith.constant 0 : i32
          %swap3A_134 = arith.index_cast %swap3A : i32 to index
          %swap3A_135 = arith.index_cast %swap3A_133 : i32 to index
          %swap3A_136 = arith.index_cast %mul3A_132 : i32 to index
          %swap3A_137 = tpu.vector_load %arg9[%swap3A_134, %swap3A_135, %swap3A_136] {strides = array<i32>} : memref<64x8x128xf32, #tpu.memory_space<vmem>>, vector<16xf32>,
          tpu.vector_store %arg9[%swap3A_134, %swap3A_135, %swap3A_136], %get3A_130 {strides = array<i32>} : memref<64x8x128xf32, #tpu.memory_space<vmem>>, vector<16xf32>,
        }
        %scan3A_29 = arith.constant 8 : i32
        %scan3A_30 = arith.constant 0 : i32
        %scan3A_31 = arith.constant 0 : i32
        %scan3A_32 = arith.constant 8 : i32
        %scan3A_33 = arith.addi %scan3A_31, %scan3A_32 : i32
        %scan3A_34 = arith.constant 1 : i32
        scf.for %scan3A_125 = %scan3A_31 to %scan3A_33 step %scan3A_34  : i32 {
          %mul3A_126 = arith.constant 16 : i32
          %mul3A_127 = arith.muli %scan3A_125, %mul3A_126 : i32
          %add3A_128 = arith.constant 128 : i32
          %add3A_129 = arith.addi %add3A_128, %mul3A_127 : i32
          %get3A = arith.index_cast %add3A_129 : i32 to index
          %get3A_130 = tpu.vector_load %arg14[%get3A] {strides = array<i32>} : memref<1664xf32, #tpu.memory_space<vmem>>, vector<16xf32>,
          %mul3A_131 = arith.constant 16 : i32
          %mul3A_132 = arith.muli %scan3A_125, %mul3A_131 : i32
          %swap3A = arith.constant 0 : i32
          %swap3A_133 = arith.constant 1 : i32
          %swap3A_134 = arith.index_cast %swap3A : i32 to index
          %swap3A_135 = arith.index_cast %swap3A_133 : i32 to index
          %swap3A_136 = arith.index_cast %mul3A_132 : i32 to index
          %swap3A_137 = tpu.vector_load %arg9[%swap3A_134, %swap3A_135, %swap3A_136] {strides = array<i32>} : memref<64x8x128xf32, #tpu.memory_space<vmem>>, vector<16xf32>,
          tpu.vector_store %arg9[%swap3A_134, %swap3A_135, %swap3A_136], %get3A_130 {strides = array<i32>} : memref<64x8x128xf32, #tpu.memory_space<vmem>>, vector<16xf32>,
        }
        %scan3A_35 = arith.constant 8 : i32
        %scan3A_36 = arith.constant 0 : i32
        %scan3A_37 = arith.constant 0 : i32
        %scan3A_38 = arith.constant 8 : i32
        %scan3A_39 = arith.addi %scan3A_37, %scan3A_38 : i32
        %scan3A_40 = arith.constant 1 : i32
        scf.for %scan3A_125 = %scan3A_37 to %scan3A_39 step %scan3A_40  : i32 {
          %mul3A_126 = arith.constant 16 : i32
          %mul3A_127 = arith.muli %scan3A_125, %mul3A_126 : i32
          %add3A_128 = arith.constant 256 : i32
          %add3A_129 = arith.addi %add3A_128, %mul3A_127 : i32
          %get3A = arith.index_cast %add3A_129 : i32 to index
          %get3A_130 = tpu.vector_load %arg14[%get3A] {strides = array<i32>} : memref<1664xf32, #tpu.memory_space<vmem>>, vector<16xf32>,
          %mul3A_131 = arith.constant 16 : i32
          %mul3A_132 = arith.muli %scan3A_125, %mul3A_131 : i32
          %swap3A = arith.constant 0 : i32
          %swap3A_133 = arith.constant 2 : i32
          %swap3A_134 = arith.index_cast %swap3A : i32 to index
          %swap3A_135 = arith.index_cast %swap3A_133 : i32 to index
          %swap3A_136 = arith.index_cast %mul3A_132 : i32 to index
          %swap3A_137 = tpu.vector_load %arg9[%swap3A_134, %swap3A_135, %swap3A_136] {strides = array<i32>} : memref<64x8x128xf32, #tpu.memory_space<vmem>>, vector<16xf32>,
          tpu.vector_store %arg9[%swap3A_134, %swap3A_135, %swap3A_136], %get3A_130 {strides = array<i32>} : memref<64x8x128xf32, #tpu.memory_space<vmem>>, vector<16xf32>,
        }
        %scan3A_41 = arith.constant 8 : i32
        %scan3A_42 = arith.constant 0 : i32
        %scan3A_43 = arith.constant 0 : i32
        %scan3A_44 = arith.constant 8 : i32
        %scan3A_45 = arith.addi %scan3A_43, %scan3A_44 : i32
        %scan3A_46 = arith.constant 1 : i32
        scf.for %scan3A_125 = %scan3A_43 to %scan3A_45 step %scan3A_46  : i32 {
          %mul3A_126 = arith.constant 16 : i32
          %mul3A_127 = arith.muli %scan3A_125, %mul3A_126 : i32
          %add3A_128 = arith.constant 384 : i32
          %add3A_129 = arith.addi %add3A_128, %mul3A_127 : i32
          %get3A = arith.index_cast %add3A_129 : i32 to index
          %get3A_130 = tpu.vector_load %arg14[%get3A] {strides = array<i32>} : memref<1664xf32, #tpu.memory_space<vmem>>, vector<16xf32>,
          %mul3A_131 = arith.constant 16 : i32
          %mul3A_132 = arith.muli %scan3A_125, %mul3A_131 : i32
          %swap3A = arith.constant 0 : i32
          %swap3A_133 = arith.constant 3 : i32
          %swap3A_134 = arith.index_cast %swap3A : i32 to index
          %swap3A_135 = arith.index_cast %swap3A_133 : i32 to index
          %swap3A_136 = arith.index_cast %mul3A_132 : i32 to index
          %swap3A_137 = tpu.vector_load %arg9[%swap3A_134, %swap3A_135, %swap3A_136] {strides = array<i32>} : memref<64x8x128xf32, #tpu.memory_space<vmem>>, vector<16xf32>,
          tpu.vector_store %arg9[%swap3A_134, %swap3A_135, %swap3A_136], %get3A_130 {strides = array<i32>} : memref<64x8x128xf32, #tpu.memory_space<vmem>>, vector<16xf32>,
        }
        %scan3A_47 = arith.constant 8 : i32
        %scan3A_48 = arith.constant 0 : i32
        %scan3A_49 = arith.constant 0 : i32
        %scan3A_50 = arith.constant 8 : i32
        %scan3A_51 = arith.addi %scan3A_49, %scan3A_50 : i32
        %scan3A_52 = arith.constant 1 : i32
        scf.for %scan3A_125 = %scan3A_49 to %scan3A_51 step %scan3A_52  : i32 {
          %mul3A_126 = arith.constant 16 : i32
          %mul3A_127 = arith.muli %scan3A_125, %mul3A_126 : i32
          %add3A_128 = arith.constant 512 : i32
          %add3A_129 = arith.addi %add3A_128, %mul3A_127 : i32
          %get3A = arith.index_cast %add3A_129 : i32 to index
          %get3A_130 = tpu.vector_load %arg14[%get3A] {strides = array<i32>} : memref<1664xf32, #tpu.memory_space<vmem>>, vector<16xf32>,
          %mul3A_131 = arith.constant 16 : i32
          %mul3A_132 = arith.muli %scan3A_125, %mul3A_131 : i32
          %swap3A = arith.constant 0 : i32
          %swap3A_133 = arith.constant 4 : i32
          %swap3A_134 = arith.index_cast %swap3A : i32 to index
          %swap3A_135 = arith.index_cast %swap3A_133 : i32 to index
          %swap3A_136 = arith.index_cast %mul3A_132 : i32 to index
          %swap3A_137 = tpu.vector_load %arg9[%swap3A_134, %swap3A_135, %swap3A_136] {strides = array<i32>} : memref<64x8x128xf32, #tpu.memory_space<vmem>>, vector<16xf32>,
          tpu.vector_store %arg9[%swap3A_134, %swap3A_135, %swap3A_136], %get3A_130 {strides = array<i32>} : memref<64x8x128xf32, #tpu.memory_space<vmem>>, vector<16xf32>,
        }
        %scan3A_53 = arith.constant 8 : i32
        %scan3A_54 = arith.constant 0 : i32
        %scan3A_55 = arith.constant 0 : i32
        %scan3A_56 = arith.constant 8 : i32
        %scan3A_57 = arith.addi %scan3A_55, %scan3A_56 : i32
        %scan3A_58 = arith.constant 1 : i32
        scf.for %scan3A_125 = %scan3A_55 to %scan3A_57 step %scan3A_58  : i32 {
          %mul3A_126 = arith.constant 16 : i32
          %mul3A_127 = arith.muli %scan3A_125, %mul3A_126 : i32
          %add3A_128 = arith.constant 640 : i32
          %add3A_129 = arith.addi %add3A_128, %mul3A_127 : i32
          %get3A = arith.index_cast %add3A_129 : i32 to index
          %get3A_130 = tpu.vector_load %arg14[%get3A] {strides = array<i32>} : memref<1664xf32, #tpu.memory_space<vmem>>, vector<16xf32>,
          %mul3A_131 = arith.constant 16 : i32
          %mul3A_132 = arith.muli %scan3A_125, %mul3A_131 : i32
          %swap3A = arith.constant 0 : i32
          %swap3A_133 = arith.constant 5 : i32
          %swap3A_134 = arith.index_cast %swap3A : i32 to index
          %swap3A_135 = arith.index_cast %swap3A_133 : i32 to index
          %swap3A_136 = arith.index_cast %mul3A_132 : i32 to index
          %swap3A_137 = tpu.vector_load %arg9[%swap3A_134, %swap3A_135, %swap3A_136] {strides = array<i32>} : memref<64x8x128xf32, #tpu.memory_space<vmem>>, vector<16xf32>,
          tpu.vector_store %arg9[%swap3A_134, %swap3A_135, %swap3A_136], %get3A_130 {strides = array<i32>} : memref<64x8x128xf32, #tpu.memory_space<vmem>>, vector<16xf32>,
        }
        %scan3A_59 = arith.constant 8 : i32
        %scan3A_60 = arith.constant 0 : i32
        %scan3A_61 = arith.constant 0 : i32
        %scan3A_62 = arith.constant 8 : i32
        %scan3A_63 = arith.addi %scan3A_61, %scan3A_62 : i32
        %scan3A_64 = arith.constant 1 : i32
        scf.for %scan3A_125 = %scan3A_61 to %scan3A_63 step %scan3A_64  : i32 {
          %mul3A_126 = arith.constant 16 : i32
          %mul3A_127 = arith.muli %scan3A_125, %mul3A_126 : i32
          %add3A_128 = arith.constant 768 : i32
          %add3A_129 = arith.addi %add3A_128, %mul3A_127 : i32
          %get3A = arith.index_cast %add3A_129 : i32 to index
          %get3A_130 = tpu.vector_load %arg14[%get3A] {strides = array<i32>} : memref<1664xf32, #tpu.memory_space<vmem>>, vector<16xf32>,
          %mul3A_131 = arith.constant 16 : i32
          %mul3A_132 = arith.muli %scan3A_125, %mul3A_131 : i32
          %swap3A = arith.constant 0 : i32
          %swap3A_133 = arith.constant 6 : i32
          %swap3A_134 = arith.index_cast %swap3A : i32 to index
          %swap3A_135 = arith.index_cast %swap3A_133 : i32 to index
          %swap3A_136 = arith.index_cast %mul3A_132 : i32 to index
          %swap3A_137 = tpu.vector_load %arg9[%swap3A_134, %swap3A_135, %swap3A_136] {strides = array<i32>} : memref<64x8x128xf32, #tpu.memory_space<vmem>>, vector<16xf32>,
          tpu.vector_store %arg9[%swap3A_134, %swap3A_135, %swap3A_136], %get3A_130 {strides = array<i32>} : memref<64x8x128xf32, #tpu.memory_space<vmem>>, vector<16xf32>,
        }
        %scan3A_65 = arith.constant 8 : i32
        %scan3A_66 = arith.constant 0 : i32
        %scan3A_67 = arith.constant 0 : i32
        %scan3A_68 = arith.constant 8 : i32
        %scan3A_69 = arith.addi %scan3A_67, %scan3A_68 : i32
        %scan3A_70 = arith.constant 1 : i32
        scf.for %scan3A_125 = %scan3A_67 to %scan3A_69 step %scan3A_70  : i32 {
          %mul3A_126 = arith.constant 16 : i32
          %mul3A_127 = arith.muli %scan3A_125, %mul3A_126 : i32
          %add3A_128 = arith.constant 896 : i32
          %add3A_129 = arith.addi %add3A_128, %mul3A_127 : i32
          %get3A = arith.index_cast %add3A_129 : i32 to index
          %get3A_130 = tpu.vector_load %arg14[%get3A] {strides = array<i32>} : memref<1664xf32, #tpu.memory_space<vmem>>, vector<16xf32>,
          %mul3A_131 = arith.constant 16 : i32
          %mul3A_132 = arith.muli %scan3A_125, %mul3A_131 : i32
          %swap3A = arith.constant 0 : i32
          %swap3A_133 = arith.constant 7 : i32
          %swap3A_134 = arith.index_cast %swap3A : i32 to index
          %swap3A_135 = arith.index_cast %swap3A_133 : i32 to index
          %swap3A_136 = arith.index_cast %mul3A_132 : i32 to index
          %swap3A_137 = tpu.vector_load %arg9[%swap3A_134, %swap3A_135, %swap3A_136] {strides = array<i32>} : memref<64x8x128xf32, #tpu.memory_space<vmem>>, vector<16xf32>,
          tpu.vector_store %arg9[%swap3A_134, %swap3A_135, %swap3A_136], %get3A_130 {strides = array<i32>} : memref<64x8x128xf32, #tpu.memory_space<vmem>>, vector<16xf32>,
        }
        %scan3A_71 = arith.constant 8 : i32
        %mul3A_72 = arith.constant 1 : i32
        %mul3A_73 = arith.muli %sub3A_19, %mul3A_72 : i32
        %run_scoped3A = arith.constant 0 : i32
        "tpu.region"() ({
          %run_scoped3A_125 = tpu.sem_alloc : memref<!tpu.dma_semaphore, #tpu.memory_space<semaphore_mem>>
          %dma_start3A = arith.constant 0 : i32
          %dma_start3A_126 = arith.constant 0 : i32
          %dma_start3A_127 = arith.constant 0 : i32
          %dma_start3A_128 = tpu.memref_slice %arg9[%dma_start3A, %dma_start3A_126, %dma_start3A_127] : memref<64x8x128xf32, #tpu.memory_space<vmem>> -> memref<1x8x128xf32, #tpu.memory_space<vmem>>
          %dma_start3A_129 = arith.constant 0 : i32
          %dma_start3A_130 = arith.constant 0 : i32
          %dma_start3A_131 = tpu.memref_slice %arg6[%run_scoped3A, %mul3A_73, %dma_start3A_129, %dma_start3A_130] : memref<54x128x8x128xf32, #tpu.memory_space<hbm>> -> memref<1x1x8x128xf32, #tpu.memory_space<hbm>>
          %dma_start3A_132 = tpu.memref_squeeze %dma_start3A_131 : memref<1x1x8x128xf32, #tpu.memory_space<hbm>> -> memref<1x8x128xf32, #tpu.memory_space<hbm>>
          %dma_start3A_133 = arith.constant 0 : i32
          %dma_start3A_134 = arith.constant 0 : i32
          %dma_start3A_135 = tpu.memref_slice %arg6[%run_scoped3A, %mul3A_73, %dma_start3A_133, %dma_start3A_134] : memref<54x128x8x128xf32, #tpu.memory_space<hbm>> -> memref<1x1x8x128xf32, #tpu.memory_space<hbm>>
          %dma_start3A_136 = tpu.memref_squeeze %dma_start3A_135 : memref<1x1x8x128xf32, #tpu.memory_space<hbm>> -> memref<1x8x128xf32, #tpu.memory_space<hbm>>
          %dma_start3A_137 = arith.constant 0 : i32
          %dma_start3A_138 = arith.constant 0 : i32
          %dma_start3A_139 = arith.constant 0 : i32
          %dma_start3A_140 = tpu.memref_slice %arg9[%dma_start3A_137, %dma_start3A_138, %dma_start3A_139] : memref<64x8x128xf32, #tpu.memory_space<vmem>> -> memref<1x8x128xf32, #tpu.memory_space<vmem>>
          tpu.enqueue_dma source(%dma_start3A_140 : memref<1x8x128xf32, #tpu.memory_space<vmem>>) target(%dma_start3A_136 : memref<1x8x128xf32, #tpu.memory_space<hbm>>) target_semaphore(%run_scoped3A_125 : memref<!tpu.dma_semaphore, #tpu.memory_space<semaphore_mem>>)
          %dma_wait3A = arith.constant 0 : i32
          %dma_wait3A_141 = arith.constant 0 : i32
          %dma_wait3A_142 = arith.constant 0 : i32
          %dma_wait3A_143 = tpu.memref_slice %arg9[%dma_wait3A, %dma_wait3A_141, %dma_wait3A_142] : memref<64x8x128xf32, #tpu.memory_space<vmem>> -> memref<1x8x128xf32, #tpu.memory_space<vmem>>
          %dma_wait3A_144 = arith.constant 0 : i32
          %dma_wait3A_145 = arith.constant 0 : i32
          %dma_wait3A_146 = tpu.memref_slice %arg6[%run_scoped3A, %mul3A_73, %dma_wait3A_144, %dma_wait3A_145] : memref<54x128x8x128xf32, #tpu.memory_space<hbm>> -> memref<1x1x8x128xf32, #tpu.memory_space<hbm>>
          %dma_wait3A_147 = tpu.memref_squeeze %dma_wait3A_146 : memref<1x1x8x128xf32, #tpu.memory_space<hbm>> -> memref<1x8x128xf32, #tpu.memory_space<hbm>>
          %dma_wait3A_148 = arith.constant 0 : i32
          %dma_wait3A_149 = arith.constant 0 : i32
          %dma_wait3A_150 = tpu.memref_slice %arg6[%run_scoped3A, %mul3A_73, %dma_wait3A_148, %dma_wait3A_149] : memref<54x128x8x128xf32, #tpu.memory_space<hbm>> -> memref<1x1x8x128xf32, #tpu.memory_space<hbm>>
          %dma_wait3A_151 = tpu.memref_squeeze %dma_wait3A_150 : memref<1x1x8x128xf32, #tpu.memory_space<hbm>> -> memref<1x8x128xf32, #tpu.memory_space<hbm>>
          %dma_wait3A_152 = arith.constant 0 : i32
          %dma_wait3A_153 = arith.constant 0 : i32
          %dma_wait3A_154 = arith.constant 0 : i32
          %dma_wait3A_155 = tpu.memref_slice %arg9[%dma_wait3A_152, %dma_wait3A_153, %dma_wait3A_154] : memref<64x8x128xf32, #tpu.memory_space<vmem>> -> memref<1x8x128xf32, #tpu.memory_space<vmem>>
          tpu.wait_dma2 semaphore(%run_scoped3A_125 : memref<!tpu.dma_semaphore, #tpu.memory_space<semaphore_mem>>) src(%dma_wait3A_155 : memref<1x8x128xf32, #tpu.memory_space<vmem>>) dst(%dma_wait3A_151 : memref<1x8x128xf32, #tpu.memory_space<hbm>>)
          tpu.yield
        }) : () -> ()
        %scan3A_74 = arith.constant 0 : i32
        %scan3A_75 = arith.constant 0 : i32
        %scan3A_76 = arith.constant 8 : i32
        %scan3A_77 = arith.addi %scan3A_75, %scan3A_76 : i32
        %scan3A_78 = arith.constant 1 : i32
        scf.for %scan3A_125 = %scan3A_75 to %scan3A_77 step %scan3A_78  : i32 {
          %mul3A_126 = arith.constant 16 : i32
          %mul3A_127 = arith.muli %scan3A_125, %mul3A_126 : i32
          %add3A_128 = arith.constant 1024 : i32
          %add3A_129 = arith.addi %add3A_128, %mul3A_127 : i32
          %get3A = arith.index_cast %add3A_129 : i32 to index
          %get3A_130 = tpu.vector_load %arg14[%get3A] {strides = array<i32>} : memref<1664xf32, #tpu.memory_space<vmem>>, vector<16xf32>,
          %mul3A_131 = arith.constant 16 : i32
          %mul3A_132 = arith.muli %scan3A_125, %mul3A_131 : i32
          %swap3A = arith.constant 0 : i32
          %swap3A_133 = arith.constant 0 : i32
          %swap3A_134 = arith.index_cast %swap3A : i32 to index
          %swap3A_135 = arith.index_cast %swap3A_133 : i32 to index
          %swap3A_136 = arith.index_cast %mul3A_132 : i32 to index
          %swap3A_137 = tpu.vector_load %arg9[%swap3A_134, %swap3A_135, %swap3A_136] {strides = array<i32>} : memref<64x8x128xf32, #tpu.memory_space<vmem>>, vector<16xf32>,
          tpu.vector_store %arg9[%swap3A_134, %swap3A_135, %swap3A_136], %get3A_130 {strides = array<i32>} : memref<64x8x128xf32, #tpu.memory_space<vmem>>, vector<16xf32>,
        }
        %scan3A_79 = arith.constant 8 : i32
        %scan3A_80 = arith.constant 0 : i32
        %scan3A_81 = arith.constant 0 : i32
        %scan3A_82 = arith.constant 8 : i32
        %scan3A_83 = arith.addi %scan3A_81, %scan3A_82 : i32
        %scan3A_84 = arith.constant 1 : i32
        scf.for %scan3A_125 = %scan3A_81 to %scan3A_83 step %scan3A_84  : i32 {
          %mul3A_126 = arith.constant 16 : i32
          %mul3A_127 = arith.muli %scan3A_125, %mul3A_126 : i32
          %add3A_128 = arith.constant 1152 : i32
          %add3A_129 = arith.addi %add3A_128, %mul3A_127 : i32
          %get3A = arith.index_cast %add3A_129 : i32 to index
          %get3A_130 = tpu.vector_load %arg14[%get3A] {strides = array<i32>} : memref<1664xf32, #tpu.memory_space<vmem>>, vector<16xf32>,
          %mul3A_131 = arith.constant 16 : i32
          %mul3A_132 = arith.muli %scan3A_125, %mul3A_131 : i32
          %swap3A = arith.constant 0 : i32
          %swap3A_133 = arith.constant 1 : i32
          %swap3A_134 = arith.index_cast %swap3A : i32 to index
          %swap3A_135 = arith.index_cast %swap3A_133 : i32 to index
          %swap3A_136 = arith.index_cast %mul3A_132 : i32 to index
          %swap3A_137 = tpu.vector_load %arg9[%swap3A_134, %swap3A_135, %swap3A_136] {strides = array<i32>} : memref<64x8x128xf32, #tpu.memory_space<vmem>>, vector<16xf32>,
          tpu.vector_store %arg9[%swap3A_134, %swap3A_135, %swap3A_136], %get3A_130 {strides = array<i32>} : memref<64x8x128xf32, #tpu.memory_space<vmem>>, vector<16xf32>,
        }
        %scan3A_85 = arith.constant 8 : i32
        %scan3A_86 = arith.constant 0 : i32
        %scan3A_87 = arith.constant 0 : i32
        %scan3A_88 = arith.constant 8 : i32
        %scan3A_89 = arith.addi %scan3A_87, %scan3A_88 : i32
        %scan3A_90 = arith.constant 1 : i32
        scf.for %scan3A_125 = %scan3A_87 to %scan3A_89 step %scan3A_90  : i32 {
          %mul3A_126 = arith.constant 16 : i32
          %mul3A_127 = arith.muli %scan3A_125, %mul3A_126 : i32
          %add3A_128 = arith.constant 1280 : i32
          %add3A_129 = arith.addi %add3A_128, %mul3A_127 : i32
          %get3A = arith.index_cast %add3A_129 : i32 to index
          %get3A_130 = tpu.vector_load %arg14[%get3A] {strides = array<i32>} : memref<1664xf32, #tpu.memory_space<vmem>>, vector<16xf32>,
          %mul3A_131 = arith.constant 16 : i32
          %mul3A_132 = arith.muli %scan3A_125, %mul3A_131 : i32
          %swap3A = arith.constant 0 : i32
          %swap3A_133 = arith.constant 2 : i32
          %swap3A_134 = arith.index_cast %swap3A : i32 to index
          %swap3A_135 = arith.index_cast %swap3A_133 : i32 to index
          %swap3A_136 = arith.index_cast %mul3A_132 : i32 to index
          %swap3A_137 = tpu.vector_load %arg9[%swap3A_134, %swap3A_135, %swap3A_136] {strides = array<i32>} : memref<64x8x128xf32, #tpu.memory_space<vmem>>, vector<16xf32>,
          tpu.vector_store %arg9[%swap3A_134, %swap3A_135, %swap3A_136], %get3A_130 {strides = array<i32>} : memref<64x8x128xf32, #tpu.memory_space<vmem>>, vector<16xf32>,
        }
        %scan3A_91 = arith.constant 8 : i32
        %scan3A_92 = arith.constant 0 : i32
        %scan3A_93 = arith.constant 0 : i32
        %scan3A_94 = arith.constant 8 : i32
        %scan3A_95 = arith.addi %scan3A_93, %scan3A_94 : i32
        %scan3A_96 = arith.constant 1 : i32
        scf.for %scan3A_125 = %scan3A_93 to %scan3A_95 step %scan3A_96  : i32 {
          %mul3A_126 = arith.constant 16 : i32
          %mul3A_127 = arith.muli %scan3A_125, %mul3A_126 : i32
          %add3A_128 = arith.constant 1408 : i32
          %add3A_129 = arith.addi %add3A_128, %mul3A_127 : i32
          %get3A = arith.index_cast %add3A_129 : i32 to index
          %get3A_130 = tpu.vector_load %arg14[%get3A] {strides = array<i32>} : memref<1664xf32, #tpu.memory_space<vmem>>, vector<16xf32>,
          %mul3A_131 = arith.constant 16 : i32
          %mul3A_132 = arith.muli %scan3A_125, %mul3A_131 : i32
          %swap3A = arith.constant 0 : i32
          %swap3A_133 = arith.constant 3 : i32
          %swap3A_134 = arith.index_cast %swap3A : i32 to index
          %swap3A_135 = arith.index_cast %swap3A_133 : i32 to index
          %swap3A_136 = arith.index_cast %mul3A_132 : i32 to index
          %swap3A_137 = tpu.vector_load %arg9[%swap3A_134, %swap3A_135, %swap3A_136] {strides = array<i32>} : memref<64x8x128xf32, #tpu.memory_space<vmem>>, vector<16xf32>,
          tpu.vector_store %arg9[%swap3A_134, %swap3A_135, %swap3A_136], %get3A_130 {strides = array<i32>} : memref<64x8x128xf32, #tpu.memory_space<vmem>>, vector<16xf32>,
        }
        %scan3A_97 = arith.constant 8 : i32
        %scan3A_98 = arith.constant 0 : i32
        %scan3A_99 = arith.constant 0 : i32
        %scan3A_100 = arith.constant 8 : i32
        %scan3A_101 = arith.addi %scan3A_99, %scan3A_100 : i32
        %scan3A_102 = arith.constant 1 : i32
        scf.for %scan3A_125 = %scan3A_99 to %scan3A_101 step %scan3A_102  : i32 {
          %mul3A_126 = arith.constant 16 : i32
          %mul3A_127 = arith.muli %scan3A_125, %mul3A_126 : i32
          %add3A_128 = arith.constant 1536 : i32
          %add3A_129 = arith.addi %add3A_128, %mul3A_127 : i32
          %get3A = arith.index_cast %add3A_129 : i32 to index
          %get3A_130 = tpu.vector_load %arg14[%get3A] {strides = array<i32>} : memref<1664xf32, #tpu.memory_space<vmem>>, vector<16xf32>,
          %mul3A_131 = arith.constant 16 : i32
          %mul3A_132 = arith.muli %scan3A_125, %mul3A_131 : i32
          %swap3A = arith.constant 0 : i32
          %swap3A_133 = arith.constant 4 : i32
          %swap3A_134 = arith.index_cast %swap3A : i32 to index
          %swap3A_135 = arith.index_cast %swap3A_133 : i32 to index
          %swap3A_136 = arith.index_cast %mul3A_132 : i32 to index
          %swap3A_137 = tpu.vector_load %arg9[%swap3A_134, %swap3A_135, %swap3A_136] {strides = array<i32>} : memref<64x8x128xf32, #tpu.memory_space<vmem>>, vector<16xf32>,
          tpu.vector_store %arg9[%swap3A_134, %swap3A_135, %swap3A_136], %get3A_130 {strides = array<i32>} : memref<64x8x128xf32, #tpu.memory_space<vmem>>, vector<16xf32>,
        }
        %scan3A_103 = arith.constant 8 : i32
        %scan3A_104 = arith.constant 0 : i32
        %scan3A_105 = arith.constant 0 : i32
        %scan3A_106 = arith.constant 8 : i32
        %scan3A_107 = arith.addi %scan3A_105, %scan3A_106 : i32
        %scan3A_108 = arith.constant 1 : i32
        scf.for %scan3A_125 = %scan3A_105 to %scan3A_107 step %scan3A_108  : i32 {
          %broadcast_in_dim3A_126 = arith.constant 0.000000e+00 : f32
          %broadcast_in_dim3A_127 = vector.broadcast %broadcast_in_dim3A_126 : f32 to vector<16xf32>
          %mul3A_128 = arith.constant 16 : i32
          %mul3A_129 = arith.muli %scan3A_125, %mul3A_128 : i32
          %swap3A = arith.constant 0 : i32
          %swap3A_130 = arith.constant 5 : i32
          %swap3A_131 = arith.index_cast %swap3A : i32 to index
          %swap3A_132 = arith.index_cast %swap3A_130 : i32 to index
          %swap3A_133 = arith.index_cast %mul3A_129 : i32 to index
          %swap3A_134 = tpu.vector_load %arg9[%swap3A_131, %swap3A_132, %swap3A_133] {strides = array<i32>} : memref<64x8x128xf32, #tpu.memory_space<vmem>>, vector<16xf32>,
          tpu.vector_store %arg9[%swap3A_131, %swap3A_132, %swap3A_133], %broadcast_in_dim3A_127 {strides = array<i32>} : memref<64x8x128xf32, #tpu.memory_space<vmem>>, vector<16xf32>,
        }
        %scan3A_109 = arith.constant 8 : i32
        %scan3A_110 = arith.constant 0 : i32
        %scan3A_111 = arith.constant 0 : i32
        %scan3A_112 = arith.constant 8 : i32
        %scan3A_113 = arith.addi %scan3A_111, %scan3A_112 : i32
        %scan3A_114 = arith.constant 1 : i32
        scf.for %scan3A_125 = %scan3A_111 to %scan3A_113 step %scan3A_114  : i32 {
          %broadcast_in_dim3A_126 = arith.constant 0.000000e+00 : f32
          %broadcast_in_dim3A_127 = vector.broadcast %broadcast_in_dim3A_126 : f32 to vector<16xf32>
          %mul3A_128 = arith.constant 16 : i32
          %mul3A_129 = arith.muli %scan3A_125, %mul3A_128 : i32
          %swap3A = arith.constant 0 : i32
          %swap3A_130 = arith.constant 6 : i32
          %swap3A_131 = arith.index_cast %swap3A : i32 to index
          %swap3A_132 = arith.index_cast %swap3A_130 : i32 to index
          %swap3A_133 = arith.index_cast %mul3A_129 : i32 to index
          %swap3A_134 = tpu.vector_load %arg9[%swap3A_131, %swap3A_132, %swap3A_133] {strides = array<i32>} : memref<64x8x128xf32, #tpu.memory_space<vmem>>, vector<16xf32>,
          tpu.vector_store %arg9[%swap3A_131, %swap3A_132, %swap3A_133], %broadcast_in_dim3A_127 {strides = array<i32>} : memref<64x8x128xf32, #tpu.memory_space<vmem>>, vector<16xf32>,
        }
        %scan3A_115 = arith.constant 8 : i32
        %scan3A_116 = arith.constant 0 : i32
        %scan3A_117 = arith.constant 0 : i32
        %scan3A_118 = arith.constant 8 : i32
        %scan3A_119 = arith.addi %scan3A_117, %scan3A_118 : i32
        %scan3A_120 = arith.constant 1 : i32
        scf.for %scan3A_125 = %scan3A_117 to %scan3A_119 step %scan3A_120  : i32 {
          %broadcast_in_dim3A_126 = arith.constant 0.000000e+00 : f32
          %broadcast_in_dim3A_127 = vector.broadcast %broadcast_in_dim3A_126 : f32 to vector<16xf32>
          %mul3A_128 = arith.constant 16 : i32
          %mul3A_129 = arith.muli %scan3A_125, %mul3A_128 : i32
          %swap3A = arith.constant 0 : i32
          %swap3A_130 = arith.constant 7 : i32
          %swap3A_131 = arith.index_cast %swap3A : i32 to index
          %swap3A_132 = arith.index_cast %swap3A_130 : i32 to index
          %swap3A_133 = arith.index_cast %mul3A_129 : i32 to index
          %swap3A_134 = tpu.vector_load %arg9[%swap3A_131, %swap3A_132, %swap3A_133] {strides = array<i32>} : memref<64x8x128xf32, #tpu.memory_space<vmem>>, vector<16xf32>,
          tpu.vector_store %arg9[%swap3A_131, %swap3A_132, %swap3A_133], %broadcast_in_dim3A_127 {strides = array<i32>} : memref<64x8x128xf32, #tpu.memory_space<vmem>>, vector<16xf32>,
        }
        %scan3A_121 = arith.constant 8 : i32
        %mul3A_122 = arith.constant 1 : i32
        %mul3A_123 = arith.muli %sub3A_19, %mul3A_122 : i32
        %run_scoped3A_124 = arith.constant 1 : i32
        "tpu.region"() ({
          %run_scoped3A_125 = tpu.sem_alloc : memref<!tpu.dma_semaphore, #tpu.memory_space<semaphore_mem>>
          %dma_start3A = arith.constant 0 : i32
          %dma_start3A_126 = arith.constant 0 : i32
          %dma_start3A_127 = arith.constant 0 : i32
          %dma_start3A_128 = tpu.memref_slice %arg9[%dma_start3A, %dma_start3A_126, %dma_start3A_127] : memref<64x8x128xf32, #tpu.memory_space<vmem>> -> memref<1x8x128xf32, #tpu.memory_space<vmem>>
          %dma_start3A_129 = arith.constant 0 : i32
          %dma_start3A_130 = arith.constant 0 : i32
          %dma_start3A_131 = tpu.memref_slice %arg6[%run_scoped3A_124, %mul3A_123, %dma_start3A_129, %dma_start3A_130] : memref<54x128x8x128xf32, #tpu.memory_space<hbm>> -> memref<1x1x8x128xf32, #tpu.memory_space<hbm>>
          %dma_start3A_132 = tpu.memref_squeeze %dma_start3A_131 : memref<1x1x8x128xf32, #tpu.memory_space<hbm>> -> memref<1x8x128xf32, #tpu.memory_space<hbm>>
          %dma_start3A_133 = arith.constant 0 : i32
          %dma_start3A_134 = arith.constant 0 : i32
          %dma_start3A_135 = tpu.memref_slice %arg6[%run_scoped3A_124, %mul3A_123, %dma_start3A_133, %dma_start3A_134] : memref<54x128x8x128xf32, #tpu.memory_space<hbm>> -> memref<1x1x8x128xf32, #tpu.memory_space<hbm>>
          %dma_start3A_136 = tpu.memref_squeeze %dma_start3A_135 : memref<1x1x8x128xf32, #tpu.memory_space<hbm>> -> memref<1x8x128xf32, #tpu.memory_space<hbm>>
          %dma_start3A_137 = arith.constant 0 : i32
          %dma_start3A_138 = arith.constant 0 : i32
          %dma_start3A_139 = arith.constant 0 : i32
          %dma_start3A_140 = tpu.memref_slice %arg9[%dma_start3A_137, %dma_start3A_138, %dma_start3A_139] : memref<64x8x128xf32, #tpu.memory_space<vmem>> -> memref<1x8x128xf32, #tpu.memory_space<vmem>>
          tpu.enqueue_dma source(%dma_start3A_140 : memref<1x8x128xf32, #tpu.memory_space<vmem>>) target(%dma_start3A_136 : memref<1x8x128xf32, #tpu.memory_space<hbm>>) target_semaphore(%run_scoped3A_125 : memref<!tpu.dma_semaphore, #tpu.memory_space<semaphore_mem>>)
          %dma_wait3A = arith.constant 0 : i32
          %dma_wait3A_141 = arith.constant 0 : i32
          %dma_wait3A_142 = arith.constant 0 : i32
          %dma_wait3A_143 = tpu.memref_slice %arg9[%dma_wait3A, %dma_wait3A_141, %dma_wait3A_142] : memref<64x8x128xf32, #tpu.memory_space<vmem>> -> memref<1x8x128xf32, #tpu.memory_space<vmem>>
          %dma_wait3A_144 = arith.constant 0 : i32
          %dma_wait3A_145 = arith.constant 0 : i32
          %dma_wait3A_146 = tpu.memref_slice %arg6[%run_scoped3A_124, %mul3A_123, %dma_wait3A_144, %dma_wait3A_145] : memref<54x128x8x128xf32, #tpu.memory_space<hbm>> -> memref<1x1x8x128xf32, #tpu.memory_space<hbm>>
          %dma_wait3A_147 = tpu.memref_squeeze %dma_wait3A_146 : memref<1x1x8x128xf32, #tpu.memory_space<hbm>> -> memref<1x8x128xf32, #tpu.memory_space<hbm>>
          %dma_wait3A_148 = arith.constant 0 : i32
          %dma_wait3A_149 = arith.constant 0 : i32
          %dma_wait3A_150 = tpu.memref_slice %arg6[%run_scoped3A_124, %mul3A_123, %dma_wait3A_148, %dma_wait3A_149] : memref<54x128x8x128xf32, #tpu.memory_space<hbm>> -> memref<1x1x8x128xf32, #tpu.memory_space<hbm>>
          %dma_wait3A_151 = tpu.memref_squeeze %dma_wait3A_150 : memref<1x1x8x128xf32, #tpu.memory_space<hbm>> -> memref<1x8x128xf32, #tpu.memory_space<hbm>>
          %dma_wait3A_152 = arith.constant 0 : i32
          %dma_wait3A_153 = arith.constant 0 : i32
          %dma_wait3A_154 = arith.constant 0 : i32
          %dma_wait3A_155 = tpu.memref_slice %arg9[%dma_wait3A_152, %dma_wait3A_153, %dma_wait3A_154] : memref<64x8x128xf32, #tpu.memory_space<vmem>> -> memref<1x8x128xf32, #tpu.memory_space<vmem>>
          tpu.wait_dma2 semaphore(%run_scoped3A_125 : memref<!tpu.dma_semaphore, #tpu.memory_space<semaphore_mem>>) src(%dma_wait3A_155 : memref<1x8x128xf32, #tpu.memory_space<vmem>>) dst(%dma_wait3A_151 : memref<1x8x128xf32, #tpu.memory_space<hbm>>)
          tpu.yield
        }) : () -> ()
      } else {
      }
    }
    %scan3A_6 = arith.constant 8 : i32
    return
  }
}

</mosaic_0001>

<sc_bundles>
// kernel: kernel.3.cloned.1.call-start
scs
__scs_entry_jumppad:
0x0: {  	(pc) =	sbr.rel $0x88, $3  }
0x1: {  	(tag) =	ssettag $0x0;
	lr =	simm.s32 $0x1  }
0x2: {  	[smem:$0x3F9F] =	sst lr;
	_ =	strace $0xD0000000  }
0x3: {  	_ = 	snop  }
0x4: {  	_ = 	snop  }
0x5: {  	_ = 	snop  }
0x6: {  	_ = 	snop  }
0x7: {  	_ = 	snop  }
__scs_overlays_trampoline_lowered:
0x8: {  	[smem:$0x3FAE] =	sst s0  }
0x9: {  	[smem:$0x3FAF] =	sst s1  }
0xa: {  	[smem:$0x3FB0] =	sst s2  }
0xb: {  	[smem:$0x3FB1] =	sst s3  }
0xc: {  	[smem:$0x3FB2] =	sst s4  }
0xd: {  	[smem:$0x3FB3] =	sst s5  }
0xe: {  	[smem:$0x3FB4] =	sst s6  }
0xf: {  	[smem:$0x3FB5] =	sst s7  }
0x10: {  	[smem:$0x3FB6] =	sst s8  }
0x11: {  	[smem:$0x3FB7] =	sst s9;
	s0 =	simm.s32 @!p0 $0x0  }
0x12: {  	s1 =	sld [smem:$0x3F9D];
	s0 =	simm.s32 @p0 $0x1  }
0x13: {  	[smem:$0x3FB8] =	sst s0;
	s0 =	simm.s32 @!p1 $0x0  }
0x14: {  	s2 =	sld [smem:$0x3F9C];
	s0 =	simm.s32 @p1 $0x1  }
0x15: {  	[smem:$0x3FB9] =	sst s0;
	s0 =	simm.s32 @!p2 $0x0  }
0x16: {  	s3 =	sld [smem:$0x3FDB];
	s0 =	simm.s32 @p2 $0x1  }
0x17: {  	s4 =	simm.s32 $0x1BF5;
	[smem:$0x3FBB] =	sst s0  }
0x18: {  	s0 =	sld [smem:$0x3F9E];
	_ =	swait.ge [sflag:s4], $0x0  }
0x19: {  	s7 =	sld [smem:$0x3F9F]  }
0x1a: {  	s8 =	sadd.s32 $0xFFFFE003, lr  }
0x1b: {  	s9 =	sadd.s32 $0xFFFFFEF7, lr;
	s5 =	simm.s32 $0xFFFFFFFF;
	p2 =	slt.u32 s8, $0xFFFFF086  }
0x1c: {  	p1 =	slt.u32 s9, $0xF7A;
	s5 =	simm.s32 @!p2 $0x0  }
0x1d: {  	s5 =	simm.s32 @p1 $0x1;
	p0 =	seq.s32 s7, s2  }
0x1e: {  	s7 =	smul.u32 @!p0 $0xF7A, s2;
	p2 =	seq.s32 @!p0 s5, $0x0  }
0x1f: {  	s9 =	smul.u32 $0xF7A, s1;
	s8 =	simm.s32 @!p0 $0x1BF5;
	p2 =	por !p2, p0  }
0x20: {  	[sflag:s8] =	ssyncset.s32 @!p0 $0xFFFFF086;
	s6 =	sadd.s32 @!p0 s3, s7;
	s7 =	simm.s32 @!p0 $0x108  }
0x21: {  	s3 =	sadd.s32 s3, s9;
	s6 =	sadd.s32 @!p0 $0x88, s6;
	s7 =	simm.s32 @p2 $0x1082  }
0x22: {  	[simem:s7], [sflag:s8] =	dma.local @!p0 [hbm:s6], $0xF7A  }
0x23: {  	s9 =	sor.u32 $0xD0000000, s2;
	s6 =	simm.s32 $0x108;
	_ =	swait.ge @!p0 [sflag:s8], $0x0  }
0x24: {  	s3 =	sadd.s32 $0x88, s3;
	s6 =	simm.s32 @!p1 $0x1082;
	[sflag:s4] =	ssyncset.s32 $0xFFFFF086  }
0x25: {  	[simem:s6], [sflag:s4] =	dma.local [hbm:s3], $0xF7A  }
0x26: {  	[smem:$0x3F9F] =	sst s1;
	(tag) =	ssettag s2;
	_ =	strace s9  }
0x27: {  	s1 =	sld [smem:$0x3FAF]  }
0x28: {  	s2 =	sld [smem:$0x3FB0]  }
0x29: {  	s4 =	sld [smem:$0x3FB2]  }
0x2a: {  	p0 =	seq.s32 s5, $0x0;
	s5 =	sld [smem:$0x3FB3]  }
0x2b: {  	s6 =	sld [smem:$0x3FB4]  }
0x2c: {  	s7 =	sld [smem:$0x3FB5]  }
0x2d: {  	s3 =	simm.s32 $0x108;
	s8 =	sld [smem:$0x3FB6]  }
0x2e: {  	s3 =	simm.s32 @!p0 $0x1082;
	s9 =	sld [smem:$0x3FB7]  }
0x2f: {  	lr =	sadd.s32 s0, s3;
	s0 =	sld [smem:$0x3FAE]  }
0x30: {  	s3 =	sld [smem:$0x3FB1]  }
0x31: {  	[smem:$0x3FBA] =	sst s10  }
0x32: {  	s10 =	sld [smem:$0x3FB8];
	_ =	sdelay $0x3  }
0x33: {  	p0 =	seq.s32 s10, $0x1;
	s10 =	sld [smem:$0x3FBA];
	_ =	sdelay $0x3  }
0x34: {  	[smem:$0x3FBA] =	sst s10  }
0x35: {  	s10 =	sld [smem:$0x3FB9];
	_ =	sdelay $0x3  }
0x36: {  	p1 =	seq.s32 s10, $0x1;
	s10 =	sld [smem:$0x3FBA];
	_ =	sdelay $0x3  }
0x37: {  	[smem:$0x3FBA] =	sst s10  }
0x38: {  	s10 =	sld [smem:$0x3FBB]  }
0x39: {  	_ = 	snop;
	(pc) =	sbr.ind lr, $3  }
0x3a: {  	_ = 	snop  }
0x3b: {  	_ = 	snop  }
0x3c: {  	p2 =	seq.s32 s10, $0x1;
	s10 =	sld [smem:$0x3FBA]  }
0x3d: {  	_ =	shalt  }
0x3e: {  	_ =	shalt  }
0x3f: {  	_ =	shalt  }
0x40: {  	_ =	shalt  }
0x41: {  	_ =	shalt  }
0x42: {  	_ =	shalt  }
0x43: {  	_ =	shalt  }
0x44: {  	_ =	shalt  }
0x45: {  	_ =	shalt  }
0x46: {  	_ =	shalt  }
0x47: {  	_ =	shalt  }
0x48: {  	_ =	shalt  }
0x49: {  	_ =	shalt  }
0x4a: {  	_ =	shalt  }
0x4b: {  	_ =	shalt  }
0x4c: {  	_ =	shalt  }
0x4d: {  	_ =	shalt  }
0x4e: {  	_ =	shalt  }
0x4f: {  	_ =	shalt  }
0x50: {  	_ =	shalt  }
0x51: {  	_ =	shalt  }
0x52: {  	_ =	shalt  }
0x53: {  	_ =	shalt  }
0x54: {  	_ =	shalt  }
0x55: {  	_ =	shalt  }
0x56: {  	_ =	shalt  }
0x57: {  	_ =	shalt  }
0x58: {  	_ =	shalt  }
0x59: {  	_ =	shalt  }
0x5a: {  	_ =	shalt  }
0x5b: {  	_ =	shalt  }
0x5c: {  	_ =	shalt  }
0x5d: {  	_ =	shalt  }
0x5e: {  	_ =	shalt  }
0x5f: {  	_ =	shalt  }
0x60: {  	_ =	shalt  }
0x61: {  	_ =	shalt  }
0x62: {  	_ =	shalt  }
0x63: {  	_ =	shalt  }
0x64: {  	_ =	shalt  }
0x65: {  	_ =	shalt  }
0x66: {  	_ =	shalt  }
0x67: {  	_ =	shalt  }
0x68: {  	_ =	shalt  }
0x69: {  	_ =	shalt  }
0x6a: {  	_ =	shalt  }
0x6b: {  	_ =	shalt  }
0x6c: {  	_ =	shalt  }
0x6d: {  	_ =	shalt  }
0x6e: {  	_ =	shalt  }
0x6f: {  	_ =	shalt  }
0x70: {  	_ =	shalt  }
0x71: {  	_ =	shalt  }
0x72: {  	_ =	shalt  }
0x73: {  	_ =	shalt  }
0x74: {  	_ =	shalt  }
0x75: {  	_ =	shalt  }
0x76: {  	_ =	shalt  }
0x77: {  	_ =	shalt  }
0x78: {  	_ =	shalt  }
0x79: {  	_ =	shalt  }
0x7a: {  	_ =	shalt  }
0x7b: {  	_ =	shalt  }
0x7c: {  	_ =	shalt  }
0x7d: {  	_ =	shalt  }
0x7e: {  	_ =	shalt  }
0x7f: {  	_ =	shalt  }
0x80: {  	_ =	shalt  }
0x81: {  	_ =	shalt  }
0x82: {  	_ =	shalt  }
0x83: {  	_ =	shalt  }
0x84: {  	_ =	shalt  }
0x85: {  	_ =	shalt  }
0x86: {  	_ =	shalt  }
0x87: {  	_ =	shalt  }
.Lfunc_end0:
.L_simem_size_0:
called_computation_lowered:
.L_overlay_start_0:
0x88: {  	s2 =	sld [smem:$0x3FD9]  }
0x89: {  	s3 =	sld [smem:$0x3FFE];
	_ =	sdelay $0x1  }
0x8a: {  	s1 =	srdreg.scid  }
0x8b: {  	s0 =	sand.u32 $0x1, s1  }
0x8c: {  	s17 =	sshll.u32 s0, $0xA;
	s2 =	sadd.s32 s3, s2  }
0x8d: {  	s2 =	sadd.s32 s2, s17  }
0x8e: {  	[smem:$0x3FC6] =	sst s2  }
0x8f: {  	_ = 	snop  }
0x90: {  	s2 =	sld [smem:$0x3FC8]  }
0x91: {  	s18 =	sld [smem:$0x3FD0];
	(tm) =	ssettm $0x1  }
0x92: {  	s4 =	sld [smem:$0x3FFB];
	_ =	sdelay $0x3  }
0x93: {  	_ =	strace s4  }
0x94: {  	s4 =	sld [smem:$0x3FFC];
	_ =	sdelay $0x3  }
0x95: {  	_ =	strace s4  }
0x96: {  	s4 =	sld [smem:$0x3FFD];
	_ =	sdelay $0x3  }
0x97: {  	_ =	strace s4  }
0x98: {  	_ =	strace $0x8FFFFFFF  }
0x99: {  	s19 =	sld [smem:$0x3FDB];
	_ =	sdelay $0x1  }
0x9a: {  	s5 =	simm.s32 $_scs_section_size  }
0x9b: {  	s6 =	simm.s32 $_size__tile_overlayer_lowered;
	s7 =	simm.s32 $_tile_overlayer_lowered  }
0x9c: {  	s22 =	simm.s32 $0x1BFF;
	s21 =	sshll.u32 s7, $0x1;
	s4 =	sadd.s32 s5, s19  }
0x9d: {  	s8 =	simm.s32 $0x0;
	s20 =	sshll.u32 s6, $0x1;
	s6 =	sadd.s32 s21, s4  }
0x9e: {  	[timem:s8], [sflag:s22] =	dma.local [hbm:s6], s20  }
0x9f: {  	_ =	swait.ge [sflag:s22], s20  }
0xa0: {  	s5 =	ssub.s32 $0x0, s20;
	[sflag:s22] =	ssyncset.done $0x0  }
0xa1: {  	[sflag:s22] =	ssyncadd.s32 s5;
	_ =	sdelay $0x1  }
0xa2: {  	s23 =	simm.s32 $0x1B8B  }
0xa3: {  	_ =	swait.ge [sflag:s23], $0x1  }
0xa4: {  	[sflag:s23] =	ssyncset.done $0x0  }
0xa5: {  	s25 =	simm.s32 $0x1B8E;
	s24 =	sld [smem:$0x3FFE];
	[sflag:s23] =	ssyncadd.s32 $0xFFFFFFFF  }
0xa6: {  	s26 =	simm.s32 $execute0_lowered;
	[smem:$0x3FD2] =	sst s25  }
0xa7: {  	s6 =	sshll.u32 s26, $0x1;
	_ =	strace $0x80000046;
	[dreg:$0x1] =	wrdreg $0xFFFFFFFF  }
0xa8: {  	s28 =	simm.s32 $_size_execute0_lowered;
	s4 =	sadd.s32 s4, s6;
	[dreg:$0x0] =	wrdreg $0x0  }
0xa9: {  	s6 =	sshll.u32 s28, $0x1;
	[dreg:$0x2] =	wrdreg s4  }
0xaa: {  	[dreg:$0x3] =	wrdreg s6  }
0xab: {  	[dreg:$0x4] =	wrdreg $0xC0  }
0xac: {  	_ =	task [dreg:s8], $0x5FFFF  }
0xad: {  	[dreg:$0x1] =	wrdreg $0xFFFFFFFF  }
0xae: {  	[dreg:$0x0] =	wrdreg $0x60  }
0xaf: {  	[dreg:$0x2] =	wrdreg s2  }
0xb0: {  	[dreg:$0x3] =	wrdreg s24  }
0xb1: {  	[dreg:$0x4] =	wrdreg s18  }
0xb2: {  	[dreg:$0x5] =	wrdreg $0x9  }
0xb3: {  	_ =	task.clear_ibuf [dreg:s8], $0x6FFFF;
	_ =	strace $0x90000046  }
0xb4: {  	s29 =	simm.s32 $0x9;
	_ =	strace $0x80000048  }
0xb5: {  	_ =	swait.ge [sflag:s29], $0x1  }
0xb6: {  	[sflag:s29] =	ssyncadd.s32 $0xFFFFFFFF  }
0xb7: {  	_ =	strace $0x90000048  }
0xb8: {  	_ =	sfence  }
0xb9: {  	s30 =	sld [smem:$0x0];
	_ =	sdelay $0x2  }
0xba: {  	s31 =	sshll.u32 s1, $0xD;
	s1 =	sshrl.u32 s1, $0x2  }
0xbb: {  	s3 =	sand.u32 $0x4000, s31;
	s1 =	sadd.s32 s1, s30  }
0xbc: {  	s0 =	sor.u32 s3, s0;
	s1 =	sshll.u32 s1, $0x11  }
0xbd: {  	s0 =	sor.u32 s1, s0  }
0xbe: {  	s0 =	sadd.s32 $0x8F2B, s0  }
0xbf: {  	[sflag:s0] =	ssyncadd.remote.s32 $0x1  }
0xc0: {  	_ =	sfence.sel $0xFFFF  }
0xc1: {  	[dreg:$0x0] =	wrdreg $0xFFFFFFFF;
	(pc) =	sbr.abs _section_cstart, $3  }
0xc2: {  	[dreg:$0x1] =	wrdreg $0xFFFFFFFF  }
0xc3: {  	_ =	task.clear_ibuf [dreg:s8], $0x2FFFF;
	_ =	strace $0x9FFFFFFF  }
0xc4: {  	(tm) =	ssettm $0x7FFFFFFF  }
0xc5: {  	_ =	shalt  }
tec
execute0_lowered:
.L_overlay_start_1:
0x0: {  	(tag) =	ssettag $0x1  }
0x1: {  	s1 =	rddreg [dreg:$0x0]  }
0x2: {  	s0 =	rddreg [dreg:$0x1]  }
0x3: {  	s2 =	rddreg [dreg:$0x2];
	s3 =	simm.s32 $0x0;
	s4 =	srdreg.scid  }
0x4: {  	s29 =	stileid.u32;
	s13 =	simm.s32 $0x1C500;
	s14 =	simm.s32 $0x1  }
0x5: {  	s16 =	simm.s32 $0x1C480;
	s17 =	simm.s32 $0x1C400;
	s18 =	simm.s32 $0x1A000  }
0x6: {  	s19 =	simm.s32 $0xA000;
	s20 =	simm.s32 $0x1F900;
	s21 =	simm.s32 $0x0  }
0x7: {  	[smem:$0x7FF] =	sst s3;
	s5 =	sadd.s32 $0x400, s0;
	s4 =	sand.u32 $0x1, s4  }
0x8: {  	s6 =	sadd.s32 $0x7400, s0;
	s7 =	sadd.s32 $0xC00, s0;
	s9 =	sshll.u32 s29, $0x1  }
0x9: {  	s31 =	sand.u32 $0x1, s29;
	s11 =	sadd.s32 $0x4000, s2;
	_ =	strace $0x80000047  }
.Ltmp0:
0xa: {  	v0 =	vlaneseq.u32;
	[dreg:$0x4] =	wrdreg s5;
	s8 =	ssub.s32 $0x2, s4;
	(pc) =	sbr.rel .LBB2_1-.Ltmp0, $4  }
0xb: {  	v1 =	vimm.s32 $0x0;
	v3 =	vimm.s32 $0xFFFFFFFF;
	v6 =	vimm.s32 $0x20;
	p0 =	seq.s32 s4, $0x1;
	p1 =	seq.s32 s31, $0x1;
	s30 =	sshrl.u32 s8, $0x1  }
0xc: {  	v7 =	vimm.s32 $0x1;
	v10 =	vimm.s32 $0x18;
	v11 =	vimm.s32 $0x19;
	s10 =	sshll.u32 s4, $0x10;
	s0 =	ssub.s32 s8, s30;
	s8 =	sor.u32 s4, s9  }
0xd: {  	v12 =	vimm.f32 $0.0e+00;
	v2 =	vmul.u32 $0x20000, v0;
	v4 =	vadd.s32 $0x1, v0;
	p3 =	por !p1, !p1;
	s9 =	sshll.u32 s4, $0xD;
	s15 =	sand.u32 $0x3, s8  }
0xe: {  	v5 =	vor.u32 $0x80000000, v0;
	v8 =	vadd.s32 $0x11, v0;
	v9 =	vmul.u32 $0xFFFFFFFF, v0;
	s12 =	smax.u32 s0, $0x1;
	p2 =	sne.s32 s15, $0x0;
	s15 =	simm.s32 $0x2  }
.LBB2_36:
0xf: {  	s21 =	sadd.s32 $0x1, s21  }
0x10: {  	p4 =	sne.s32 s21, s12  }
.Ltmp1:
0x11: {  	_ = 	snop;
	(pc) =	sbr.rel @!p4 .LBB2_37-.Ltmp1, $1  }
0x12: {  	_ =	sdelay $0x3  }
.LBB2_1:
.Ltmp2:
0x13: {  	s0 =	rddreg [dreg:$0x4];
	(pc) =	sbr.rel .LBB2_2-.Ltmp2, $4  }
0x14: {  	[tilespmem:s13], [sflag:$0x1] =	stream.linear.gather [hbm4b:s0+s3], $0x3400, $0x38;
	[tilespmem:$0x1FF80] =	vst v63  }
0x15: {  	_ =	swait.ge [sflag:s14], $0x3400  }
0x16: {  	[sflag:s14] =	ssyncset.done $0x0  }
0x17: {  	s22 =	simm.s32 $0x0;
	[sflag:s14] =	ssyncadd.s32 $0xFFFFCC00  }
.LBB2_35:
0x18: {  	s22 =	sadd.s32 $0x1, s22  }
0x19: {  	p4 =	sne.s32 s22, $0x8  }
.Ltmp3:
0x1a: {  	_ = 	snop;
	(pc) =	sbr.rel @!p4 .LBB2_36-.Ltmp3, $1  }
0x1b: {  	_ =	sdelay $0x3  }
.LBB2_2:
0x1c: {  	s0 =	sshll.u32 s22, $0x5  }
0x1d: {  	s23 =	sor.u32 s8, s0  }
0x1e: {  	p4 =	sgt.u32 s23, $0x67  }
.Ltmp4:
0x1f: {  	_ = 	snop;
	(pc) =	sbr.rel @p4 .LBB2_33-.Ltmp4, $1  }
0x20: {  	_ =	sdelay $0x3  }
0x21: {  	p4 =	seq.s32 s23, $0x0  }
0x22: {  	p5 =	por !p2, !p4  }
0x23: {  	s0 =	simm.s32 $0x1;
	p5 =	por !p5, !p5  }
0x24: {  	s4 =	sshrl.u32 s23, $0x2;
	s0 =	simm.s32 @!p5 $0x0  }
0x25: {  	s24 =	ssub.s32 s4, s0  }
0x26: {  	s0 =	sshll.u32 s24, $0xE  }
0x27: {  	s0 =	sor.u32 s9, s0  }
0x28: {  	s0 =	sshrl.u32 s0, $0x3  }
0x29: {  	s4 =	simm.s32 $0x8000;
	s25 =	sadd.s32 s6, s0;
	s0 =	simm.s32 $0x0  }
0x2a: {  	[tilespmem:s4], [sflag:$0x2] =	stream.linear.gather [hbm4b:s25+s0], $0x2000, $0x38;
	[tilespmem:$0x1FF80] =	vst v63  }
0x2b: {  	_ =	swait.ge [sflag:s15], $0x2000  }
0x2c: {  	[sflag:s15] =	ssyncset.done $0x0  }
0x2d: {  	[sflag:s15] =	ssyncadd.s32 $0xFFFFE000  }
0x2e: {  	[tilespmem:$0x1C400] =	vst v1  }
0x2f: {  	[tilespmem:$0x1C410] =	vst v1  }
0x30: {  	[tilespmem:$0x1C420] =	vst v1  }
0x31: {  	[tilespmem:$0x1C430] =	vst v1  }
.LBB2_4:
0x32: {  	v13 =	vld [tilespmem:s4+$0x0];
	_ =	sdelay $0x3  }
0x33: {  	v14 =	vmov s0  }
0x34: {  	v14 =	vshll.u32 v14, $0x11;
	v15 =	vshrl.u32 v13, $0xC  }
0x35: {  	v14 =	vor.u32 v2, v14;
	vm0 =	vgt.s32 v13, $0x1867F;
	v15 =	vor.u32 $0x80000000, v15  }
0x36: {  	v13 =	vor.u32 v14, v13;
	v14 =	vsel vm0, $0x80000019, v15  }
0x37: {  	(xrf1) =	vsort.ascd.msk.u32 $0xffff, v14, v13;
	_ =	sdelay $0xd  }
0x38: {  	v13, v14, _ =	vpop (xrf1)  }
0x39: {  	[tilespmem:$0x1C480] =	vst v3;
	v13 =	vxor.u32 $0x80000000, v13  }
0x3a: {  	[tilespmem:v4+s16+$0x0] =	vst.idx.msk $0xffff, v13  }
0x3b: {  	v15 =	vld.idx.msk [tilespmem:v0+s16+$0x0], $0xffff;
	_ =	sdelay $0x4  }
0x3c: {  	vm13 =	vne.s32 v13, v15  }
0x3d: {  	v15 =	vnsel vm13, $0x80000000, v5  }
0x3e: {  	(xrf0) =	vmax.scan.msk.u32 $0xffff, v15;
	_ =	sdelay $0x2  }
0x3f: {  	v15 =	vld.idx.msk [tilespmem:v13+s17+$0x0], $0xffff;
	_ =	sdelay $0x2  }
0x40: {  	v16, _, _ =	vpop (xrf0)  }
0x41: {  	v16 =	vxor.u32 $0x80000000, v16  }
0x42: {  	v15 =	vsub.s32 v15, v16  }
0x43: {  	v16 =	vadd.s32 v0, v15  }
0x44: {  	v17 =	vmul.u32 $0x160, v13;
	vm1 =	vlt.s32 v16, $0x15F  }
0x45: {  	vm14 =	vlt.s32 v16, $0x160;
	v18 =	vnsel vm1, $0x15F, v16  }
0x46: {  	v62 =	vadd.s32 v17, v18;
	_ =	sdelay $0x4  }
0x47: {  	v63 =	vsel vm13, $0x1, v1;
	[tilespmem:v62+s18+$0x0] =	vst.idx.msk vm14, v14  }
0x48: {  	[tilespmem:$0x1C490] =	vst v63  }
0x49: {  	[tilespmem:v6+s16+$0x0] =	vst.idx.msk $0xffff, v7  }
0x4a: {  	v14 =	vld.idx.msk [tilespmem:v8+s16+$0x0], $0xffff;
	_ =	sdelay $0x4  }
0x4b: {  	vm15 =	vne.s32 v14, $0x0  }
0x4c: {  	p5 =	seq.s32 s0, $0x1FF0  }
.Ltmp5:
0x4d: {  	_ = 	snop;
	(pc) =	sbr.rel @!p5 .LBB2_4-.Ltmp5, $3  }
0x4e: {  	_ =	sdelay $0x1  }
0x4f: {  	v14 =	vadd.s32 v4, v15  }
0x50: {  	s4 =	sadd.s32 $0x10, s4;
	s0 =	sadd.s32 $0x10, s0;
	[tilespmem:v13+s17+$0x0] =	vst.idx.msk vm15, v14  }
.Ltmp6:
0x51: {  	p4 =	por !p4, !p0;
	(pc) =	sbr.rel .LBB2_6-.Ltmp6, $4  }
0x52: {  	p5 =	por !p4, !p4;
	p4 =	por p3, p3  }
0x53: {  	s25 =	smul.u32 $0x187000, s24;
	s0 =	simm.s32 $0xC3800;
	p4 =	por @!p5 p1, p1  }
0x54: {  	s0 =	simm.s32 @!p4 $0x0  }
0x55: {  	s28 =	simm.s32 $0x0;
	s4 =	simm.s32 $0x1A000;
	s26 =	sadd.s32 s0, s25  }
.LBB2_13:
0x56: {  	s28 =	sadd.s32 $0x1, s28  }
0x57: {  	p5 =	sne.s32 s28, $0x18  }
.Ltmp7:
0x58: {  	_ = 	snop;
	(pc) =	sbr.rel @!p5 .LBB2_14-.Ltmp7, $2  }
0x59: {  	_ =	sdelay $0x2  }
0x5a: {  	s4 =	sadd.s32 $0x160, s4  }
.LBB2_6:
0x5b: {  	s0 =	sshll.u32 s28, $0xF  }
0x5c: {  	s0 =	sadd.s32 s0, s26  }
0x5d: {  	s0 =	sshrl.u32 s0, $0x3  }
0x5e: {  	v13 =	vmov s28;
	s0 =	sadd.s32 s1, s0  }
0x5f: {  	[tilespmem:s3], [sflag:$0x2] =	stream.linear.gather [hbm4b:s0+s3], $0x8000, $0x38;
	[tilespmem:$0x1FF80] =	vst v63  }
0x60: {  	_ =	swait.ge [sflag:s15], $0x8000  }
0x61: {  	[sflag:s15] =	ssyncset.done $0x0  }
0x62: {  	[sflag:s15] =	ssyncadd.s32 $0xFFFF8000  }
0x63: {  	v14 =	vld.idx.msk [tilespmem:v13+s17+$0x0], $0xffff;
	_ =	sdelay $0x4  }
0x64: {  	(v2sf) =	vpush v14, $0x0;
	_ =	sdelay $0xe  }
0x65: {  	s30 =	spop (v2sf)  }
0x66: {  	p5 =	slt.s32 s30, $0x1  }
.Ltmp8:
0x67: {  	_ = 	snop;
	(pc) =	sbr.rel @p5 .LBB2_13-.Ltmp8, $1  }
0x68: {  	_ =	sdelay $0x3  }
0x69: {  	v16 =	vld [tilespmem:s4+$0x0];
	_ =	sdelay $0x3  }
0x6a: {  	s0 =	sshll.u32 s28, $0xC  }
0x6b: {  	s29 =	smin.u32 s30, $0x160;
	s5 =	simm.s32 $0x0;
	v14 =	vmov s0;
	v17 =	vand.u32 $0x1FF80, v16  }
0x6c: {  	v15 =	vadd.s32 s29, v9;
	v18 =	vmov s5;
	v17 =	vsub.s32 v17, v14  }
0x6d: {  	vm0 =	vlt.s32 v18, v15;
	v18 =	vand.u32 $0x7F, v16;
	v17 =	vshll.u32 v17, $0x3  }
0x6e: {  	v17 =	vor.u32 v18, v17;
	_ =	sdelay $0x2  }
0x6f: {  	v18 =	vshrl.u32 v16, $0x11;
	v16 =	vshrl.u32 v16, $0xE  }
0x70: {  	v18 =	vand.u32 $0x7F, v18;
	v16 =	vand.u32 $0x3FC00, v16  }
0x71: {  	v18 =	vor.u32 v18, v16;
	v16 =	vld.idx.msk [tilespmem:v17+s3+$0x0], vm0  }
0x72: {  	v19 =	vor.u32 $0x80, v17;
	_ =	sdelay $0x3  }
0x73: {  	[tilespmem:v18+s19+$0x0] =	vst.idx.msk vm0, v16  }
0x74: {  	v16 =	vld.idx.msk [tilespmem:v19+s3+$0x0], vm0;
	v19 =	vor.u32 $0x80, v18  }
0x75: {  	v20 =	vor.u32 $0x100, v17;
	_ =	sdelay $0x3  }
0x76: {  	[tilespmem:v19+s19+$0x0] =	vst.idx.msk vm0, v16  }
0x77: {  	v19 =	vor.u32 $0x100, v18;
	v16 =	vld.idx.msk [tilespmem:v20+s3+$0x0], vm0  }
0x78: {  	v60 =	vor.u32 $0x180, v17;
	_ =	sdelay $0x3  }
0x79: {  	[tilespmem:v19+s19+$0x0] =	vst.idx.msk vm0, v16  }
0x7a: {  	v19 =	vor.u32 $0x180, v18;
	v16 =	vld.idx.msk [tilespmem:v60+s3+$0x0], vm0  }
0x7b: {  	v61 =	vor.u32 $0x200, v17;
	_ =	sdelay $0x3  }
0x7c: {  	[tilespmem:v19+s19+$0x0] =	vst.idx.msk vm0, v16  }
0x7d: {  	v19 =	vor.u32 $0x200, v18;
	v16 =	vld.idx.msk [tilespmem:v61+s3+$0x0], vm0  }
0x7e: {  	v62 =	vor.u32 $0x280, v17;
	_ =	sdelay $0x3  }
0x7f: {  	[tilespmem:v19+s19+$0x0] =	vst.idx.msk vm0, v16  }
0x80: {  	v19 =	vor.u32 $0x280, v18;
	v16 =	vld.idx.msk [tilespmem:v62+s3+$0x0], vm0  }
0x81: {  	v63 =	vor.u32 $0x300, v17;
	_ =	sdelay $0x3  }
0x82: {  	s5 =	sadd.s32 $0xF, s29;
	[tilespmem:v19+s19+$0x0] =	vst.idx.msk vm0, v16  }
0x83: {  	s31 =	sand.u32 $0x3F0, s5;
	v19 =	vor.u32 $0x300, v18;
	v16 =	vld.idx.msk [tilespmem:v63+s3+$0x0], vm0  }
0x84: {  	p5 =	sne.s32 s31, $0x10;
	v17 =	vor.u32 $0x380, v17  }
.Ltmp9:
0x85: {  	_ = 	snop;
	(pc) =	sbr.rel @!p5 .LBB2_9-.Ltmp9, $3  }
0x86: {  	_ =	sdelay $0x1  }
0x87: {  	[tilespmem:v19+s19+$0x0] =	vst.idx.msk vm0, v16  }
0x88: {  	s0 =	simm.s32 $0x10;
	s29 =	smov.u32 s4;
	v16 =	vld.idx.msk [tilespmem:v17+s3+$0x0], vm0;
	v17 =	vor.u32 $0x380, v18  }
.LBB2_8:
0x89: {  	_ =	sdelay $0x3  }
0x8a: {  	s29 =	sadd.s32 $0x10, s29;
	s5 =	smov.u32 s0;
	s0 =	sadd.s32 $0x10, s0;
	[tilespmem:v17+s19+$0x0] =	vst.idx.msk vm0, v16  }
0x8b: {  	p5 =	sne.s32 s31, s0;
	v16 =	vld [tilespmem:s29+$0x0];
	_ =	sdelay $0x4  }
0x8c: {  	v17 =	vand.u32 $0x1FF80, v16;
	v18 =	vshrl.u32 v16, $0x11;
	v19 =	vshrl.u32 v16, $0xE  }
0x8d: {  	v20 =	vmov s5;
	v17 =	vsub.s32 v17, v14;
	v18 =	vand.u32 $0x7F, v18  }
0x8e: {  	vm0 =	vlt.s32 v20, v15;
	v16 =	vand.u32 $0x7F, v16;
	v17 =	vshll.u32 v17, $0x3  }
0x8f: {  	v16 =	vor.u32 v16, v17;
	v17 =	vand.u32 $0x3FC00, v19  }
0x90: {  	v17 =	vor.u32 v18, v17;
	_ =	sdelay $0x3  }
0x91: {  	v18 =	vld.idx.msk [tilespmem:v16+s3+$0x0], vm0;
	_ =	sdelay $0x1  }
0x92: {  	v19 =	vor.u32 $0x80, v16;
	_ =	sdelay $0x3  }
0x93: {  	[tilespmem:v17+s19+$0x0] =	vst.idx.msk vm0, v18  }
0x94: {  	v18 =	vld.idx.msk [tilespmem:v19+s3+$0x0], vm0  }
0x95: {  	v19 =	vor.u32 $0x80, v17  }
0x96: {  	v20 =	vor.u32 $0x100, v16;
	_ =	sdelay $0x3  }
0x97: {  	[tilespmem:v19+s19+$0x0] =	vst.idx.msk vm0, v18  }
0x98: {  	v18 =	vld.idx.msk [tilespmem:v20+s3+$0x0], vm0  }
0x99: {  	v19 =	vor.u32 $0x100, v17  }
0x9a: {  	v20 =	vor.u32 $0x180, v16;
	_ =	sdelay $0x3  }
0x9b: {  	[tilespmem:v19+s19+$0x0] =	vst.idx.msk vm0, v18  }
0x9c: {  	v18 =	vld.idx.msk [tilespmem:v20+s3+$0x0], vm0  }
0x9d: {  	v19 =	vor.u32 $0x180, v17  }
0x9e: {  	v20 =	vor.u32 $0x200, v16;
	_ =	sdelay $0x3  }
0x9f: {  	[tilespmem:v19+s19+$0x0] =	vst.idx.msk vm0, v18  }
0xa0: {  	v18 =	vld.idx.msk [tilespmem:v20+s3+$0x0], vm0  }
0xa1: {  	v19 =	vor.u32 $0x200, v17  }
0xa2: {  	v20 =	vor.u32 $0x280, v16;
	_ =	sdelay $0x3  }
0xa3: {  	[tilespmem:v19+s19+$0x0] =	vst.idx.msk vm0, v18  }
0xa4: {  	v18 =	vld.idx.msk [tilespmem:v20+s3+$0x0], vm0  }
0xa5: {  	v19 =	vor.u32 $0x280, v17  }
0xa6: {  	v20 =	vor.u32 $0x300, v16;
	_ =	sdelay $0x3  }
0xa7: {  	[tilespmem:v19+s19+$0x0] =	vst.idx.msk vm0, v18  }
0xa8: {  	v18 =	vld.idx.msk [tilespmem:v20+s3+$0x0], vm0  }
0xa9: {  	v19 =	vor.u32 $0x300, v17  }
0xaa: {  	v16 =	vor.u32 $0x380, v16;
	_ =	sdelay $0x1  }
.Ltmp10:
0xab: {  	(pc) =	sbr.rel @p5 .LBB2_8-.Ltmp10, $4  }
0xac: {  	_ = 	snop  }
0xad: {  	[tilespmem:v19+s19+$0x0] =	vst.idx.msk vm0, v18  }
0xae: {  	v16 =	vld.idx.msk [tilespmem:v16+s3+$0x0], vm0  }
0xaf: {  	v17 =	vor.u32 $0x380, v17  }
.LBB2_9:
0xb0: {  	p5 =	slt.u32 s30, $0x161  }
.Ltmp11:
0xb1: {  	_ = 	snop;
	(pc) =	sbr.rel @p5 .LBB2_13-.Ltmp11, $2  }
0xb2: {  	_ =	sdelay $0x2  }
0xb3: {  	[tilespmem:v17+s19+$0x0] =	vst.idx.msk vm0, v16  }
0xb4: {  	s30 =	simm.s32 $0x8000  }
0xb5: {  	v15 =	vld [tilespmem:s30+$0x0];
	_ =	sdelay $0x4  }
0xb6: {  	vm0 =	vgt.s32 v15, $0x1867F;
	v16 =	vshrl.u32 v15, $0xC;
	v17 =	vsub.s32 v15, v14  }
0xb7: {  	v16 =	vsel vm0, $0x19, v16;
	v17 =	vshll.u32 v17, $0x3  }
0xb8: {  	v15 =	vand.u32 $0x7F, v15;
	vm0 =	veq.s32 v16, v13;
	v16 =	vand.u32 $0xFFFFFC00, v17  }
0xb9: {  	v15 =	vor.u32 v15, v16  }
0xba: {  	s0 =	simm.s32 $0x0  }
0xbb: {  	v16 =	vmov s0  }
0xbc: {  	v17 =	vor.u32 s0, v0;
	v16 =	vshll.u32 v16, $0x3  }
0xbd: {  	v17 =	vand.u32 $0x7F, v17;
	v18 =	vand.u32 $0xFC00, v16  }
0xbe: {  	v18 =	vor.u32 v17, v18;
	v19 =	vld.idx.msk [tilespmem:v15+s3+$0x0], vm0  }
0xbf: {  	v20 =	vor.u32 $0x80, v15;
	_ =	sdelay $0x3  }
0xc0: {  	[tilespmem:v18+s19+$0x0] =	vst.idx.msk vm0, v19  }
0xc1: {  	v55 =	vor.u32 $0x80, v18;
	v19 =	vld.idx.msk [tilespmem:v20+s3+$0x0], vm0  }
0xc2: {  	v21 =	vor.u32 $0x100, v15;
	_ =	sdelay $0x3  }
0xc3: {  	[tilespmem:v55+s19+$0x0] =	vst.idx.msk vm0, v19  }
0xc4: {  	v56 =	vor.u32 $0x100, v18;
	v19 =	vld.idx.msk [tilespmem:v21+s3+$0x0], vm0  }
0xc5: {  	v57 =	vor.u32 $0x180, v15;
	_ =	sdelay $0x3  }
0xc6: {  	[tilespmem:v56+s19+$0x0] =	vst.idx.msk vm0, v19  }
0xc7: {  	v58 =	vor.u32 $0x180, v18;
	v19 =	vld.idx.msk [tilespmem:v57+s3+$0x0], vm0  }
0xc8: {  	v59 =	vor.u32 $0x200, v15;
	_ =	sdelay $0x3  }
0xc9: {  	[tilespmem:v58+s19+$0x0] =	vst.idx.msk vm0, v19  }
0xca: {  	v60 =	vor.u32 $0x200, v18;
	v19 =	vld.idx.msk [tilespmem:v59+s3+$0x0], vm0  }
0xcb: {  	v61 =	vor.u32 $0x280, v15;
	_ =	sdelay $0x3  }
0xcc: {  	[tilespmem:v60+s19+$0x0] =	vst.idx.msk vm0, v19  }
0xcd: {  	v62 =	vor.u32 $0x280, v18;
	v19 =	vld.idx.msk [tilespmem:v61+s3+$0x0], vm0  }
0xce: {  	v63 =	vor.u32 $0x300, v15;
	_ =	sdelay $0x3  }
0xcf: {  	[tilespmem:v62+s19+$0x0] =	vst.idx.msk vm0, v19  }
0xd0: {  	v18 =	vor.u32 $0x300, v18;
	v19 =	vld.idx.msk [tilespmem:v63+s3+$0x0], vm0  }
0xd1: {  	v15 =	vor.u32 $0x380, v15;
	_ =	sdelay $0x3  }
0xd2: {  	v16 =	vor.u32 v17, v16;
	[tilespmem:v18+s19+$0x0] =	vst.idx.msk vm0, v19  }
0xd3: {  	s31 =	simm.s32 $0x10;
	v16 =	vor.u32 $0x380, v16;
	v15 =	vld.idx.msk [tilespmem:v15+s3+$0x0], vm0  }
.LBB2_11:
0xd4: {  	_ =	sdelay $0x2  }
0xd5: {  	p5 =	sne.s32 s31, $0x1FF0  }
0xd6: {  	s30 =	sadd.s32 $0x10, s30;
	s0 =	smov.u32 s31;
	s31 =	sadd.s32 $0x10, s31;
	[tilespmem:v16+s19+$0x0] =	vst.idx.msk vm0, v15  }
0xd7: {  	v15 =	vld [tilespmem:s30+$0x0];
	_ =	sdelay $0x4  }
0xd8: {  	vm0 =	vgt.s32 v15, $0x1867F;
	v16 =	vshrl.u32 v15, $0xC;
	v17 =	vsub.s32 v15, v14  }
0xd9: {  	v16 =	vsel vm0, $0x19, v16;
	v17 =	vshll.u32 v17, $0x3  }
0xda: {  	v15 =	vand.u32 $0x7F, v15;
	vm0 =	veq.s32 v16, v13;
	v16 =	vand.u32 $0xFFFFFC00, v17  }
0xdb: {  	v15 =	vor.u32 v15, v16;
	_ =	sdelay $0x2  }
0xdc: {  	v16 =	vmov s0  }
0xdd: {  	v17 =	vor.u32 s0, v0;
	v16 =	vshll.u32 v16, $0x3  }
0xde: {  	v17 =	vand.u32 $0x7F, v17;
	v19 =	vand.u32 $0xFC00, v16;
	v18 =	vld.idx.msk [tilespmem:v15+s3+$0x0], vm0  }
0xdf: {  	v16 =	vor.u32 v17, v16;
	v19 =	vor.u32 v17, v19  }
0xe0: {  	v17 =	vor.u32 $0x80, v15;
	_ =	sdelay $0x3  }
0xe1: {  	[tilespmem:v19+s19+$0x0] =	vst.idx.msk vm0, v18  }
0xe2: {  	v17 =	vld.idx.msk [tilespmem:v17+s3+$0x0], vm0  }
0xe3: {  	v18 =	vor.u32 $0x80, v19  }
0xe4: {  	v20 =	vor.u32 $0x100, v15;
	_ =	sdelay $0x3  }
0xe5: {  	[tilespmem:v18+s19+$0x0] =	vst.idx.msk vm0, v17  }
0xe6: {  	v17 =	vld.idx.msk [tilespmem:v20+s3+$0x0], vm0  }
0xe7: {  	v18 =	vor.u32 $0x100, v19  }
0xe8: {  	v20 =	vor.u32 $0x180, v15;
	_ =	sdelay $0x3  }
0xe9: {  	[tilespmem:v18+s19+$0x0] =	vst.idx.msk vm0, v17  }
0xea: {  	v17 =	vld.idx.msk [tilespmem:v20+s3+$0x0], vm0  }
0xeb: {  	v18 =	vor.u32 $0x180, v19  }
0xec: {  	v20 =	vor.u32 $0x200, v15;
	_ =	sdelay $0x3  }
0xed: {  	[tilespmem:v18+s19+$0x0] =	vst.idx.msk vm0, v17  }
0xee: {  	v17 =	vld.idx.msk [tilespmem:v20+s3+$0x0], vm0  }
0xef: {  	v18 =	vor.u32 $0x200, v19  }
0xf0: {  	v20 =	vor.u32 $0x280, v15;
	_ =	sdelay $0x3  }
0xf1: {  	[tilespmem:v18+s19+$0x0] =	vst.idx.msk vm0, v17  }
0xf2: {  	v17 =	vld.idx.msk [tilespmem:v20+s3+$0x0], vm0  }
0xf3: {  	v18 =	vor.u32 $0x280, v19  }
0xf4: {  	v20 =	vor.u32 $0x300, v15;
	_ =	sdelay $0x3  }
0xf5: {  	[tilespmem:v18+s19+$0x0] =	vst.idx.msk vm0, v17  }
0xf6: {  	v17 =	vld.idx.msk [tilespmem:v20+s3+$0x0], vm0  }
0xf7: {  	v18 =	vor.u32 $0x300, v19  }
0xf8: {  	v15 =	vor.u32 $0x380, v15;
	_ =	sdelay $0x1  }
.Ltmp12:
0xf9: {  	(pc) =	sbr.rel @p5 .LBB2_11-.Ltmp12, $4  }
0xfa: {  	_ = 	snop  }
0xfb: {  	[tilespmem:v18+s19+$0x0] =	vst.idx.msk vm0, v17  }
0xfc: {  	v15 =	vld.idx.msk [tilespmem:v15+s3+$0x0], vm0  }
0xfd: {  	v16 =	vor.u32 $0x380, v16  }
0xfe: {  	_ = 	snop  }
.Ltmp13:
0xff: {  	_ = 	snop;
	(pc) =	sbr.rel .LBB2_13-.Ltmp13, $2  }
0x100: {  	_ =	sdelay $0x2  }
0x101: {  	[tilespmem:v16+s19+$0x0] =	vst.idx.msk vm0, v15  }
.LBB2_14:
0x102: {  	s0 =	simm.s32 $0x183800  }
0x103: {  	s0 =	simm.s32 @!p4 $0xC0000  }
0x104: {  	s0 =	sadd.s32 s25, s0  }
0x105: {  	s0 =	sshrl.u32 s0, $0x3  }
0x106: {  	s0 =	sadd.s32 s1, s0  }
0x107: {  	[tilespmem:s3], [sflag:$0x2] =	stream.linear.gather [hbm4b:s0+s3], $0x3400, $0x38;
	[tilespmem:$0x1FF80] =	vst v63  }
0x108: {  	_ =	swait.ge [sflag:s15], $0x3400  }
0x109: {  	[sflag:s15] =	ssyncset.done $0x0  }
0x10a: {  	[sflag:s15] =	ssyncadd.s32 $0xFFFFCC00  }
0x10b: {  	v13 =	vld.idx.msk [tilespmem:v10+s17+$0x0], $0xffff;
	_ =	sdelay $0x4  }
0x10c: {  	(v2sf) =	vpush v13, $0x0;
	_ =	sdelay $0xe  }
0x10d: {  	s25 =	spop (v2sf)  }
0x10e: {  	p5 =	slt.s32 s25, $0x1  }
.Ltmp14:
0x10f: {  	_ = 	snop;
	(pc) =	sbr.rel @p5 .LBB2_25-.Ltmp14, $1  }
0x110: {  	_ =	sdelay $0x3  }
0x111: {  	s0 =	smin.u32 s25, $0x160  }
0x112: {  	s4 =	sadd.s32 $0xF, s0  }
0x113: {  	s26 =	sand.u32 $0x3F0, s4  }
0x114: {  	p6 =	sne.s32 s26, $0x10  }
.Ltmp15:
0x115: {  	_ = 	snop;
	(pc) =	sbr.rel @!p6 .LBB2_16-.Ltmp15, $2  }
0x116: {  	_ =	sdelay $0x2  }
0x117: {  	s28 =	simm.s32 $0x10;
	p5 =	por $0x0, $0x0;
	v13 =	vadd.s32 s0, v9;
	s0 =	simm.s32 $0x0  }
0x118: {  	s4 =	sand.u32 $0xFFFFFFF0, s0  }
0x119: {  	v14 =	vld [tilespmem:s4+$0x1C100];
	_ =	sdelay $0x4  }
0x11a: {  	v15 =	vshll.u32 v14, $0x3  }
0x11b: {  	v16 =	vmov s0;
	v17 =	vand.u32 $0x7F, v14;
	v15 =	vand.u32 $0xFFC00, v15  }
0x11c: {  	vm0 =	vlt.s32 v16, v13;
	v15 =	vor.u32 v17, v15  }
0x11d: {  	v16 =	vadd.s32 $0xFFF40000, v15;
	_ =	sdelay $0x2  }
0x11e: {  	v17 =	vshrl.u32 v14, $0x11;
	v14 =	vshrl.u32 v14, $0xE  }
0x11f: {  	v17 =	vand.u32 $0x7F, v17;
	v14 =	vand.u32 $0x3FC00, v14  }
0x120: {  	v17 =	vor.u32 v17, v14;
	v14 =	vld.idx.msk [tilespmem:v16+s3+$0x0], vm0  }
0x121: {  	v16 =	vadd.s32 $0xFFF40080, v15;
	_ =	sdelay $0x3  }
0x122: {  	[tilespmem:v17+s19+$0x0] =	vst.idx.msk vm0, v14  }
0x123: {  	v14 =	vld.idx.msk [tilespmem:v16+s3+$0x0], vm0;
	v16 =	vor.u32 $0x80, v17  }
0x124: {  	v18 =	vadd.s32 $0xFFF40100, v15;
	_ =	sdelay $0x3  }
0x125: {  	[tilespmem:v16+s19+$0x0] =	vst.idx.msk vm0, v14  }
0x126: {  	v16 =	vor.u32 $0x100, v17;
	v14 =	vld.idx.msk [tilespmem:v18+s3+$0x0], vm0  }
0x127: {  	v60 =	vadd.s32 $0xFFF40180, v15;
	_ =	sdelay $0x3  }
0x128: {  	[tilespmem:v16+s19+$0x0] =	vst.idx.msk vm0, v14  }
0x129: {  	v16 =	vor.u32 $0x180, v17;
	v14 =	vld.idx.msk [tilespmem:v60+s3+$0x0], vm0  }
0x12a: {  	v61 =	vadd.s32 $0xFFF40200, v15;
	_ =	sdelay $0x3  }
0x12b: {  	[tilespmem:v16+s19+$0x0] =	vst.idx.msk vm0, v14  }
0x12c: {  	v16 =	vor.u32 $0x200, v17;
	v14 =	vld.idx.msk [tilespmem:v61+s3+$0x0], vm0  }
0x12d: {  	v62 =	vadd.s32 $0xFFF40280, v15;
	_ =	sdelay $0x3  }
0x12e: {  	[tilespmem:v16+s19+$0x0] =	vst.idx.msk vm0, v14  }
0x12f: {  	v16 =	vor.u32 $0x280, v17;
	v14 =	vld.idx.msk [tilespmem:v62+s3+$0x0], vm0  }
0x130: {  	v63 =	vadd.s32 $0xFFF40300, v15;
	_ =	sdelay $0x3  }
0x131: {  	[tilespmem:v16+s19+$0x0] =	vst.idx.msk vm0, v14  }
0x132: {  	v16 =	vor.u32 $0x300, v17;
	v14 =	vld.idx.msk [tilespmem:v63+s3+$0x0], vm0  }
0x133: {  	p6 =	sne.s32 s26, $0x20;
	v15 =	vadd.s32 $0xFFF40380, v15  }
.Ltmp16:
0x134: {  	_ = 	snop;
	(pc) =	sbr.rel @!p6 .LBB2_18-.Ltmp16, $3  }
0x135: {  	_ =	sdelay $0x1  }
0x136: {  	[tilespmem:v16+s19+$0x0] =	vst.idx.msk vm0, v14  }
0x137: {  	s0 =	simm.s32 $0x20;
	p5 =	por $0x1, $0x1;
	v14 =	vld.idx.msk [tilespmem:v15+s3+$0x0], vm0;
	v15 =	vor.u32 $0x380, v17  }
.LBB2_19:
0x138: {  	_ =	sdelay $0x3  }
0x139: {  	s4 =	sand.u32 $0xFFFFFFF0, s28;
	s5 =	smov.u32 s0;
	s0 =	sadd.s32 $0x10, s0;
	[tilespmem:v15+s19+$0x0] =	vst.idx.msk vm0, v14  }
0x13a: {  	p6 =	sne.s32 s26, s0;
	v14 =	vld [tilespmem:s4+$0x1C100];
	_ =	sdelay $0x3  }
0x13b: {  	v15 =	vmov s28;
	s28 =	smov.u32 s5  }
0x13c: {  	v16 =	vshrl.u32 v14, $0x11;
	v17 =	vshll.u32 v14, $0x3;
	v18 =	vshrl.u32 v14, $0xE  }
0x13d: {  	v14 =	vand.u32 $0x7F, v14;
	v16 =	vand.u32 $0x7F, v16;
	v17 =	vand.u32 $0xFFC00, v17  }
0x13e: {  	vm0 =	vlt.s32 v15, v13;
	v15 =	vand.u32 $0x3FC00, v18;
	v14 =	vor.u32 v14, v17  }
0x13f: {  	v15 =	vor.u32 v16, v15;
	v17 =	vadd.s32 $0xFFF40000, v14;
	_ =	sdelay $0x4  }
0x140: {  	v16 =	vld.idx.msk [tilespmem:v17+s3+$0x0], vm0;
	_ =	sdelay $0x1  }
0x141: {  	v17 =	vadd.s32 $0xFFF40080, v14;
	_ =	sdelay $0x3  }
0x142: {  	[tilespmem:v15+s19+$0x0] =	vst.idx.msk vm0, v16  }
0x143: {  	v16 =	vld.idx.msk [tilespmem:v17+s3+$0x0], vm0  }
0x144: {  	v17 =	vor.u32 $0x80, v15  }
0x145: {  	v18 =	vadd.s32 $0xFFF40100, v14;
	_ =	sdelay $0x3  }
0x146: {  	[tilespmem:v17+s19+$0x0] =	vst.idx.msk vm0, v16  }
0x147: {  	v16 =	vld.idx.msk [tilespmem:v18+s3+$0x0], vm0  }
0x148: {  	v17 =	vor.u32 $0x100, v15  }
0x149: {  	v18 =	vadd.s32 $0xFFF40180, v14;
	_ =	sdelay $0x3  }
0x14a: {  	[tilespmem:v17+s19+$0x0] =	vst.idx.msk vm0, v16  }
0x14b: {  	v16 =	vld.idx.msk [tilespmem:v18+s3+$0x0], vm0  }
0x14c: {  	v17 =	vor.u32 $0x180, v15  }
0x14d: {  	v18 =	vadd.s32 $0xFFF40200, v14;
	_ =	sdelay $0x3  }
0x14e: {  	[tilespmem:v17+s19+$0x0] =	vst.idx.msk vm0, v16  }
0x14f: {  	v16 =	vld.idx.msk [tilespmem:v18+s3+$0x0], vm0  }
0x150: {  	v17 =	vor.u32 $0x200, v15  }
0x151: {  	v18 =	vadd.s32 $0xFFF40280, v14;
	_ =	sdelay $0x3  }
0x152: {  	[tilespmem:v17+s19+$0x0] =	vst.idx.msk vm0, v16  }
0x153: {  	v16 =	vld.idx.msk [tilespmem:v18+s3+$0x0], vm0  }
0x154: {  	v17 =	vor.u32 $0x280, v15  }
0x155: {  	v18 =	vadd.s32 $0xFFF40300, v14;
	_ =	sdelay $0x3  }
0x156: {  	[tilespmem:v17+s19+$0x0] =	vst.idx.msk vm0, v16  }
0x157: {  	v16 =	vld.idx.msk [tilespmem:v18+s3+$0x0], vm0  }
0x158: {  	v17 =	vor.u32 $0x300, v15  }
0x159: {  	v14 =	vadd.s32 $0xFFF40380, v14;
	_ =	sdelay $0x1  }
.Ltmp17:
0x15a: {  	(pc) =	sbr.rel @p6 .LBB2_19-.Ltmp17, $4  }
0x15b: {  	_ = 	snop  }
0x15c: {  	[tilespmem:v17+s19+$0x0] =	vst.idx.msk vm0, v16  }
0x15d: {  	v14 =	vld.idx.msk [tilespmem:v14+s3+$0x0], vm0  }
0x15e: {  	v15 =	vor.u32 $0x380, v15  }
0x15f: {  	s0 =	smov.u32 s28  }
.LBB2_21:
0x160: {  	_ =	sdelay $0x4  }
0x161: {  	s4 =	sand.u32 $0xFFFFFFF0, s0;
	[tilespmem:v15+s19+$0x0] =	vst.idx.msk @p5 vm0, v14  }
0x162: {  	v14 =	vld [tilespmem:s4+$0x1C100];
	_ =	sdelay $0x4  }
0x163: {  	v15 =	vshll.u32 v14, $0x3  }
0x164: {  	v16 =	vmov s0;
	v17 =	vand.u32 $0x7F, v14;
	v15 =	vand.u32 $0xFFC00, v15  }
0x165: {  	vm15 =	vlt.s32 v16, v13;
	v13 =	vor.u32 v17, v15  }
0x166: {  	v15 =	vadd.s32 $0xFFF40000, v13;
	_ =	sdelay $0x2  }
0x167: {  	v52 =	vshrl.u32 v14, $0x11;
	v14 =	vshrl.u32 v14, $0xE  }
0x168: {  	v16 =	vand.u32 $0x7F, v52;
	v14 =	vand.u32 $0x3FC00, v14  }
0x169: {  	v14 =	vor.u32 v16, v14;
	v15 =	vld.idx.msk [tilespmem:v15+s3+$0x0], vm15  }
0x16a: {  	v53 =	vadd.s32 $0xFFF40080, v13;
	_ =	sdelay $0x3  }
0x16b: {  	[tilespmem:v14+s19+$0x0] =	vst.idx.msk vm15, v15  }
0x16c: {  	v54 =	vor.u32 $0x80, v14;
	v15 =	vld.idx.msk [tilespmem:v53+s3+$0x0], vm15  }
0x16d: {  	v17 =	vadd.s32 $0xFFF40100, v13;
	_ =	sdelay $0x3  }
0x16e: {  	[tilespmem:v54+s19+$0x0] =	vst.idx.msk vm15, v15  }
0x16f: {  	v55 =	vor.u32 $0x100, v14;
	v15 =	vld.idx.msk [tilespmem:v17+s3+$0x0], vm15  }
0x170: {  	v56 =	vadd.s32 $0xFFF40180, v13;
	_ =	sdelay $0x3  }
0x171: {  	[tilespmem:v55+s19+$0x0] =	vst.idx.msk vm15, v15  }
0x172: {  	v57 =	vor.u32 $0x180, v14;
	v15 =	vld.idx.msk [tilespmem:v56+s3+$0x0], vm15  }
0x173: {  	v58 =	vadd.s32 $0xFFF40200, v13;
	_ =	sdelay $0x3  }
0x174: {  	[tilespmem:v57+s19+$0x0] =	vst.idx.msk vm15, v15  }
0x175: {  	v59 =	vor.u32 $0x200, v14;
	v15 =	vld.idx.msk [tilespmem:v58+s3+$0x0], vm15  }
0x176: {  	v60 =	vadd.s32 $0xFFF40280, v13;
	_ =	sdelay $0x3  }
0x177: {  	[tilespmem:v59+s19+$0x0] =	vst.idx.msk vm15, v15  }
0x178: {  	v61 =	vor.u32 $0x280, v14;
	v15 =	vld.idx.msk [tilespmem:v60+s3+$0x0], vm15  }
0x179: {  	v62 =	vadd.s32 $0xFFF40300, v13;
	_ =	sdelay $0x3  }
0x17a: {  	[tilespmem:v61+s19+$0x0] =	vst.idx.msk vm15, v15  }
0x17b: {  	v63 =	vor.u32 $0x300, v14;
	v15 =	vld.idx.msk [tilespmem:v62+s3+$0x0], vm15  }
0x17c: {  	v13 =	vadd.s32 $0xFFF40380, v13;
	_ =	sdelay $0x3  }
0x17d: {  	[tilespmem:v63+s19+$0x0] =	vst.idx.msk vm15, v15  }
0x17e: {  	p5 =	slt.u32 s25, $0x161;
	v14 =	vor.u32 $0x380, v14;
	v13 =	vld.idx.msk [tilespmem:v13+s3+$0x0], vm15  }
.Ltmp18:
0x17f: {  	_ = 	snop;
	(pc) =	sbr.rel @p5 .LBB2_25-.Ltmp18, $2  }
0x180: {  	_ =	sdelay $0x2  }
0x181: {  	[tilespmem:v14+s19+$0x0] =	vst.idx.msk vm15, v13  }
0x182: {  	s25 =	simm.s32 $0x8000  }
0x183: {  	v13 =	vld [tilespmem:s25+$0x0];
	_ =	sdelay $0x4  }
0x184: {  	v14 =	vshll.u32 v13, $0x3  }
0x185: {  	v15 =	vadd.s32 $0xFFFE8000, v13;
	v13 =	vand.u32 $0x7F, v13;
	v14 =	vand.u32 $0xFFFFFC00, v14  }
0x186: {  	vm0 =	vlt.u32 v15, $0x680;
	v13 =	vor.u32 v13, v14  }
0x187: {  	v14 =	vadd.s32 $0xFFF40000, v13  }
0x188: {  	s0 =	simm.s32 $0x0  }
0x189: {  	v15 =	vmov s0  }
0x18a: {  	v16 =	vor.u32 s0, v0;
	v15 =	vshll.u32 v15, $0x3  }
0x18b: {  	v16 =	vand.u32 $0x7F, v16;
	v17 =	vand.u32 $0xFC00, v15  }
0x18c: {  	v17 =	vor.u32 v16, v17;
	v14 =	vld.idx.msk [tilespmem:v14+s3+$0x0], vm0  }
0x18d: {  	v18 =	vadd.s32 $0xFFF40080, v13;
	_ =	sdelay $0x3  }
0x18e: {  	[tilespmem:v17+s19+$0x0] =	vst.idx.msk vm0, v14  }
0x18f: {  	v55 =	vor.u32 $0x80, v17;
	v14 =	vld.idx.msk [tilespmem:v18+s3+$0x0], vm0  }
0x190: {  	v19 =	vadd.s32 $0xFFF40100, v13;
	_ =	sdelay $0x3  }
0x191: {  	[tilespmem:v55+s19+$0x0] =	vst.idx.msk vm0, v14  }
0x192: {  	v56 =	vor.u32 $0x100, v17;
	v14 =	vld.idx.msk [tilespmem:v19+s3+$0x0], vm0  }
0x193: {  	v57 =	vadd.s32 $0xFFF40180, v13;
	_ =	sdelay $0x3  }
0x194: {  	[tilespmem:v56+s19+$0x0] =	vst.idx.msk vm0, v14  }
0x195: {  	v58 =	vor.u32 $0x180, v17;
	v14 =	vld.idx.msk [tilespmem:v57+s3+$0x0], vm0  }
0x196: {  	v59 =	vadd.s32 $0xFFF40200, v13;
	_ =	sdelay $0x3  }
0x197: {  	[tilespmem:v58+s19+$0x0] =	vst.idx.msk vm0, v14  }
0x198: {  	v60 =	vor.u32 $0x200, v17;
	v14 =	vld.idx.msk [tilespmem:v59+s3+$0x0], vm0  }
0x199: {  	v61 =	vadd.s32 $0xFFF40280, v13;
	_ =	sdelay $0x3  }
0x19a: {  	[tilespmem:v60+s19+$0x0] =	vst.idx.msk vm0, v14  }
0x19b: {  	v62 =	vor.u32 $0x280, v17;
	v14 =	vld.idx.msk [tilespmem:v61+s3+$0x0], vm0  }
0x19c: {  	v63 =	vadd.s32 $0xFFF40300, v13;
	_ =	sdelay $0x3  }
0x19d: {  	[tilespmem:v62+s19+$0x0] =	vst.idx.msk vm0, v14  }
0x19e: {  	v17 =	vor.u32 $0x300, v17;
	v14 =	vld.idx.msk [tilespmem:v63+s3+$0x0], vm0  }
0x19f: {  	v13 =	vadd.s32 $0xFFF40380, v13;
	_ =	sdelay $0x3  }
0x1a0: {  	v15 =	vor.u32 v16, v15;
	[tilespmem:v17+s19+$0x0] =	vst.idx.msk vm0, v14  }
0x1a1: {  	s0 =	simm.s32 $0x10;
	v14 =	vor.u32 $0x380, v15;
	v13 =	vld.idx.msk [tilespmem:v13+s3+$0x0], vm0  }
.LBB2_23:
0x1a2: {  	_ =	sdelay $0x2  }
0x1a3: {  	p5 =	sne.s32 s0, $0x1FF0  }
0x1a4: {  	s25 =	sadd.s32 $0x10, s25;
	s4 =	smov.u32 s0;
	s0 =	sadd.s32 $0x10, s0;
	[tilespmem:v14+s19+$0x0] =	vst.idx.msk vm0, v13  }
0x1a5: {  	v13 =	vld [tilespmem:s25+$0x0];
	_ =	sdelay $0x4  }
0x1a6: {  	v14 =	vadd.s32 $0xFFFE8000, v13;
	v15 =	vshll.u32 v13, $0x3  }
0x1a7: {  	v13 =	vand.u32 $0x7F, v13;
	v15 =	vand.u32 $0xFFFFFC00, v15  }
0x1a8: {  	vm0 =	vlt.u32 v14, $0x680;
	v13 =	vor.u32 v13, v15  }
0x1a9: {  	v14 =	vadd.s32 $0xFFF40000, v13;
	_ =	sdelay $0x2  }
0x1aa: {  	v15 =	vmov s4  }
0x1ab: {  	v16 =	vor.u32 s4, v0;
	v15 =	vshll.u32 v15, $0x3  }
0x1ac: {  	v16 =	vand.u32 $0x7F, v16;
	v17 =	vand.u32 $0xFC00, v15;
	v14 =	vld.idx.msk [tilespmem:v14+s3+$0x0], vm0  }
0x1ad: {  	v15 =	vor.u32 v16, v15;
	v17 =	vor.u32 v16, v17  }
0x1ae: {  	v16 =	vadd.s32 $0xFFF40080, v13;
	_ =	sdelay $0x3  }
0x1af: {  	[tilespmem:v17+s19+$0x0] =	vst.idx.msk vm0, v14  }
0x1b0: {  	v14 =	vld.idx.msk [tilespmem:v16+s3+$0x0], vm0  }
0x1b1: {  	v16 =	vor.u32 $0x80, v17  }
0x1b2: {  	v18 =	vadd.s32 $0xFFF40100, v13;
	_ =	sdelay $0x3  }
0x1b3: {  	[tilespmem:v16+s19+$0x0] =	vst.idx.msk vm0, v14  }
0x1b4: {  	v14 =	vld.idx.msk [tilespmem:v18+s3+$0x0], vm0  }
0x1b5: {  	v16 =	vor.u32 $0x100, v17  }
0x1b6: {  	v18 =	vadd.s32 $0xFFF40180, v13;
	_ =	sdelay $0x3  }
0x1b7: {  	[tilespmem:v16+s19+$0x0] =	vst.idx.msk vm0, v14  }
0x1b8: {  	v14 =	vld.idx.msk [tilespmem:v18+s3+$0x0], vm0  }
0x1b9: {  	v16 =	vor.u32 $0x180, v17  }
0x1ba: {  	v18 =	vadd.s32 $0xFFF40200, v13;
	_ =	sdelay $0x3  }
0x1bb: {  	[tilespmem:v16+s19+$0x0] =	vst.idx.msk vm0, v14  }
0x1bc: {  	v14 =	vld.idx.msk [tilespmem:v18+s3+$0x0], vm0  }
0x1bd: {  	v16 =	vor.u32 $0x200, v17  }
0x1be: {  	v18 =	vadd.s32 $0xFFF40280, v13;
	_ =	sdelay $0x3  }
0x1bf: {  	[tilespmem:v16+s19+$0x0] =	vst.idx.msk vm0, v14  }
0x1c0: {  	v14 =	vld.idx.msk [tilespmem:v18+s3+$0x0], vm0  }
0x1c1: {  	v16 =	vor.u32 $0x280, v17  }
0x1c2: {  	v18 =	vadd.s32 $0xFFF40300, v13;
	_ =	sdelay $0x3  }
0x1c3: {  	[tilespmem:v16+s19+$0x0] =	vst.idx.msk vm0, v14  }
0x1c4: {  	v14 =	vld.idx.msk [tilespmem:v18+s3+$0x0], vm0  }
0x1c5: {  	v16 =	vor.u32 $0x300, v17  }
0x1c6: {  	v13 =	vadd.s32 $0xFFF40380, v13;
	_ =	sdelay $0x1  }
.Ltmp19:
0x1c7: {  	(pc) =	sbr.rel @p5 .LBB2_23-.Ltmp19, $4  }
0x1c8: {  	_ = 	snop  }
0x1c9: {  	[tilespmem:v16+s19+$0x0] =	vst.idx.msk vm0, v14  }
0x1ca: {  	v13 =	vld.idx.msk [tilespmem:v13+s3+$0x0], vm0  }
0x1cb: {  	v14 =	vor.u32 $0x380, v15  }
0x1cc: {  	_ =	sdelay $0x4  }
0x1cd: {  	[tilespmem:v14+s19+$0x0] =	vst.idx.msk vm0, v13  }
.LBB2_25:
0x1ce: {  	_ =	sdelay $0x3  }
0x1cf: {  	v13 =	vld.idx.msk [tilespmem:v11+s17+$0x0], $0xffff;
	_ =	sdelay $0x4  }
0x1d0: {  	(v2sf) =	vpush v13, $0x0;
	_ =	sdelay $0xe  }
0x1d1: {  	s25 =	spop (v2sf)  }
0x1d2: {  	p5 =	slt.s32 s25, $0x1  }
.Ltmp20:
0x1d3: {  	_ = 	snop;
	(pc) =	sbr.rel @p5 .LBB2_32-.Ltmp20, $1  }
0x1d4: {  	_ =	sdelay $0x3  }
0x1d5: {  	s26 =	simm.s32 $0x1C260  }
0x1d6: {  	v14 =	vld [tilespmem:s26+$0x0];
	_ =	sdelay $0x2  }
0x1d7: {  	s0 =	simm.s32 $0x100  }
0x1d8: {  	s4 =	sshll.u32 s24, $0x9;
	s0 =	simm.s32 @!p4 $0x0  }
0x1d9: {  	s0 =	sor.u32 s0, s4;
	v15 =	vand.u32 $0x1FFFF, v14  }
0x1da: {  	s5 =	simm.s32 $0x0;
	s4 =	smin.u32 s25, $0x160;
	v13 =	vmov s0;
	v22 =	vadd.s32 $0xFFFE7980, v15  }
0x1db: {  	v21 =	vadd.s32 s4, v9;
	v15 =	vmov s5;
	v16 =	vadd.s32 v13, v22  }
0x1dc: {  	vm0 =	vlt.s32 v15, v21;
	v15 =	vand.u32 $0xFFFFFF80, v16;
	v16 =	vand.u32 $0x7F, v14  }
0x1dd: {  	v15 =	vor.u32 v16, v15;
	_ =	sdelay $0x2  }
0x1de: {  	v16 =	vshrl.u32 v14, $0x11;
	v14 =	vshrl.u32 v14, $0xE  }
0x1df: {  	s31 =	sor.u32 $0x20, s0;
	v16 =	vand.u32 $0x7F, v16;
	v17 =	vand.u32 $0x3FC00, v14  }
0x1e0: {  	v14 =	vmov s31;
	v23 =	vor.u32 v16, v17;
	v15 =	vld.idx.msk [tilespmem:v15+s13+$0x0], vm0  }
0x1e1: {  	v16 =	vadd.s32 v14, v22;
	_ =	sdelay $0x3  }
0x1e2: {  	s30 =	sor.u32 $0x40, s0;
	[tilespmem:v23+s19+$0x0] =	vst.idx.msk vm0, v15  }
0x1e3: {  	v17 =	vor.u32 $0x80, v23;
	v15 =	vmov s30;
	v16 =	vld.idx.msk [tilespmem:v16+s13+$0x0], vm0  }
0x1e4: {  	v18 =	vadd.s32 v15, v22;
	_ =	sdelay $0x3  }
0x1e5: {  	s31 =	sor.u32 $0x60, s0;
	[tilespmem:v17+s19+$0x0] =	vst.idx.msk vm0, v16  }
0x1e6: {  	v16 =	vmov s31;
	v17 =	vld.idx.msk [tilespmem:v18+s13+$0x0], vm0;
	v18 =	vor.u32 $0x100, v23  }
0x1e7: {  	v19 =	vadd.s32 v16, v22;
	_ =	sdelay $0x3  }
0x1e8: {  	s30 =	sor.u32 $0x80, s0;
	[tilespmem:v18+s19+$0x0] =	vst.idx.msk vm0, v17  }
0x1e9: {  	v17 =	vmov s30;
	v18 =	vld.idx.msk [tilespmem:v19+s13+$0x0], vm0;
	v19 =	vor.u32 $0x180, v23  }
0x1ea: {  	v20 =	vadd.s32 v17, v22;
	_ =	sdelay $0x3  }
0x1eb: {  	s31 =	sor.u32 $0xA0, s0;
	[tilespmem:v19+s19+$0x0] =	vst.idx.msk vm0, v18  }
0x1ec: {  	v18 =	vmov s31;
	v19 =	vld.idx.msk [tilespmem:v20+s13+$0x0], vm0;
	v20 =	vor.u32 $0x200, v23  }
0x1ed: {  	v24 =	vadd.s32 v18, v22;
	_ =	sdelay $0x3  }
0x1ee: {  	s30 =	sor.u32 $0xC0, s0;
	[tilespmem:v20+s19+$0x0] =	vst.idx.msk vm0, v19  }
0x1ef: {  	v62 =	vor.u32 $0x280, v23;
	v19 =	vmov s30;
	v20 =	vld.idx.msk [tilespmem:v24+s13+$0x0], vm0  }
0x1f0: {  	v25 =	vadd.s32 v19, v22;
	_ =	sdelay $0x3  }
0x1f1: {  	s0 =	sor.u32 $0xE0, s0;
	s31 =	sadd.s32 $0xF, s4;
	[tilespmem:v62+s19+$0x0] =	vst.idx.msk vm0, v20  }
0x1f2: {  	v63 =	vor.u32 $0x300, v23;
	s28 =	sand.u32 $0x3F0, s31;
	v20 =	vmov s0;
	v24 =	vld.idx.msk [tilespmem:v25+s13+$0x0], vm0  }
0x1f3: {  	p5 =	sne.s32 s28, $0x10;
	v22 =	vadd.s32 v20, v22  }
.Ltmp21:
0x1f4: {  	_ = 	snop;
	(pc) =	sbr.rel @!p5 .LBB2_28-.Ltmp21, $3  }
0x1f5: {  	_ =	sdelay $0x1  }
0x1f6: {  	[tilespmem:v63+s19+$0x0] =	vst.idx.msk vm0, v24  }
0x1f7: {  	s29 =	simm.s32 $0x10;
	v23 =	vor.u32 $0x380, v23;
	v22 =	vld.idx.msk [tilespmem:v22+s13+$0x0], vm0  }
.LBB2_27:
0x1f8: {  	_ =	sdelay $0x3  }
0x1f9: {  	s26 =	sadd.s32 $0x10, s26;
	s0 =	smov.u32 s29;
	s29 =	sadd.s32 $0x10, s29;
	[tilespmem:v23+s19+$0x0] =	vst.idx.msk vm0, v22  }
0x1fa: {  	p5 =	sne.s32 s28, s29;
	v22 =	vld [tilespmem:s26+$0x0];
	_ =	sdelay $0x4  }
0x1fb: {  	v23 =	vand.u32 $0x1FFFF, v22;
	v24 =	vshrl.u32 v22, $0x11;
	v25 =	vshrl.u32 v22, $0xE  }
0x1fc: {  	v23 =	vadd.s32 $0xFFFE7980, v23;
	v24 =	vand.u32 $0x7F, v24;
	v25 =	vand.u32 $0x3FC00, v25  }
0x1fd: {  	v26 =	vmov s0;
	v27 =	vadd.s32 v13, v23;
	v24 =	vor.u32 v24, v25  }
0x1fe: {  	vm0 =	vlt.s32 v26, v21;
	v22 =	vand.u32 $0x7F, v22;
	v25 =	vand.u32 $0xFFFFFF80, v27  }
0x1ff: {  	v22 =	vor.u32 v22, v25;
	_ =	sdelay $0x4  }
0x200: {  	v22 =	vld.idx.msk [tilespmem:v22+s13+$0x0], vm0;
	_ =	sdelay $0x1  }
0x201: {  	v25 =	vadd.s32 v14, v23;
	_ =	sdelay $0x3  }
0x202: {  	[tilespmem:v24+s19+$0x0] =	vst.idx.msk vm0, v22  }
0x203: {  	v22 =	vld.idx.msk [tilespmem:v25+s13+$0x0], vm0  }
0x204: {  	v25 =	vor.u32 $0x80, v24  }
0x205: {  	v26 =	vadd.s32 v15, v23;
	_ =	sdelay $0x3  }
0x206: {  	[tilespmem:v25+s19+$0x0] =	vst.idx.msk vm0, v22  }
0x207: {  	v22 =	vld.idx.msk [tilespmem:v26+s13+$0x0], vm0  }
0x208: {  	v25 =	vor.u32 $0x100, v24  }
0x209: {  	v26 =	vadd.s32 v16, v23;
	_ =	sdelay $0x3  }
0x20a: {  	[tilespmem:v25+s19+$0x0] =	vst.idx.msk vm0, v22  }
0x20b: {  	v22 =	vld.idx.msk [tilespmem:v26+s13+$0x0], vm0  }
0x20c: {  	v25 =	vor.u32 $0x180, v24  }
0x20d: {  	v26 =	vadd.s32 v17, v23;
	_ =	sdelay $0x3  }
0x20e: {  	[tilespmem:v25+s19+$0x0] =	vst.idx.msk vm0, v22  }
0x20f: {  	v22 =	vld.idx.msk [tilespmem:v26+s13+$0x0], vm0  }
0x210: {  	v25 =	vor.u32 $0x200, v24  }
0x211: {  	v26 =	vadd.s32 v18, v23;
	_ =	sdelay $0x3  }
0x212: {  	[tilespmem:v25+s19+$0x0] =	vst.idx.msk vm0, v22  }
0x213: {  	v22 =	vld.idx.msk [tilespmem:v26+s13+$0x0], vm0  }
0x214: {  	v25 =	vor.u32 $0x280, v24  }
0x215: {  	v26 =	vadd.s32 v19, v23;
	_ =	sdelay $0x3  }
0x216: {  	[tilespmem:v25+s19+$0x0] =	vst.idx.msk vm0, v22  }
0x217: {  	v22 =	vld.idx.msk [tilespmem:v26+s13+$0x0], vm0  }
0x218: {  	v25 =	vor.u32 $0x300, v24  }
0x219: {  	v23 =	vadd.s32 v20, v23;
	_ =	sdelay $0x1  }
.Ltmp22:
0x21a: {  	(pc) =	sbr.rel @p5 .LBB2_27-.Ltmp22, $4  }
0x21b: {  	_ = 	snop  }
0x21c: {  	[tilespmem:v25+s19+$0x0] =	vst.idx.msk vm0, v22  }
0x21d: {  	v22 =	vld.idx.msk [tilespmem:v23+s13+$0x0], vm0  }
0x21e: {  	v23 =	vor.u32 $0x380, v24  }
.LBB2_28:
0x21f: {  	p5 =	slt.u32 s25, $0x161  }
.Ltmp23:
0x220: {  	_ = 	snop;
	(pc) =	sbr.rel @p5 .LBB2_32-.Ltmp23, $2  }
0x221: {  	_ =	sdelay $0x2  }
0x222: {  	[tilespmem:v23+s19+$0x0] =	vst.idx.msk vm0, v22  }
0x223: {  	s25 =	simm.s32 $0x8000  }
0x224: {  	v21 =	vld [tilespmem:s25+$0x0];
	_ =	sdelay $0x4  }
0x225: {  	v22 =	vadd.s32 $0xFFFE7980, v21  }
0x226: {  	v23 =	vadd.s32 v13, v22  }
0x227: {  	vm0 =	vgt.s32 v21, $0x1867F;
	v21 =	vand.u32 $0x7F, v21;
	v23 =	vand.u32 $0xFFFFFF80, v23  }
0x228: {  	v21 =	vor.u32 v21, v23  }
0x229: {  	s0 =	simm.s32 $0x0  }
0x22a: {  	v23 =	vmov s0  }
0x22b: {  	v24 =	vor.u32 s0, v0;
	v23 =	vshll.u32 v23, $0x3  }
0x22c: {  	v24 =	vand.u32 $0x7F, v24;
	v25 =	vand.u32 $0xFC00, v23  }
0x22d: {  	v25 =	vor.u32 v24, v25;
	v21 =	vld.idx.msk [tilespmem:v21+s13+$0x0], vm0  }
0x22e: {  	v26 =	vadd.s32 v14, v22;
	_ =	sdelay $0x3  }
0x22f: {  	[tilespmem:v25+s19+$0x0] =	vst.idx.msk vm0, v21  }
0x230: {  	v55 =	vor.u32 $0x80, v25;
	v21 =	vld.idx.msk [tilespmem:v26+s13+$0x0], vm0  }
0x231: {  	v27 =	vadd.s32 v15, v22;
	_ =	sdelay $0x3  }
0x232: {  	[tilespmem:v55+s19+$0x0] =	vst.idx.msk vm0, v21  }
0x233: {  	v56 =	vor.u32 $0x100, v25;
	v21 =	vld.idx.msk [tilespmem:v27+s13+$0x0], vm0  }
0x234: {  	v57 =	vadd.s32 v16, v22;
	_ =	sdelay $0x3  }
0x235: {  	[tilespmem:v56+s19+$0x0] =	vst.idx.msk vm0, v21  }
0x236: {  	v58 =	vor.u32 $0x180, v25;
	v21 =	vld.idx.msk [tilespmem:v57+s13+$0x0], vm0  }
0x237: {  	v59 =	vadd.s32 v17, v22;
	_ =	sdelay $0x3  }
0x238: {  	[tilespmem:v58+s19+$0x0] =	vst.idx.msk vm0, v21  }
0x239: {  	v60 =	vor.u32 $0x200, v25;
	v21 =	vld.idx.msk [tilespmem:v59+s13+$0x0], vm0  }
0x23a: {  	v61 =	vadd.s32 v18, v22;
	_ =	sdelay $0x3  }
0x23b: {  	[tilespmem:v60+s19+$0x0] =	vst.idx.msk vm0, v21  }
0x23c: {  	v62 =	vor.u32 $0x280, v25;
	v21 =	vld.idx.msk [tilespmem:v61+s13+$0x0], vm0  }
0x23d: {  	v63 =	vadd.s32 v19, v22;
	_ =	sdelay $0x3  }
0x23e: {  	[tilespmem:v62+s19+$0x0] =	vst.idx.msk vm0, v21  }
0x23f: {  	v25 =	vor.u32 $0x300, v25;
	v21 =	vld.idx.msk [tilespmem:v63+s13+$0x0], vm0  }
0x240: {  	v22 =	vadd.s32 v20, v22;
	_ =	sdelay $0x3  }
0x241: {  	v23 =	vor.u32 v24, v23;
	[tilespmem:v25+s19+$0x0] =	vst.idx.msk vm0, v21  }
0x242: {  	s0 =	simm.s32 $0x10;
	v21 =	vld.idx.msk [tilespmem:v22+s13+$0x0], vm0;
	v22 =	vor.u32 $0x380, v23  }
.LBB2_30:
0x243: {  	_ =	sdelay $0x2  }
0x244: {  	p5 =	sne.s32 s0, $0x1FF0  }
0x245: {  	s25 =	sadd.s32 $0x10, s25;
	s4 =	smov.u32 s0;
	s0 =	sadd.s32 $0x10, s0;
	[tilespmem:v22+s19+$0x0] =	vst.idx.msk vm0, v21  }
0x246: {  	v21 =	vld [tilespmem:s25+$0x0];
	_ =	sdelay $0x4  }
0x247: {  	v22 =	vadd.s32 $0xFFFE7980, v21  }
0x248: {  	v23 =	vadd.s32 v13, v22  }
0x249: {  	vm0 =	vgt.s32 v21, $0x1867F;
	v21 =	vand.u32 $0x7F, v21;
	v23 =	vand.u32 $0xFFFFFF80, v23  }
0x24a: {  	v21 =	vor.u32 v21, v23;
	_ =	sdelay $0x2  }
0x24b: {  	v23 =	vmov s4  }
0x24c: {  	v24 =	vor.u32 s4, v0;
	v23 =	vshll.u32 v23, $0x3  }
0x24d: {  	v24 =	vand.u32 $0x7F, v24;
	v25 =	vand.u32 $0xFC00, v23;
	v21 =	vld.idx.msk [tilespmem:v21+s13+$0x0], vm0  }
0x24e: {  	v23 =	vor.u32 v24, v23;
	v25 =	vor.u32 v24, v25  }
0x24f: {  	v24 =	vadd.s32 v14, v22;
	_ =	sdelay $0x3  }
0x250: {  	[tilespmem:v25+s19+$0x0] =	vst.idx.msk vm0, v21  }
0x251: {  	v21 =	vld.idx.msk [tilespmem:v24+s13+$0x0], vm0  }
0x252: {  	v24 =	vor.u32 $0x80, v25  }
0x253: {  	v26 =	vadd.s32 v15, v22;
	_ =	sdelay $0x3  }
0x254: {  	[tilespmem:v24+s19+$0x0] =	vst.idx.msk vm0, v21  }
0x255: {  	v21 =	vld.idx.msk [tilespmem:v26+s13+$0x0], vm0  }
0x256: {  	v24 =	vor.u32 $0x100, v25  }
0x257: {  	v26 =	vadd.s32 v16, v22;
	_ =	sdelay $0x3  }
0x258: {  	[tilespmem:v24+s19+$0x0] =	vst.idx.msk vm0, v21  }
0x259: {  	v21 =	vld.idx.msk [tilespmem:v26+s13+$0x0], vm0  }
0x25a: {  	v24 =	vor.u32 $0x180, v25  }
0x25b: {  	v26 =	vadd.s32 v17, v22;
	_ =	sdelay $0x3  }
0x25c: {  	[tilespmem:v24+s19+$0x0] =	vst.idx.msk vm0, v21  }
0x25d: {  	v21 =	vld.idx.msk [tilespmem:v26+s13+$0x0], vm0  }
0x25e: {  	v24 =	vor.u32 $0x200, v25  }
0x25f: {  	v26 =	vadd.s32 v18, v22;
	_ =	sdelay $0x3  }
0x260: {  	[tilespmem:v24+s19+$0x0] =	vst.idx.msk vm0, v21  }
0x261: {  	v21 =	vld.idx.msk [tilespmem:v26+s13+$0x0], vm0  }
0x262: {  	v24 =	vor.u32 $0x280, v25  }
0x263: {  	v26 =	vadd.s32 v19, v22;
	_ =	sdelay $0x3  }
0x264: {  	[tilespmem:v24+s19+$0x0] =	vst.idx.msk vm0, v21  }
0x265: {  	v21 =	vld.idx.msk [tilespmem:v26+s13+$0x0], vm0  }
0x266: {  	v24 =	vor.u32 $0x300, v25  }
0x267: {  	v22 =	vadd.s32 v20, v22;
	_ =	sdelay $0x1  }
.Ltmp24:
0x268: {  	(pc) =	sbr.rel @p5 .LBB2_30-.Ltmp24, $4  }
0x269: {  	_ = 	snop  }
0x26a: {  	[tilespmem:v24+s19+$0x0] =	vst.idx.msk vm0, v21  }
0x26b: {  	v21 =	vld.idx.msk [tilespmem:v22+s13+$0x0], vm0  }
0x26c: {  	v22 =	vor.u32 $0x380, v23  }
0x26d: {  	_ =	sdelay $0x4  }
0x26e: {  	[tilespmem:v22+s19+$0x0] =	vst.idx.msk vm0, v21  }
.LBB2_32:
0x26f: {  	s0 =	simm.s32 $0x1  }
0x270: {  	s0 =	simm.s32 @!p4 $0x0  }
0x271: {  	s4 =	sshll.u32 s24, $0x12;
	s0 =	sshll.u32 s0, $0x11  }
0x272: {  	s0 =	sor.u32 s0, s4  }
0x273: {  	s0 =	sor.u32 s10, s0  }
0x274: {  	s0 =	sadd.s32 $0x40000, s0  }
0x275: {  	s0 =	sshrl.u32 s0, $0x3  }
0x276: {  	s0 =	sadd.s32 s2, s0  }
0x277: {  	[hbm4b:s0+s3] =	stream.linear.scatter [tilespmem:s19], [sflag:$0x2], $0x10000, $0x38;
	[tilespmem:$0x1FF80] =	vst v63  }
0x278: {  	_ =	swait.ge [sflag:s15], $0x10000  }
0x279: {  	[sflag:s15] =	ssyncset.done $0x0  }
0x27a: {  	[sflag:s15] =	ssyncadd.s32 $0xFFFF0000  }
.LBB2_33:
0x27b: {  	s23 =	sadd.s32 $0xFFFFFF98, s23  }
0x27c: {  	p4 =	sgt.u32 s23, $0x7F  }
.Ltmp25:
0x27d: {  	_ = 	snop;
	(pc) =	sbr.rel @p4 .LBB2_35-.Ltmp25, $1  }
0x27e: {  	_ =	sdelay $0x3  }
0x27f: {  	s0 =	smul.u32 $0xD0, s23;
	_ =	sdelay $0x1  }
0x280: {  	s0 =	sadd.s32 s7, s0  }
0x281: {  	[tilespmem:s20], [sflag:$0x2] =	stream.linear.gather [hbm4b:s0+s3], $0x680, $0x38;
	[tilespmem:$0x1FF80] =	vst v63  }
0x282: {  	_ =	swait.ge [sflag:s15], $0x680  }
0x283: {  	[sflag:s15] =	ssyncset.done $0x0  }
0x284: {  	[sflag:s15] =	ssyncadd.s32 $0xFFFFF980  }
0x285: {  	v13 =	vld [tilespmem:$0x1F900]  }
0x286: {  	v14 =	vld [tilespmem:$0x1F910]  }
0x287: {  	v15 =	vld [tilespmem:$0x1F920]  }
0x288: {  	v16 =	vld [tilespmem:$0x1F930]  }
0x289: {  	v17 =	vld [tilespmem:$0x1F940]  }
0x28a: {  	v25 =	vld [tilespmem:$0x1F980];
	[tilespmem:$0xA000] =	vst v13  }
0x28b: {  	v13 =	vld [tilespmem:$0x1F950];
	[tilespmem:$0xA010] =	vst v14  }
0x28c: {  	v14 =	vld [tilespmem:$0x1F960];
	[tilespmem:$0xA020] =	vst v15  }
0x28d: {  	v15 =	vld [tilespmem:$0x1F970];
	[tilespmem:$0xA030] =	vst v16  }
0x28e: {  	v26 =	vld [tilespmem:$0x1F990];
	[tilespmem:$0xA040] =	vst v17  }
0x28f: {  	v27 =	vld [tilespmem:$0x1F9D0];
	[tilespmem:$0xA080] =	vst v25  }
0x290: {  	[tilespmem:$0xA050] =	vst v13;
	v13 =	vld [tilespmem:$0x1F9A0]  }
0x291: {  	[tilespmem:$0xA060] =	vst v14;
	v14 =	vld [tilespmem:$0x1F9B0]  }
0x292: {  	[tilespmem:$0xA070] =	vst v15;
	v15 =	vld [tilespmem:$0x1F9C0]  }
0x293: {  	v28 =	vld [tilespmem:$0x1F9E0];
	[tilespmem:$0xA090] =	vst v26  }
0x294: {  	v29 =	vld [tilespmem:$0x1FA20];
	[tilespmem:$0xA0D0] =	vst v27  }
0x295: {  	[tilespmem:$0xA0A0] =	vst v13;
	v13 =	vld [tilespmem:$0x1F9F0]  }
0x296: {  	[tilespmem:$0xA0B0] =	vst v14;
	v14 =	vld [tilespmem:$0x1FA00]  }
0x297: {  	[tilespmem:$0xA0C0] =	vst v15;
	v15 =	vld [tilespmem:$0x1FA10]  }
0x298: {  	v30 =	vld [tilespmem:$0x1FA30];
	[tilespmem:$0xA0E0] =	vst v28  }
0x299: {  	v31 =	vld [tilespmem:$0x1FA70];
	[tilespmem:$0xA120] =	vst v29  }
0x29a: {  	[tilespmem:$0xA0F0] =	vst v13;
	v13 =	vld [tilespmem:$0x1FA40]  }
0x29b: {  	[tilespmem:$0xA100] =	vst v14;
	v14 =	vld [tilespmem:$0x1FA50]  }
0x29c: {  	[tilespmem:$0xA110] =	vst v15;
	v15 =	vld [tilespmem:$0x1FA60]  }
0x29d: {  	v32 =	vld [tilespmem:$0x1FA80];
	[tilespmem:$0xA130] =	vst v30  }
0x29e: {  	v33 =	vld [tilespmem:$0x1FAC0];
	[tilespmem:$0xA170] =	vst v31  }
0x29f: {  	[tilespmem:$0xA140] =	vst v13;
	v13 =	vld [tilespmem:$0x1FA90]  }
0x2a0: {  	[tilespmem:$0xA150] =	vst v14;
	v14 =	vld [tilespmem:$0x1FAA0]  }
0x2a1: {  	[tilespmem:$0xA160] =	vst v15;
	v15 =	vld [tilespmem:$0x1FAB0]  }
0x2a2: {  	v34 =	vld [tilespmem:$0x1FAD0];
	[tilespmem:$0xA180] =	vst v32  }
0x2a3: {  	v35 =	vld [tilespmem:$0x1FB10];
	[tilespmem:$0xA1C0] =	vst v33  }
0x2a4: {  	[tilespmem:$0xA190] =	vst v13;
	v13 =	vld [tilespmem:$0x1FAE0]  }
0x2a5: {  	[tilespmem:$0xA1A0] =	vst v14;
	v14 =	vld [tilespmem:$0x1FAF0]  }
0x2a6: {  	[tilespmem:$0xA1B0] =	vst v15;
	v15 =	vld [tilespmem:$0x1FB00]  }
0x2a7: {  	v36 =	vld [tilespmem:$0x1FB20];
	[tilespmem:$0xA1D0] =	vst v34  }
0x2a8: {  	v37 =	vld [tilespmem:$0x1FB60];
	[tilespmem:$0xA210] =	vst v35  }
0x2a9: {  	[tilespmem:$0xA1E0] =	vst v13;
	v13 =	vld [tilespmem:$0x1FB30]  }
0x2aa: {  	[tilespmem:$0xA1F0] =	vst v14;
	v14 =	vld [tilespmem:$0x1FB40]  }
0x2ab: {  	[tilespmem:$0xA200] =	vst v15;
	v15 =	vld [tilespmem:$0x1FB50]  }
0x2ac: {  	v38 =	vld [tilespmem:$0x1FB70];
	[tilespmem:$0xA220] =	vst v36  }
0x2ad: {  	v39 =	vld [tilespmem:$0x1FBB0];
	[tilespmem:$0xA260] =	vst v37  }
0x2ae: {  	[tilespmem:$0xA230] =	vst v13;
	v13 =	vld [tilespmem:$0x1FB80]  }
0x2af: {  	[tilespmem:$0xA240] =	vst v14;
	v14 =	vld [tilespmem:$0x1FB90]  }
0x2b0: {  	[tilespmem:$0xA250] =	vst v15;
	v15 =	vld [tilespmem:$0x1FBA0]  }
0x2b1: {  	v40 =	vld [tilespmem:$0x1FBC0];
	[tilespmem:$0xA270] =	vst v38  }
0x2b2: {  	v41 =	vld [tilespmem:$0x1FC00];
	[tilespmem:$0xA2B0] =	vst v39  }
0x2b3: {  	[tilespmem:$0xA280] =	vst v13;
	v13 =	vld [tilespmem:$0x1FBD0]  }
0x2b4: {  	[tilespmem:$0xA290] =	vst v14;
	v14 =	vld [tilespmem:$0x1FBE0]  }
0x2b5: {  	[tilespmem:$0xA2A0] =	vst v15;
	v15 =	vld [tilespmem:$0x1FBF0]  }
0x2b6: {  	v42 =	vld [tilespmem:$0x1FC10];
	[tilespmem:$0xA2C0] =	vst v40  }
0x2b7: {  	v43 =	vld [tilespmem:$0x1FC50];
	[tilespmem:$0xA300] =	vst v41  }
0x2b8: {  	[tilespmem:$0xA2D0] =	vst v13;
	v13 =	vld [tilespmem:$0x1FC20]  }
0x2b9: {  	[tilespmem:$0xA2E0] =	vst v14;
	v14 =	vld [tilespmem:$0x1FC30]  }
0x2ba: {  	[tilespmem:$0xA2F0] =	vst v15;
	v15 =	vld [tilespmem:$0x1FC40]  }
0x2bb: {  	v44 =	vld [tilespmem:$0x1FC60];
	[tilespmem:$0xA310] =	vst v42  }
0x2bc: {  	v45 =	vld [tilespmem:$0x1FCA0];
	[tilespmem:$0xA350] =	vst v43  }
0x2bd: {  	[tilespmem:$0xA320] =	vst v13;
	v13 =	vld [tilespmem:$0x1FC70]  }
0x2be: {  	[tilespmem:$0xA330] =	vst v14;
	v14 =	vld [tilespmem:$0x1FC80]  }
0x2bf: {  	[tilespmem:$0xA340] =	vst v15;
	v15 =	vld [tilespmem:$0x1FC90]  }
0x2c0: {  	v46 =	vld [tilespmem:$0x1FCB0];
	[tilespmem:$0xA360] =	vst v44  }
0x2c1: {  	v47 =	vld [tilespmem:$0x1FCF0];
	[tilespmem:$0xA3A0] =	vst v45  }
0x2c2: {  	[tilespmem:$0xA370] =	vst v13;
	v13 =	vld [tilespmem:$0x1FCC0]  }
0x2c3: {  	[tilespmem:$0xA380] =	vst v14;
	v14 =	vld [tilespmem:$0x1FCD0]  }
0x2c4: {  	[tilespmem:$0xA390] =	vst v15;
	v15 =	vld [tilespmem:$0x1FCE0]  }
0x2c5: {  	[tilespmem:$0xA3B0] =	vst v46  }
0x2c6: {  	[tilespmem:$0xA3F0] =	vst v47  }
0x2c7: {  	[tilespmem:$0xA3C0] =	vst v13  }
0x2c8: {  	s31 =	sshll.u32 s23, $0x7;
	[tilespmem:$0xA3D0] =	vst v14  }
0x2c9: {  	s4 =	sadd.s32 s2, s31;
	[tilespmem:$0xA3E0] =	vst v15  }
0x2ca: {  	[hbm4b:s4+s3] =	stream.linear.scatter [tilespmem:s19], [sflag:$0x2], $0x400, $0x38;
	[tilespmem:$0x1FF80] =	vst v63  }
0x2cb: {  	_ =	swait.ge [sflag:s15], $0x400  }
0x2cc: {  	[sflag:s15] =	ssyncset.done $0x0  }
0x2cd: {  	[sflag:s15] =	ssyncadd.s32 $0xFFFFFC00  }
0x2ce: {  	[tilespmem:$0xA280] =	vst v12  }
0x2cf: {  	[tilespmem:$0xA290] =	vst v12  }
0x2d0: {  	[tilespmem:$0xA2A0] =	vst v12  }
0x2d1: {  	[tilespmem:$0xA2B0] =	vst v12  }
0x2d2: {  	[tilespmem:$0xA2C0] =	vst v12  }
0x2d3: {  	[tilespmem:$0xA2D0] =	vst v12  }
0x2d4: {  	[tilespmem:$0xA2E0] =	vst v12  }
0x2d5: {  	[tilespmem:$0xA2F0] =	vst v12  }
0x2d6: {  	[tilespmem:$0xA300] =	vst v12  }
0x2d7: {  	[tilespmem:$0xA310] =	vst v12  }
0x2d8: {  	[tilespmem:$0xA320] =	vst v12  }
0x2d9: {  	[tilespmem:$0xA330] =	vst v12  }
0x2da: {  	[tilespmem:$0xA340] =	vst v12  }
0x2db: {  	[tilespmem:$0xA350] =	vst v12  }
0x2dc: {  	[tilespmem:$0xA360] =	vst v12  }
0x2dd: {  	[tilespmem:$0xA370] =	vst v12  }
0x2de: {  	[tilespmem:$0xA380] =	vst v12  }
0x2df: {  	[tilespmem:$0xA390] =	vst v12  }
0x2e0: {  	[tilespmem:$0xA3A0] =	vst v12  }
0x2e1: {  	v13 =	vld [tilespmem:$0x1FD00];
	[tilespmem:$0xA3B0] =	vst v12  }
0x2e2: {  	v14 =	vld [tilespmem:$0x1FD10];
	[tilespmem:$0xA3C0] =	vst v12  }
0x2e3: {  	v15 =	vld [tilespmem:$0x1FD20];
	[tilespmem:$0xA3D0] =	vst v12  }
0x2e4: {  	v48 =	vld [tilespmem:$0x1FD30];
	[tilespmem:$0xA3E0] =	vst v12  }
0x2e5: {  	v49 =	vld [tilespmem:$0x1FD40];
	[tilespmem:$0xA3F0] =	vst v12  }
0x2e6: {  	v50 =	vld [tilespmem:$0x1FD80];
	[tilespmem:$0xA000] =	vst v13  }
0x2e7: {  	v51 =	vld [tilespmem:$0x1FD90];
	[tilespmem:$0xA010] =	vst v14  }
0x2e8: {  	v13 =	vld [tilespmem:$0x1FD50];
	[tilespmem:$0xA020] =	vst v15  }
0x2e9: {  	v14 =	vld [tilespmem:$0x1FD60];
	[tilespmem:$0xA030] =	vst v48  }
0x2ea: {  	v15 =	vld [tilespmem:$0x1FD70];
	[tilespmem:$0xA040] =	vst v49  }
0x2eb: {  	v52 =	vld [tilespmem:$0x1FDD0];
	[tilespmem:$0xA080] =	vst v50  }
0x2ec: {  	v53 =	vld [tilespmem:$0x1FDE0];
	[tilespmem:$0xA090] =	vst v51  }
0x2ed: {  	[tilespmem:$0xA050] =	vst v13;
	v13 =	vld [tilespmem:$0x1FDA0]  }
0x2ee: {  	[tilespmem:$0xA060] =	vst v14;
	v14 =	vld [tilespmem:$0x1FDB0]  }
0x2ef: {  	[tilespmem:$0xA070] =	vst v15;
	v15 =	vld [tilespmem:$0x1FDC0]  }
0x2f0: {  	v54 =	vld [tilespmem:$0x1FE20];
	[tilespmem:$0xA0D0] =	vst v52  }
0x2f1: {  	v55 =	vld [tilespmem:$0x1FE30];
	[tilespmem:$0xA0E0] =	vst v53  }
0x2f2: {  	[tilespmem:$0xA0A0] =	vst v13;
	v13 =	vld [tilespmem:$0x1FDF0]  }
0x2f3: {  	[tilespmem:$0xA0B0] =	vst v14;
	v14 =	vld [tilespmem:$0x1FE00]  }
0x2f4: {  	[tilespmem:$0xA0C0] =	vst v15;
	v15 =	vld [tilespmem:$0x1FE10]  }
0x2f5: {  	v56 =	vld [tilespmem:$0x1FE70];
	[tilespmem:$0xA120] =	vst v54  }
0x2f6: {  	v57 =	vld [tilespmem:$0x1FE80];
	[tilespmem:$0xA130] =	vst v55  }
0x2f7: {  	[tilespmem:$0xA0F0] =	vst v13;
	v13 =	vld [tilespmem:$0x1FE40]  }
0x2f8: {  	[tilespmem:$0xA100] =	vst v14;
	v14 =	vld [tilespmem:$0x1FE50]  }
0x2f9: {  	[tilespmem:$0xA110] =	vst v15;
	v15 =	vld [tilespmem:$0x1FE60]  }
0x2fa: {  	v58 =	vld [tilespmem:$0x1FEC0];
	[tilespmem:$0xA170] =	vst v56  }
0x2fb: {  	v59 =	vld [tilespmem:$0x1FED0];
	[tilespmem:$0xA180] =	vst v57  }
0x2fc: {  	[tilespmem:$0xA140] =	vst v13;
	v13 =	vld [tilespmem:$0x1FE90]  }
0x2fd: {  	[tilespmem:$0xA150] =	vst v14;
	v14 =	vld [tilespmem:$0x1FEA0]  }
0x2fe: {  	[tilespmem:$0xA160] =	vst v15;
	v15 =	vld [tilespmem:$0x1FEB0]  }
0x2ff: {  	v60 =	vld [tilespmem:$0x1FF10];
	[tilespmem:$0xA1C0] =	vst v58  }
0x300: {  	v61 =	vld [tilespmem:$0x1FF20];
	[tilespmem:$0xA1D0] =	vst v59  }
0x301: {  	[tilespmem:$0xA190] =	vst v13;
	v13 =	vld [tilespmem:$0x1FEE0]  }
0x302: {  	[tilespmem:$0xA1A0] =	vst v14;
	v14 =	vld [tilespmem:$0x1FEF0]  }
0x303: {  	[tilespmem:$0xA1B0] =	vst v15;
	v15 =	vld [tilespmem:$0x1FF00]  }
0x304: {  	v62 =	vld [tilespmem:$0x1FF60];
	[tilespmem:$0xA210] =	vst v60  }
0x305: {  	v63 =	vld [tilespmem:$0x1FF70];
	[tilespmem:$0xA220] =	vst v61  }
0x306: {  	[tilespmem:$0xA1E0] =	vst v13;
	v13 =	vld [tilespmem:$0x1FF30]  }
0x307: {  	[tilespmem:$0xA1F0] =	vst v14;
	v14 =	vld [tilespmem:$0x1FF40]  }
0x308: {  	[tilespmem:$0xA200] =	vst v15;
	v15 =	vld [tilespmem:$0x1FF50]  }
0x309: {  	[tilespmem:$0xA260] =	vst v62  }
0x30a: {  	[tilespmem:$0xA270] =	vst v63  }
0x30b: {  	[tilespmem:$0xA230] =	vst v13  }
0x30c: {  	[tilespmem:$0xA240] =	vst v14  }
.Ltmp26:
0x30d: {  	s0 =	sadd.s32 s31, s11;
	[tilespmem:$0xA250] =	vst v15;
	(pc) =	sbr.rel .LBB2_35-.Ltmp26, $4  }
0x30e: {  	[hbm4b:s0+s3] =	stream.linear.scatter [tilespmem:s19], [sflag:$0x1], $0x400, $0x38;
	[tilespmem:$0x1FF80] =	vst v63  }
0x30f: {  	_ =	swait.ge [sflag:s14], $0x400  }
0x310: {  	[sflag:s14] =	ssyncset.done $0x0  }
0x311: {  	[sflag:s14] =	ssyncadd.s32 $0xFFFFFC00  }
.LBB2_16:
.Ltmp27:
0x312: {  	(pc) =	sbr.rel .LBB2_21-.Ltmp27, $2  }
0x313: {  	_ =	sdelay $0x2  }
0x314: {  	_ = 	snop  }
.LBB2_18:
.Ltmp28:
0x315: {  	(pc) =	sbr.rel .LBB2_21-.Ltmp28, $2  }
0x316: {  	_ =	sdelay $0x2  }
0x317: {  	s0 =	simm.s32 $0x10  }
.LBB2_37:
0x318: {  	_ =	sfence.sel $0x180000  }
0x319: {  	[bflag:$0x0] =	sbarrier.arrive $0xFFFF  }
0x31a: {  	_ =	strace $0x90000047  }
0x31b: {  	s0 =	stileid.u32;
	[bflag:$0x2] =	sbarrier.arrive $0xFFFF  }
0x31c: {  	p0 =	sne.s32 s0, $0x0;
	s0 =	rddreg [dreg:$0x3]  }
0x31d: {  	s0 =	sadd.s32 @!p0 $0x100000, s0  }
0x31e: {  	[sflag:s0] =	ssyncadd.tile.s32 @!p0 $0x1;
	_ =	shalt  }
.Lfunc_end2:
_tile_overlayer_lowered:
.L_overlay_start_2:
0x31f: {  	(tag) =	ssettag $0x2  }
0x320: {  	s0 =	rddreg [dreg:$0x0];
	s2 =	stileid.u32  }
0x321: {  	s1 =	rddreg [dreg:$0x1];
	p0 =	sne.s32 s2, $0x0  }
0x322: {  	s3 =	rddreg [dreg:$0x2];
	[bflag:$0x3] =	sbarrier.arrive $0xFFFF;
	s2 =	simm.s32 @!p0 $0x1C01  }
0x323: {  	[timem:s3], [sflag:s2] =	dma.local @!p0 [hbm:s0], s1  }
0x324: {  	s0 =	simm.s32 @!p0 $0x1  }
0x325: {  	_ =	swait.ge @!p0 [sflag:s0], s1  }
0x326: {  	s1 =	ssub.s32 @!p0 $0x0, s1;
	[sflag:s0] =	ssyncset.done @!p0 $0x0  }
0x327: {  	[sflag:s0] =	ssyncadd.s32 @!p0 s1  }
0x328: {  	[bflag:$0x3] =	sbarrier.arrive $0xFFFF  }
0x329: {  	_ =	shalt  }

</sc_bundles>
